<compile_context>
chip_gen: v7x
topology: tpu7x:2x2x1
jax: 0.10.2.dev20260603
libtpu: 0.0.44.dev20260713+nightly
codegen_flags: <defaults>
</compile_context>

<pallas_src>
import functools

import jax
import jax.numpy as jnp
from jax import lax
from jax.experimental import pallas as pl
from jax.experimental.pallas import tpu as pltpu
from jax.experimental.pallas import tpu_sc as plsc

F = 64
S = 2048
N_SAMPLES = 4
I = F * S
L = 16
ROWS_PER_W = 2
PIECE = 32768
NPIECE = I // PIECE
NBUF = 3

_mesh = plsc.VectorSubcoreMesh(core_axis_name="c", subcore_axis_name="s")


@functools.partial(
    pl.kernel,
    out_type=jax.ShapeDtypeStruct((F, N_SAMPLES, I), jnp.float32),
    mesh=_mesh,
    scratch_types=[
        [pltpu.VMEM((PIECE,), jnp.float32)] * NBUF,
        pltpu.VMEM((S,), jnp.float32),
        pltpu.VMEM((ROWS_PER_W, N_SAMPLES, S), jnp.float32),
        [pltpu.SemaphoreType.DMA] * NBUF,
        [pltpu.SemaphoreType.DMA] * NBUF,
        pltpu.SemaphoreType.DMA,
    ],
)
def _sc_kernel(x_hbm, out_hbm, ring_v, chunk_v, buf_v, sem_rs, sem_ws, sem_d):
    cid = lax.axis_index("c")
    sid = lax.axis_index("s")
    wid = sid * 2 + cid
    lane = lax.iota(jnp.int32, L)

    rows = [wid * ROWS_PER_W + r for r in range(ROWS_PER_W)]

    pieces = [(j, pi) for j in rows for pi in range(NPIECE)]
    reads = {}
    writes = {}

    def issue_read(i):
        j, pi = pieces[i]
        b = i % NBUF
        reads[i] = pltpu.async_copy(
            x_hbm.at[j, pl.ds(pi * PIECE, PIECE)], ring_v[b], sem_rs[b])

    def issue_writes(i):
        j, pi = pieces[i]
        b = i % NBUF
        writes[i] = [
            pltpu.async_copy(
                ring_v[b], out_hbm.at[j, p, pl.ds(pi * PIECE, PIECE)],
                sem_ws[b])
            for p in range(N_SAMPLES)
        ]

    for i in range(min(NBUF, len(pieces))):
        issue_read(i)
    reads[0].wait()
    issue_writes(0)

    def zfill(k, _):
        buf_v[0, 0, pl.ds(k * L, L)] = jnp.zeros((L,), jnp.float32)
        buf_v[0, 1, pl.ds(k * L, L)] = jnp.zeros((L,), jnp.float32)
        buf_v[0, 2, pl.ds(k * L, L)] = jnp.zeros((L,), jnp.float32)
        buf_v[0, 3, pl.ds(k * L, L)] = jnp.zeros((L,), jnp.float32)
        buf_v[1, 0, pl.ds(k * L, L)] = jnp.zeros((L,), jnp.float32)
        buf_v[1, 1, pl.ds(k * L, L)] = jnp.zeros((L,), jnp.float32)
        buf_v[1, 2, pl.ds(k * L, L)] = jnp.zeros((L,), jnp.float32)
        buf_v[1, 3, pl.ds(k * L, L)] = jnp.zeros((L,), jnp.float32)
        return 0

    lax.fori_loop(0, S // L, zfill, 0)

    for r, j in enumerate(rows):
        pltpu.sync_copy(x_hbm.at[j, pl.ds(j * S, S)], chunk_v)

        def body(i, carry):
            best, bidx = carry
            v = chunk_v[pl.ds(i * L, L)]
            upd = v > best
            best = jnp.where(upd, v, best)
            bidx = jnp.where(upd, i * L + lane, bidx)
            return best, bidx

        best, bidx = lax.fori_loop(
            0, S // L, body,
            (jnp.full((L,), -jnp.inf, jnp.float32), jnp.zeros((L,), jnp.int32)),
        )
        m = jnp.float32(-jnp.inf)
        a = jnp.int32(S)
        for l in range(L):
            vl = best[l]
            il = bidx[l]
            take = (vl > m) | ((vl == m) & (il < a))
            m = jnp.where(take, vl, m)
            a = jnp.where(take, il, a)

        for p in range(N_SAMPLES):
            q = a + p
            q = jnp.where(q >= S, q - S, q)
            blk = (q // L) * L
            buf_v[r, p, pl.ds(blk, L)] = jnp.where(
                lane == q - blk, m, jnp.float32(0.0))

    for i in range(len(pieces)):
        if i > 0:
            reads[i].wait()
            issue_writes(i)
        if i + NBUF < len(pieces):
            for c in writes[i]:
                c.wait()
            issue_read(i + NBUF)
    for i in range(len(pieces) - NBUF, len(pieces)):
        for c in writes[i]:
            c.wait()

    diag = []
    for r, j in enumerate(rows):
        for p in range(N_SAMPLES):
            diag.append(pltpu.async_copy(
                buf_v.at[r, p], out_hbm.at[j, p, pl.ds(j * S, S)], sem_d))
    for c in diag:
        c.wait()


def kernel(x):
    return _sc_kernel(x)

# --- scband reference (transcript-rebuilt; emitter-appended) ---
"""Pipeline reference for scband-piecewise-roll-sampler-68453188764099 (READ-ONLY COPY).

The authoritative reference and input builder live on the scoring server;
editing this copy changes nothing except your own understanding.
"""

import jax, jax.numpy as jnp
import numpy as np

N_SAMPLES = 4


def setup_inputs(seed: int = 0) -> dict:
    key = jax.random.key(seed)
    x = jax.random.normal(key, (64, 131072), dtype=jnp.float32)
    return {"x": x}


def _roll_topk(ff):
    # ff: [f, s]; stack rolled copies -> [f, n_samples, s]
    poses = jnp.stack([jnp.roll(ff, shift=p, axis=-1) for p in range(N_SAMPLES)], axis=1)
    # TopKActivation(1, dim=-1): keep only the top-1 element along last dim, zero the rest
    idx = jnp.argmax(poses, axis=-1, keepdims=True)  # [f, n, 1]
    mask = jnp.arange(poses.shape[-1])[None, None, :] == idx  # [f, n, s]
    return jnp.where(mask, poses, jnp.zeros_like(poses))


def reference(x):
    f, i = x.shape
    assert i % f == 0
    s = i // f
    # torch.split(x, split_size, dim=1) -> f chunks of [f, s]
    fs = [x[:, j * s:(j + 1) * s] for j in range(f)]
    fps = [_roll_topk(ff) for ff in fs]            # each [f, n, s] (rolled + top-1 masked)
    fps_id = [jnp.repeat(ff[:, None, :], N_SAMPLES, axis=1) for ff in fs]  # each [f, n, s]
    fis = []
    for j in range(f):
        # concat left identity chunks, the rolled chunk j, right identity chunks along last dim,
        # then select row j (equivalent to concatenating full [f,n,i] and taking fi[j])
        parts = []
        for jj in range(f):
            if jj == j:
                parts.append(fps[j][j])
            else:
                parts.append(fps_id[jj][j])
        fis.append(jnp.concatenate(parts, axis=-1))  # [n, i]
    poses = jnp.stack(fis, axis=0)  # [f, n, i]
    return poses

if __name__ == "__main__":
    import jax
    _d = setup_inputs()
    print(jax.jit(kernel)(*tuple(_d.values())))

</pallas_src>

<mosaic_0001>
#map = affine_map<(d0, d1) -> (0, 0)>
#map1 = affine_map<(d0, d1) -> (0, 0, 0)>
module attributes {stable_mosaic.version = 14 : i64} {
  func.func @_sc_kernel(%arg0: i32, %arg1: i32, %arg2: memref<64x131072xf32, #tpu.memory_space<hbm>>, %arg3: memref<64x4x131072xf32, #tpu.memory_space<hbm>>, %arg4: memref<32768xf32, #tpu.memory_space<vmem>>, %arg5: memref<32768xf32, #tpu.memory_space<vmem>>, %arg6: memref<32768xf32, #tpu.memory_space<vmem>>, %arg7: memref<2048xf32, #tpu.memory_space<vmem>>, %arg8: memref<2x4x2048xf32, #tpu.memory_space<vmem>>, %arg9: memref<!tpu.dma_semaphore, #tpu.memory_space<semaphore_mem>>, %arg10: memref<!tpu.dma_semaphore, #tpu.memory_space<semaphore_mem>>, %arg11: memref<!tpu.dma_semaphore, #tpu.memory_space<semaphore_mem>>, %arg12: memref<!tpu.dma_semaphore, #tpu.memory_space<semaphore_mem>>, %arg13: memref<!tpu.dma_semaphore, #tpu.memory_space<semaphore_mem>>, %arg14: memref<!tpu.dma_semaphore, #tpu.memory_space<semaphore_mem>>, %arg15: memref<!tpu.dma_semaphore, #tpu.memory_space<semaphore_mem>>) attributes {dimension_semantics = [#tpu.dimension_semantics<core_parallel>, #tpu.dimension_semantics<subcore_parallel>], iteration_bounds = array<i64: 2, 16>, scalar_prefetch = 0 : i64, scratch_operands = 12 : i64, tpu.core_type = #tpu.core_type<sc_vector_subcore>, window_params = [{transform_indices = #map}, {transform_indices = #map1}]} {
    %mul3A = arith.constant 2 : i32
    %mul3A_0 = arith.muli %arg1, %mul3A : i32
    %add3A = arith.addi %mul3A_0, %arg0 : i32
    %iota3A = tpu.iota {dimensions = array<i32: 0>} : vector<16xi32>
    %mul3A_1 = arith.constant 2 : i32
    %mul3A_2 = arith.muli %add3A, %mul3A_1 : i32
    %add3A_3 = arith.constant 0 : i32
    %add3A_4 = arith.addi %mul3A_2, %add3A_3 : i32
    %mul3A_5 = arith.constant 2 : i32
    %mul3A_6 = arith.muli %add3A, %mul3A_5 : i32
    %add3A_7 = arith.constant 1 : i32
    %add3A_8 = arith.addi %mul3A_6, %add3A_7 : i32
    %dma_start3A = arith.constant 0 : i32
    %dma_start3A_9 = tpu.memref_slice %arg2[%add3A_4, %dma_start3A] : memref<64x131072xf32, #tpu.memory_space<hbm>> -> memref<1x32768xf32, #tpu.memory_space<hbm>>
    %dma_start3A_10 = tpu.memref_squeeze %dma_start3A_9 : memref<1x32768xf32, #tpu.memory_space<hbm>> -> memref<32768xf32, #tpu.memory_space<hbm>>
    %dma_start3A_11 = arith.constant 0 : i32
    %dma_start3A_12 = tpu.memref_slice %arg2[%add3A_4, %dma_start3A_11] : memref<64x131072xf32, #tpu.memory_space<hbm>> -> memref<1x32768xf32, #tpu.memory_space<hbm>>
    %dma_start3A_13 = tpu.memref_squeeze %dma_start3A_12 : memref<1x32768xf32, #tpu.memory_space<hbm>> -> memref<32768xf32, #tpu.memory_space<hbm>>
    tpu.enqueue_dma source(%dma_start3A_13 : memref<32768xf32, #tpu.memory_space<hbm>>) target(%arg4 : memref<32768xf32, #tpu.memory_space<vmem>>) target_semaphore(%arg9 : memref<!tpu.dma_semaphore, #tpu.memory_space<semaphore_mem>>)
    %dma_start3A_14 = arith.constant 32768 : i32
    %dma_start3A_15 = tpu.memref_slice %arg2[%add3A_4, %dma_start3A_14] : memref<64x131072xf32, #tpu.memory_space<hbm>> -> memref<1x32768xf32, #tpu.memory_space<hbm>>
    %dma_start3A_16 = tpu.memref_squeeze %dma_start3A_15 : memref<1x32768xf32, #tpu.memory_space<hbm>> -> memref<32768xf32, #tpu.memory_space<hbm>>
    %dma_start3A_17 = arith.constant 32768 : i32
    %dma_start3A_18 = tpu.memref_slice %arg2[%add3A_4, %dma_start3A_17] : memref<64x131072xf32, #tpu.memory_space<hbm>> -> memref<1x32768xf32, #tpu.memory_space<hbm>>
    %dma_start3A_19 = tpu.memref_squeeze %dma_start3A_18 : memref<1x32768xf32, #tpu.memory_space<hbm>> -> memref<32768xf32, #tpu.memory_space<hbm>>
    tpu.enqueue_dma source(%dma_start3A_19 : memref<32768xf32, #tpu.memory_space<hbm>>) target(%arg5 : memref<32768xf32, #tpu.memory_space<vmem>>) target_semaphore(%arg10 : memref<!tpu.dma_semaphore, #tpu.memory_space<semaphore_mem>>)
    %dma_start3A_20 = arith.constant 65536 : i32
    %dma_start3A_21 = tpu.memref_slice %arg2[%add3A_4, %dma_start3A_20] : memref<64x131072xf32, #tpu.memory_space<hbm>> -> memref<1x32768xf32, #tpu.memory_space<hbm>>
    %dma_start3A_22 = tpu.memref_squeeze %dma_start3A_21 : memref<1x32768xf32, #tpu.memory_space<hbm>> -> memref<32768xf32, #tpu.memory_space<hbm>>
    %dma_start3A_23 = arith.constant 65536 : i32
    %dma_start3A_24 = tpu.memref_slice %arg2[%add3A_4, %dma_start3A_23] : memref<64x131072xf32, #tpu.memory_space<hbm>> -> memref<1x32768xf32, #tpu.memory_space<hbm>>
    %dma_start3A_25 = tpu.memref_squeeze %dma_start3A_24 : memref<1x32768xf32, #tpu.memory_space<hbm>> -> memref<32768xf32, #tpu.memory_space<hbm>>
    tpu.enqueue_dma source(%dma_start3A_25 : memref<32768xf32, #tpu.memory_space<hbm>>) target(%arg6 : memref<32768xf32, #tpu.memory_space<vmem>>) target_semaphore(%arg11 : memref<!tpu.dma_semaphore, #tpu.memory_space<semaphore_mem>>)
    %dma_wait3A = arith.constant 0 : i32
    %dma_wait3A_26 = tpu.memref_slice %arg2[%add3A_4, %dma_wait3A] : memref<64x131072xf32, #tpu.memory_space<hbm>> -> memref<1x32768xf32, #tpu.memory_space<hbm>>
    %dma_wait3A_27 = tpu.memref_squeeze %dma_wait3A_26 : memref<1x32768xf32, #tpu.memory_space<hbm>> -> memref<32768xf32, #tpu.memory_space<hbm>>
    %dma_wait3A_28 = arith.constant 0 : i32
    %dma_wait3A_29 = tpu.memref_slice %arg2[%add3A_4, %dma_wait3A_28] : memref<64x131072xf32, #tpu.memory_space<hbm>> -> memref<1x32768xf32, #tpu.memory_space<hbm>>
    %dma_wait3A_30 = tpu.memref_squeeze %dma_wait3A_29 : memref<1x32768xf32, #tpu.memory_space<hbm>> -> memref<32768xf32, #tpu.memory_space<hbm>>
    tpu.wait_dma2 semaphore(%arg9 : memref<!tpu.dma_semaphore, #tpu.memory_space<semaphore_mem>>) src(%dma_wait3A_30 : memref<32768xf32, #tpu.memory_space<hbm>>) dst(%arg4 : memref<32768xf32, #tpu.memory_space<vmem>>)
    %dma_start3A_31 = arith.constant 0 : i32
    %dma_start3A_32 = arith.constant 0 : i32
    %dma_start3A_33 = tpu.memref_slice %arg3[%add3A_4, %dma_start3A_31, %dma_start3A_32] : memref<64x4x131072xf32, #tpu.memory_space<hbm>> -> memref<1x1x32768xf32, #tpu.memory_space<hbm>>
    %dma_start3A_34 = tpu.memref_squeeze %dma_start3A_33 : memref<1x1x32768xf32, #tpu.memory_space<hbm>> -> memref<32768xf32, #tpu.memory_space<hbm>>
    %dma_start3A_35 = arith.constant 0 : i32
    %dma_start3A_36 = tpu.memref_slice %arg3[%add3A_4, %dma_start3A_31, %dma_start3A_35] : memref<64x4x131072xf32, #tpu.memory_space<hbm>> -> memref<1x1x32768xf32, #tpu.memory_space<hbm>>
    %dma_start3A_37 = tpu.memref_squeeze %dma_start3A_36 : memref<1x1x32768xf32, #tpu.memory_space<hbm>> -> memref<32768xf32, #tpu.memory_space<hbm>>
    tpu.enqueue_dma source(%arg4 : memref<32768xf32, #tpu.memory_space<vmem>>) target(%dma_start3A_37 : memref<32768xf32, #tpu.memory_space<hbm>>) target_semaphore(%arg12 : memref<!tpu.dma_semaphore, #tpu.memory_space<semaphore_mem>>)
    %dma_start3A_38 = arith.constant 1 : i32
    %dma_start3A_39 = arith.constant 0 : i32
    %dma_start3A_40 = tpu.memref_slice %arg3[%add3A_4, %dma_start3A_38, %dma_start3A_39] : memref<64x4x131072xf32, #tpu.memory_space<hbm>> -> memref<1x1x32768xf32, #tpu.memory_space<hbm>>
    %dma_start3A_41 = tpu.memref_squeeze %dma_start3A_40 : memref<1x1x32768xf32, #tpu.memory_space<hbm>> -> memref<32768xf32, #tpu.memory_space<hbm>>
    %dma_start3A_42 = arith.constant 0 : i32
    %dma_start3A_43 = tpu.memref_slice %arg3[%add3A_4, %dma_start3A_38, %dma_start3A_42] : memref<64x4x131072xf32, #tpu.memory_space<hbm>> -> memref<1x1x32768xf32, #tpu.memory_space<hbm>>
    %dma_start3A_44 = tpu.memref_squeeze %dma_start3A_43 : memref<1x1x32768xf32, #tpu.memory_space<hbm>> -> memref<32768xf32, #tpu.memory_space<hbm>>
    tpu.enqueue_dma source(%arg4 : memref<32768xf32, #tpu.memory_space<vmem>>) target(%dma_start3A_44 : memref<32768xf32, #tpu.memory_space<hbm>>) target_semaphore(%arg12 : memref<!tpu.dma_semaphore, #tpu.memory_space<semaphore_mem>>)
    %dma_start3A_45 = arith.constant 2 : i32
    %dma_start3A_46 = arith.constant 0 : i32
    %dma_start3A_47 = tpu.memref_slice %arg3[%add3A_4, %dma_start3A_45, %dma_start3A_46] : memref<64x4x131072xf32, #tpu.memory_space<hbm>> -> memref<1x1x32768xf32, #tpu.memory_space<hbm>>
    %dma_start3A_48 = tpu.memref_squeeze %dma_start3A_47 : memref<1x1x32768xf32, #tpu.memory_space<hbm>> -> memref<32768xf32, #tpu.memory_space<hbm>>
    %dma_start3A_49 = arith.constant 0 : i32
    %dma_start3A_50 = tpu.memref_slice %arg3[%add3A_4, %dma_start3A_45, %dma_start3A_49] : memref<64x4x131072xf32, #tpu.memory_space<hbm>> -> memref<1x1x32768xf32, #tpu.memory_space<hbm>>
    %dma_start3A_51 = tpu.memref_squeeze %dma_start3A_50 : memref<1x1x32768xf32, #tpu.memory_space<hbm>> -> memref<32768xf32, #tpu.memory_space<hbm>>
    tpu.enqueue_dma source(%arg4 : memref<32768xf32, #tpu.memory_space<vmem>>) target(%dma_start3A_51 : memref<32768xf32, #tpu.memory_space<hbm>>) target_semaphore(%arg12 : memref<!tpu.dma_semaphore, #tpu.memory_space<semaphore_mem>>)
    %dma_start3A_52 = arith.constant 3 : i32
    %dma_start3A_53 = arith.constant 0 : i32
    %dma_start3A_54 = tpu.memref_slice %arg3[%add3A_4, %dma_start3A_52, %dma_start3A_53] : memref<64x4x131072xf32, #tpu.memory_space<hbm>> -> memref<1x1x32768xf32, #tpu.memory_space<hbm>>
    %dma_start3A_55 = tpu.memref_squeeze %dma_start3A_54 : memref<1x1x32768xf32, #tpu.memory_space<hbm>> -> memref<32768xf32, #tpu.memory_space<hbm>>
    %dma_start3A_56 = arith.constant 0 : i32
    %dma_start3A_57 = tpu.memref_slice %arg3[%add3A_4, %dma_start3A_52, %dma_start3A_56] : memref<64x4x131072xf32, #tpu.memory_space<hbm>> -> memref<1x1x32768xf32, #tpu.memory_space<hbm>>
    %dma_start3A_58 = tpu.memref_squeeze %dma_start3A_57 : memref<1x1x32768xf32, #tpu.memory_space<hbm>> -> memref<32768xf32, #tpu.memory_space<hbm>>
    tpu.enqueue_dma source(%arg4 : memref<32768xf32, #tpu.memory_space<vmem>>) target(%dma_start3A_58 : memref<32768xf32, #tpu.memory_space<hbm>>) target_semaphore(%arg12 : memref<!tpu.dma_semaphore, #tpu.memory_space<semaphore_mem>>)
    %scan3A = arith.constant 0 : i32
    %scan3A_59 = arith.constant 0 : i32
    %scan3A_60 = arith.constant 128 : i32
    %scan3A_61 = arith.addi %scan3A_59, %scan3A_60 : i32
    %scan3A_62 = arith.constant 1 : i32
    %scan3A_63 = scf.for %scan3A_1534 = %scan3A_59 to %scan3A_61 step %scan3A_62 iter_args(%scan3A_1535 = %scan3A) -> (i32)  : i32 {
      %broadcast_in_dim3A_1536 = arith.constant 0.000000e+00 : f32
      %broadcast_in_dim3A_1537 = vector.broadcast %broadcast_in_dim3A_1536 : f32 to vector<16xf32>
      %mul3A_1538 = arith.constant 16 : i32
      %mul3A_1539 = arith.muli %scan3A_1534, %mul3A_1538 : i32
      %swap3A_1540 = arith.constant 0 : i32
      %swap3A_1541 = arith.constant 0 : i32
      %swap3A_1542 = arith.index_cast %swap3A_1540 : i32 to index
      %swap3A_1543 = arith.index_cast %swap3A_1541 : i32 to index
      %swap3A_1544 = arith.index_cast %mul3A_1539 : i32 to index
      %swap3A_1545 = tpu.vector_load %arg8[%swap3A_1542, %swap3A_1543, %swap3A_1544] {strides = array<i32>} : memref<2x4x2048xf32, #tpu.memory_space<vmem>>, vector<1x1x16xf32>,
      %swap3A_1546 = vector.shape_cast %swap3A_1545 : vector<1x1x16xf32> to vector<16xf32>
      %swap3A_1547 = vector.shape_cast %broadcast_in_dim3A_1537 : vector<16xf32> to vector<1x1x16xf32>
      tpu.vector_store %arg8[%swap3A_1542, %swap3A_1543, %swap3A_1544], %swap3A_1547 {strides = array<i32>} : memref<2x4x2048xf32, #tpu.memory_space<vmem>>, vector<1x1x16xf32>,
      %broadcast_in_dim3A_1548 = arith.constant 0.000000e+00 : f32
      %broadcast_in_dim3A_1549 = vector.broadcast %broadcast_in_dim3A_1548 : f32 to vector<16xf32>
      %mul3A_1550 = arith.constant 16 : i32
      %mul3A_1551 = arith.muli %scan3A_1534, %mul3A_1550 : i32
      %swap3A_1552 = arith.constant 0 : i32
      %swap3A_1553 = arith.constant 1 : i32
      %swap3A_1554 = arith.index_cast %swap3A_1552 : i32 to index
      %swap3A_1555 = arith.index_cast %swap3A_1553 : i32 to index
      %swap3A_1556 = arith.index_cast %mul3A_1551 : i32 to index
      %swap3A_1557 = tpu.vector_load %arg8[%swap3A_1554, %swap3A_1555, %swap3A_1556] {strides = array<i32>} : memref<2x4x2048xf32, #tpu.memory_space<vmem>>, vector<1x1x16xf32>,
      %swap3A_1558 = vector.shape_cast %swap3A_1557 : vector<1x1x16xf32> to vector<16xf32>
      %swap3A_1559 = vector.shape_cast %broadcast_in_dim3A_1549 : vector<16xf32> to vector<1x1x16xf32>
      tpu.vector_store %arg8[%swap3A_1554, %swap3A_1555, %swap3A_1556], %swap3A_1559 {strides = array<i32>} : memref<2x4x2048xf32, #tpu.memory_space<vmem>>, vector<1x1x16xf32>,
      %broadcast_in_dim3A_1560 = arith.constant 0.000000e+00 : f32
      %broadcast_in_dim3A_1561 = vector.broadcast %broadcast_in_dim3A_1560 : f32 to vector<16xf32>
      %mul3A_1562 = arith.constant 16 : i32
      %mul3A_1563 = arith.muli %scan3A_1534, %mul3A_1562 : i32
      %swap3A_1564 = arith.constant 0 : i32
      %swap3A_1565 = arith.constant 2 : i32
      %swap3A_1566 = arith.index_cast %swap3A_1564 : i32 to index
      %swap3A_1567 = arith.index_cast %swap3A_1565 : i32 to index
      %swap3A_1568 = arith.index_cast %mul3A_1563 : i32 to index
      %swap3A_1569 = tpu.vector_load %arg8[%swap3A_1566, %swap3A_1567, %swap3A_1568] {strides = array<i32>} : memref<2x4x2048xf32, #tpu.memory_space<vmem>>, vector<1x1x16xf32>,
      %swap3A_1570 = vector.shape_cast %swap3A_1569 : vector<1x1x16xf32> to vector<16xf32>
      %swap3A_1571 = vector.shape_cast %broadcast_in_dim3A_1561 : vector<16xf32> to vector<1x1x16xf32>
      tpu.vector_store %arg8[%swap3A_1566, %swap3A_1567, %swap3A_1568], %swap3A_1571 {strides = array<i32>} : memref<2x4x2048xf32, #tpu.memory_space<vmem>>, vector<1x1x16xf32>,
      %broadcast_in_dim3A_1572 = arith.constant 0.000000e+00 : f32
      %broadcast_in_dim3A_1573 = vector.broadcast %broadcast_in_dim3A_1572 : f32 to vector<16xf32>
      %mul3A_1574 = arith.constant 16 : i32
      %mul3A_1575 = arith.muli %scan3A_1534, %mul3A_1574 : i32
      %swap3A_1576 = arith.constant 0 : i32
      %swap3A_1577 = arith.constant 3 : i32
      %swap3A_1578 = arith.index_cast %swap3A_1576 : i32 to index
      %swap3A_1579 = arith.index_cast %swap3A_1577 : i32 to index
      %swap3A_1580 = arith.index_cast %mul3A_1575 : i32 to index
      %swap3A_1581 = tpu.vector_load %arg8[%swap3A_1578, %swap3A_1579, %swap3A_1580] {strides = array<i32>} : memref<2x4x2048xf32, #tpu.memory_space<vmem>>, vector<1x1x16xf32>,
      %swap3A_1582 = vector.shape_cast %swap3A_1581 : vector<1x1x16xf32> to vector<16xf32>
      %swap3A_1583 = vector.shape_cast %broadcast_in_dim3A_1573 : vector<16xf32> to vector<1x1x16xf32>
      tpu.vector_store %arg8[%swap3A_1578, %swap3A_1579, %swap3A_1580], %swap3A_1583 {strides = array<i32>} : memref<2x4x2048xf32, #tpu.memory_space<vmem>>, vector<1x1x16xf32>,
      %broadcast_in_dim3A_1584 = arith.constant 0.000000e+00 : f32
      %broadcast_in_dim3A_1585 = vector.broadcast %broadcast_in_dim3A_1584 : f32 to vector<16xf32>
      %mul3A_1586 = arith.constant 16 : i32
      %mul3A_1587 = arith.muli %scan3A_1534, %mul3A_1586 : i32
      %swap3A_1588 = arith.constant 1 : i32
      %swap3A_1589 = arith.constant 0 : i32
      %swap3A_1590 = arith.index_cast %swap3A_1588 : i32 to index
      %swap3A_1591 = arith.index_cast %swap3A_1589 : i32 to index
      %swap3A_1592 = arith.index_cast %mul3A_1587 : i32 to index
      %swap3A_1593 = tpu.vector_load %arg8[%swap3A_1590, %swap3A_1591, %swap3A_1592] {strides = array<i32>} : memref<2x4x2048xf32, #tpu.memory_space<vmem>>, vector<1x1x16xf32>,
      %swap3A_1594 = vector.shape_cast %swap3A_1593 : vector<1x1x16xf32> to vector<16xf32>
      %swap3A_1595 = vector.shape_cast %broadcast_in_dim3A_1585 : vector<16xf32> to vector<1x1x16xf32>
      tpu.vector_store %arg8[%swap3A_1590, %swap3A_1591, %swap3A_1592], %swap3A_1595 {strides = array<i32>} : memref<2x4x2048xf32, #tpu.memory_space<vmem>>, vector<1x1x16xf32>,
      %broadcast_in_dim3A_1596 = arith.constant 0.000000e+00 : f32
      %broadcast_in_dim3A_1597 = vector.broadcast %broadcast_in_dim3A_1596 : f32 to vector<16xf32>
      %mul3A_1598 = arith.constant 16 : i32
      %mul3A_1599 = arith.muli %scan3A_1534, %mul3A_1598 : i32
      %swap3A_1600 = arith.constant 1 : i32
      %swap3A_1601 = arith.constant 1 : i32
      %swap3A_1602 = arith.index_cast %swap3A_1600 : i32 to index
      %swap3A_1603 = arith.index_cast %swap3A_1601 : i32 to index
      %swap3A_1604 = arith.index_cast %mul3A_1599 : i32 to index
      %swap3A_1605 = tpu.vector_load %arg8[%swap3A_1602, %swap3A_1603, %swap3A_1604] {strides = array<i32>} : memref<2x4x2048xf32, #tpu.memory_space<vmem>>, vector<1x1x16xf32>,
      %swap3A_1606 = vector.shape_cast %swap3A_1605 : vector<1x1x16xf32> to vector<16xf32>
      %swap3A_1607 = vector.shape_cast %broadcast_in_dim3A_1597 : vector<16xf32> to vector<1x1x16xf32>
      tpu.vector_store %arg8[%swap3A_1602, %swap3A_1603, %swap3A_1604], %swap3A_1607 {strides = array<i32>} : memref<2x4x2048xf32, #tpu.memory_space<vmem>>, vector<1x1x16xf32>,
      %broadcast_in_dim3A_1608 = arith.constant 0.000000e+00 : f32
      %broadcast_in_dim3A_1609 = vector.broadcast %broadcast_in_dim3A_1608 : f32 to vector<16xf32>
      %mul3A_1610 = arith.constant 16 : i32
      %mul3A_1611 = arith.muli %scan3A_1534, %mul3A_1610 : i32
      %swap3A_1612 = arith.constant 1 : i32
      %swap3A_1613 = arith.constant 2 : i32
      %swap3A_1614 = arith.index_cast %swap3A_1612 : i32 to index
      %swap3A_1615 = arith.index_cast %swap3A_1613 : i32 to index
      %swap3A_1616 = arith.index_cast %mul3A_1611 : i32 to index
      %swap3A_1617 = tpu.vector_load %arg8[%swap3A_1614, %swap3A_1615, %swap3A_1616] {strides = array<i32>} : memref<2x4x2048xf32, #tpu.memory_space<vmem>>, vector<1x1x16xf32>,
      %swap3A_1618 = vector.shape_cast %swap3A_1617 : vector<1x1x16xf32> to vector<16xf32>
      %swap3A_1619 = vector.shape_cast %broadcast_in_dim3A_1609 : vector<16xf32> to vector<1x1x16xf32>
      tpu.vector_store %arg8[%swap3A_1614, %swap3A_1615, %swap3A_1616], %swap3A_1619 {strides = array<i32>} : memref<2x4x2048xf32, #tpu.memory_space<vmem>>, vector<1x1x16xf32>,
      %broadcast_in_dim3A_1620 = arith.constant 0.000000e+00 : f32
      %broadcast_in_dim3A_1621 = vector.broadcast %broadcast_in_dim3A_1620 : f32 to vector<16xf32>
      %mul3A_1622 = arith.constant 16 : i32
      %mul3A_1623 = arith.muli %scan3A_1534, %mul3A_1622 : i32
      %swap3A_1624 = arith.constant 1 : i32
      %swap3A_1625 = arith.constant 3 : i32
      %swap3A_1626 = arith.index_cast %swap3A_1624 : i32 to index
      %swap3A_1627 = arith.index_cast %swap3A_1625 : i32 to index
      %swap3A_1628 = arith.index_cast %mul3A_1623 : i32 to index
      %swap3A_1629 = tpu.vector_load %arg8[%swap3A_1626, %swap3A_1627, %swap3A_1628] {strides = array<i32>} : memref<2x4x2048xf32, #tpu.memory_space<vmem>>, vector<1x1x16xf32>,
      %swap3A_1630 = vector.shape_cast %swap3A_1629 : vector<1x1x16xf32> to vector<16xf32>
      %swap3A_1631 = vector.shape_cast %broadcast_in_dim3A_1621 : vector<16xf32> to vector<1x1x16xf32>
      tpu.vector_store %arg8[%swap3A_1626, %swap3A_1627, %swap3A_1628], %swap3A_1631 {strides = array<i32>} : memref<2x4x2048xf32, #tpu.memory_space<vmem>>, vector<1x1x16xf32>,
      %scan3A_1632 = arith.constant 0 : i32
      scf.yield %scan3A_1632 : i32
    }
    %scan3A_64 = arith.constant 128 : i32
    %mul3A_65 = arith.constant 2048 : i32
    %mul3A_66 = arith.muli %add3A_4, %mul3A_65 : i32
    "tpu.region"() ({
      %run_scoped3A = tpu.sem_alloc : memref<!tpu.dma_semaphore, #tpu.memory_space<semaphore_mem>>
      %dma_start3A_1534 = tpu.memref_slice %arg2[%add3A_4, %mul3A_66] : memref<64x131072xf32, #tpu.memory_space<hbm>> -> memref<1x2048xf32, #tpu.memory_space<hbm>>
      %dma_start3A_1535 = tpu.memref_squeeze %dma_start3A_1534 : memref<1x2048xf32, #tpu.memory_space<hbm>> -> memref<2048xf32, #tpu.memory_space<hbm>>
      %dma_start3A_1536 = tpu.memref_slice %arg2[%add3A_4, %mul3A_66] : memref<64x131072xf32, #tpu.memory_space<hbm>> -> memref<1x2048xf32, #tpu.memory_space<hbm>>
      %dma_start3A_1537 = tpu.memref_squeeze %dma_start3A_1536 : memref<1x2048xf32, #tpu.memory_space<hbm>> -> memref<2048xf32, #tpu.memory_space<hbm>>
      tpu.enqueue_dma source(%dma_start3A_1537 : memref<2048xf32, #tpu.memory_space<hbm>>) target(%arg7 : memref<2048xf32, #tpu.memory_space<vmem>>) target_semaphore(%run_scoped3A : memref<!tpu.dma_semaphore, #tpu.memory_space<semaphore_mem>>)
      %dma_wait3A_1538 = tpu.memref_slice %arg2[%add3A_4, %mul3A_66] : memref<64x131072xf32, #tpu.memory_space<hbm>> -> memref<1x2048xf32, #tpu.memory_space<hbm>>
      %dma_wait3A_1539 = tpu.memref_squeeze %dma_wait3A_1538 : memref<1x2048xf32, #tpu.memory_space<hbm>> -> memref<2048xf32, #tpu.memory_space<hbm>>
      %dma_wait3A_1540 = tpu.memref_slice %arg2[%add3A_4, %mul3A_66] : memref<64x131072xf32, #tpu.memory_space<hbm>> -> memref<1x2048xf32, #tpu.memory_space<hbm>>
      %dma_wait3A_1541 = tpu.memref_squeeze %dma_wait3A_1540 : memref<1x2048xf32, #tpu.memory_space<hbm>> -> memref<2048xf32, #tpu.memory_space<hbm>>
      tpu.wait_dma2 semaphore(%run_scoped3A : memref<!tpu.dma_semaphore, #tpu.memory_space<semaphore_mem>>) src(%dma_wait3A_1541 : memref<2048xf32, #tpu.memory_space<hbm>>) dst(%arg7 : memref<2048xf32, #tpu.memory_space<vmem>>)
      tpu.yield
    }) : () -> ()
    %broadcast_in_dim3A = arith.constant 0xFF800000 : f32
    %broadcast_in_dim3A_67 = vector.broadcast %broadcast_in_dim3A : f32 to vector<16xf32>
    %broadcast_in_dim3A_68 = arith.constant 0 : i32
    %broadcast_in_dim3A_69 = vector.broadcast %broadcast_in_dim3A_68 : i32 to vector<16xi32>
    %scan3A_70 = arith.constant 0 : i32
    %scan3A_71 = arith.constant 128 : i32
    %scan3A_72 = arith.addi %scan3A_70, %scan3A_71 : i32
    %scan3A_73 = arith.constant 1 : i32
    %scan3A_74:2 = scf.for %scan3A_1534 = %scan3A_70 to %scan3A_72 step %scan3A_73 iter_args(%scan3A_1535 = %broadcast_in_dim3A_67, %scan3A_1536 = %broadcast_in_dim3A_69) -> (vector<16xf32>, vector<16xi32>)  : i32 {
      %mul3A_1537 = arith.constant 16 : i32
      %mul3A_1538 = arith.muli %scan3A_1534, %mul3A_1537 : i32
      %get3A = arith.index_cast %mul3A_1538 : i32 to index
      %get3A_1539 = tpu.vector_load %arg7[%get3A] {strides = array<i32>} : memref<2048xf32, #tpu.memory_space<vmem>>, vector<16xf32>,
      %get3A_1540 = vector.shape_cast %get3A_1539 : vector<16xf32> to vector<16xf32>
      %gt3A_1541 = arith.cmpf ogt, %get3A_1540, %scan3A_1535 : vector<16xf32>
      %select_n3A_1542 = arith.select %gt3A_1541, %get3A_1540, %scan3A_1535 : vector<16xi1>, vector<16xf32>
      %mul3A_1543 = arith.constant 16 : i32
      %mul3A_1544 = arith.muli %scan3A_1534, %mul3A_1543 : i32
      %add3A_1545 = vector.broadcast %mul3A_1544 : i32 to vector<16xi32>
      %add3A_1546 = arith.addi %add3A_1545, %iota3A : vector<16xi32>
      %select_n3A_1547 = arith.select %gt3A_1541, %add3A_1546, %scan3A_1536 : vector<16xi1>, vector<16xi32>
      scf.yield %select_n3A_1542, %select_n3A_1547 : vector<16xf32>, vector<16xi32>
    }
    %scan3A_75 = arith.constant 128 : i32
    %slice3A = vector.extract_strided_slice %scan3A_74#0 {offsets = [0], sizes = [1], strides = [1]} : vector<16xf32> to vector<1xf32>
    %squeeze3A = vector.extract %slice3A[0] : f32 from vector<1xf32>
    %slice3A_76 = vector.extract_strided_slice %scan3A_74#1 {offsets = [0], sizes = [1], strides = [1]} : vector<16xi32> to vector<1xi32>
    %squeeze3A_77 = vector.extract %slice3A_76[0] : i32 from vector<1xi32>
    %gt3A = arith.constant 0xFF800000 : f32
    %gt3A_78 = arith.cmpf ogt, %squeeze3A, %gt3A : f32
    %eq3A = arith.constant 0xFF800000 : f32
    %eq3A_79 = arith.cmpf oeq, %squeeze3A, %eq3A : f32
    %lt3A = arith.constant 2048 : i32
    %lt3A_80 = arith.cmpi slt, %squeeze3A_77, %lt3A : i32
    %and3A = arith.andi %eq3A_79, %lt3A_80 : i1
    %or3A = arith.ori %gt3A_78, %and3A : i1
    %jit3A = arith.constant 0xFF800000 : f32
    %select_n3A = arith.select %or3A, %squeeze3A, %jit3A : f32
    %jit3A_81 = arith.constant 2048 : i32
    %select_n3A_82 = arith.select %or3A, %squeeze3A_77, %jit3A_81 : i32
    %slice3A_83 = vector.extract_strided_slice %scan3A_74#0 {offsets = [1], sizes = [1], strides = [1]} : vector<16xf32> to vector<1xf32>
    %squeeze3A_84 = vector.extract %slice3A_83[0] : f32 from vector<1xf32>
    %slice3A_85 = vector.extract_strided_slice %scan3A_74#1 {offsets = [1], sizes = [1], strides = [1]} : vector<16xi32> to vector<1xi32>
    %squeeze3A_86 = vector.extract %slice3A_85[0] : i32 from vector<1xi32>
    %gt3A_87 = arith.cmpf ogt, %squeeze3A_84, %select_n3A : f32
    %eq3A_88 = arith.cmpf oeq, %squeeze3A_84, %select_n3A : f32
    %lt3A_89 = arith.cmpi slt, %squeeze3A_86, %select_n3A_82 : i32
    %and3A_90 = arith.andi %eq3A_88, %lt3A_89 : i1
    %or3A_91 = arith.ori %gt3A_87, %and3A_90 : i1
    %select_n3A_92 = arith.select %or3A_91, %squeeze3A_84, %select_n3A : f32
    %select_n3A_93 = arith.select %or3A_91, %squeeze3A_86, %select_n3A_82 : i32
    %slice3A_94 = vector.extract_strided_slice %scan3A_74#0 {offsets = [2], sizes = [1], strides = [1]} : vector<16xf32> to vector<1xf32>
    %squeeze3A_95 = vector.extract %slice3A_94[0] : f32 from vector<1xf32>
    %slice3A_96 = vector.extract_strided_slice %scan3A_74#1 {offsets = [2], sizes = [1], strides = [1]} : vector<16xi32> to vector<1xi32>
    %squeeze3A_97 = vector.extract %slice3A_96[0] : i32 from vector<1xi32>
    %gt3A_98 = arith.cmpf ogt, %squeeze3A_95, %select_n3A_92 : f32
    %eq3A_99 = arith.cmpf oeq, %squeeze3A_95, %select_n3A_92 : f32
    %lt3A_100 = arith.cmpi slt, %squeeze3A_97, %select_n3A_93 : i32
    %and3A_101 = arith.andi %eq3A_99, %lt3A_100 : i1
    %or3A_102 = arith.ori %gt3A_98, %and3A_101 : i1
    %select_n3A_103 = arith.select %or3A_102, %squeeze3A_95, %select_n3A_92 : f32
    %select_n3A_104 = arith.select %or3A_102, %squeeze3A_97, %select_n3A_93 : i32
    %slice3A_105 = vector.extract_strided_slice %scan3A_74#0 {offsets = [3], sizes = [1], strides = [1]} : vector<16xf32> to vector<1xf32>
    %squeeze3A_106 = vector.extract %slice3A_105[0] : f32 from vector<1xf32>
    %slice3A_107 = vector.extract_strided_slice %scan3A_74#1 {offsets = [3], sizes = [1], strides = [1]} : vector<16xi32> to vector<1xi32>
    %squeeze3A_108 = vector.extract %slice3A_107[0] : i32 from vector<1xi32>
    %gt3A_109 = arith.cmpf ogt, %squeeze3A_106, %select_n3A_103 : f32
    %eq3A_110 = arith.cmpf oeq, %squeeze3A_106, %select_n3A_103 : f32
    %lt3A_111 = arith.cmpi slt, %squeeze3A_108, %select_n3A_104 : i32
    %and3A_112 = arith.andi %eq3A_110, %lt3A_111 : i1
    %or3A_113 = arith.ori %gt3A_109, %and3A_112 : i1
    %select_n3A_114 = arith.select %or3A_113, %squeeze3A_106, %select_n3A_103 : f32
    %select_n3A_115 = arith.select %or3A_113, %squeeze3A_108, %select_n3A_104 : i32
    %slice3A_116 = vector.extract_strided_slice %scan3A_74#0 {offsets = [4], sizes = [1], strides = [1]} : vector<16xf32> to vector<1xf32>
    %squeeze3A_117 = vector.extract %slice3A_116[0] : f32 from vector<1xf32>
    %slice3A_118 = vector.extract_strided_slice %scan3A_74#1 {offsets = [4], sizes = [1], strides = [1]} : vector<16xi32> to vector<1xi32>
    %squeeze3A_119 = vector.extract %slice3A_118[0] : i32 from vector<1xi32>
    %gt3A_120 = arith.cmpf ogt, %squeeze3A_117, %select_n3A_114 : f32
    %eq3A_121 = arith.cmpf oeq, %squeeze3A_117, %select_n3A_114 : f32
    %lt3A_122 = arith.cmpi slt, %squeeze3A_119, %select_n3A_115 : i32
    %and3A_123 = arith.andi %eq3A_121, %lt3A_122 : i1
    %or3A_124 = arith.ori %gt3A_120, %and3A_123 : i1
    %select_n3A_125 = arith.select %or3A_124, %squeeze3A_117, %select_n3A_114 : f32
    %select_n3A_126 = arith.select %or3A_124, %squeeze3A_119, %select_n3A_115 : i32
    %slice3A_127 = vector.extract_strided_slice %scan3A_74#0 {offsets = [5], sizes = [1], strides = [1]} : vector<16xf32> to vector<1xf32>
    %squeeze3A_128 = vector.extract %slice3A_127[0] : f32 from vector<1xf32>
    %slice3A_129 = vector.extract_strided_slice %scan3A_74#1 {offsets = [5], sizes = [1], strides = [1]} : vector<16xi32> to vector<1xi32>
    %squeeze3A_130 = vector.extract %slice3A_129[0] : i32 from vector<1xi32>
    %gt3A_131 = arith.cmpf ogt, %squeeze3A_128, %select_n3A_125 : f32
    %eq3A_132 = arith.cmpf oeq, %squeeze3A_128, %select_n3A_125 : f32
    %lt3A_133 = arith.cmpi slt, %squeeze3A_130, %select_n3A_126 : i32
    %and3A_134 = arith.andi %eq3A_132, %lt3A_133 : i1
    %or3A_135 = arith.ori %gt3A_131, %and3A_134 : i1
    %select_n3A_136 = arith.select %or3A_135, %squeeze3A_128, %select_n3A_125 : f32
    %select_n3A_137 = arith.select %or3A_135, %squeeze3A_130, %select_n3A_126 : i32
    %slice3A_138 = vector.extract_strided_slice %scan3A_74#0 {offsets = [6], sizes = [1], strides = [1]} : vector<16xf32> to vector<1xf32>
    %squeeze3A_139 = vector.extract %slice3A_138[0] : f32 from vector<1xf32>
    %slice3A_140 = vector.extract_strided_slice %scan3A_74#1 {offsets = [6], sizes = [1], strides = [1]} : vector<16xi32> to vector<1xi32>
    %squeeze3A_141 = vector.extract %slice3A_140[0] : i32 from vector<1xi32>
    %gt3A_142 = arith.cmpf ogt, %squeeze3A_139, %select_n3A_136 : f32
    %eq3A_143 = arith.cmpf oeq, %squeeze3A_139, %select_n3A_136 : f32
    %lt3A_144 = arith.cmpi slt, %squeeze3A_141, %select_n3A_137 : i32
    %and3A_145 = arith.andi %eq3A_143, %lt3A_144 : i1
    %or3A_146 = arith.ori %gt3A_142, %and3A_145 : i1
    %select_n3A_147 = arith.select %or3A_146, %squeeze3A_139, %select_n3A_136 : f32
    %select_n3A_148 = arith.select %or3A_146, %squeeze3A_141, %select_n3A_137 : i32
    %slice3A_149 = vector.extract_strided_slice %scan3A_74#0 {offsets = [7], sizes = [1], strides = [1]} : vector<16xf32> to vector<1xf32>
    %squeeze3A_150 = vector.extract %slice3A_149[0] : f32 from vector<1xf32>
    %slice3A_151 = vector.extract_strided_slice %scan3A_74#1 {offsets = [7], sizes = [1], strides = [1]} : vector<16xi32> to vector<1xi32>
    %squeeze3A_152 = vector.extract %slice3A_151[0] : i32 from vector<1xi32>
    %gt3A_153 = arith.cmpf ogt, %squeeze3A_150, %select_n3A_147 : f32
    %eq3A_154 = arith.cmpf oeq, %squeeze3A_150, %select_n3A_147 : f32
    %lt3A_155 = arith.cmpi slt, %squeeze3A_152, %select_n3A_148 : i32
    %and3A_156 = arith.andi %eq3A_154, %lt3A_155 : i1
    %or3A_157 = arith.ori %gt3A_153, %and3A_156 : i1
    %select_n3A_158 = arith.select %or3A_157, %squeeze3A_150, %select_n3A_147 : f32
    %select_n3A_159 = arith.select %or3A_157, %squeeze3A_152, %select_n3A_148 : i32
    %slice3A_160 = vector.extract_strided_slice %scan3A_74#0 {offsets = [8], sizes = [1], strides = [1]} : vector<16xf32> to vector<1xf32>
    %squeeze3A_161 = vector.extract %slice3A_160[0] : f32 from vector<1xf32>
    %slice3A_162 = vector.extract_strided_slice %scan3A_74#1 {offsets = [8], sizes = [1], strides = [1]} : vector<16xi32> to vector<1xi32>
    %squeeze3A_163 = vector.extract %slice3A_162[0] : i32 from vector<1xi32>
    %gt3A_164 = arith.cmpf ogt, %squeeze3A_161, %select_n3A_158 : f32
    %eq3A_165 = arith.cmpf oeq, %squeeze3A_161, %select_n3A_158 : f32
    %lt3A_166 = arith.cmpi slt, %squeeze3A_163, %select_n3A_159 : i32
    %and3A_167 = arith.andi %eq3A_165, %lt3A_166 : i1
    %or3A_168 = arith.ori %gt3A_164, %and3A_167 : i1
    %select_n3A_169 = arith.select %or3A_168, %squeeze3A_161, %select_n3A_158 : f32
    %select_n3A_170 = arith.select %or3A_168, %squeeze3A_163, %select_n3A_159 : i32
    %slice3A_171 = vector.extract_strided_slice %scan3A_74#0 {offsets = [9], sizes = [1], strides = [1]} : vector<16xf32> to vector<1xf32>
    %squeeze3A_172 = vector.extract %slice3A_171[0] : f32 from vector<1xf32>
    %slice3A_173 = vector.extract_strided_slice %scan3A_74#1 {offsets = [9], sizes = [1], strides = [1]} : vector<16xi32> to vector<1xi32>
    %squeeze3A_174 = vector.extract %slice3A_173[0] : i32 from vector<1xi32>
    %gt3A_175 = arith.cmpf ogt, %squeeze3A_172, %select_n3A_169 : f32
    %eq3A_176 = arith.cmpf oeq, %squeeze3A_172, %select_n3A_169 : f32
    %lt3A_177 = arith.cmpi slt, %squeeze3A_174, %select_n3A_170 : i32
    %and3A_178 = arith.andi %eq3A_176, %lt3A_177 : i1
    %or3A_179 = arith.ori %gt3A_175, %and3A_178 : i1
    %select_n3A_180 = arith.select %or3A_179, %squeeze3A_172, %select_n3A_169 : f32
    %select_n3A_181 = arith.select %or3A_179, %squeeze3A_174, %select_n3A_170 : i32
    %slice3A_182 = vector.extract_strided_slice %scan3A_74#0 {offsets = [10], sizes = [1], strides = [1]} : vector<16xf32> to vector<1xf32>
    %squeeze3A_183 = vector.extract %slice3A_182[0] : f32 from vector<1xf32>
    %slice3A_184 = vector.extract_strided_slice %scan3A_74#1 {offsets = [10], sizes = [1], strides = [1]} : vector<16xi32> to vector<1xi32>
    %squeeze3A_185 = vector.extract %slice3A_184[0] : i32 from vector<1xi32>
    %gt3A_186 = arith.cmpf ogt, %squeeze3A_183, %select_n3A_180 : f32
    %eq3A_187 = arith.cmpf oeq, %squeeze3A_183, %select_n3A_180 : f32
    %lt3A_188 = arith.cmpi slt, %squeeze3A_185, %select_n3A_181 : i32
    %and3A_189 = arith.andi %eq3A_187, %lt3A_188 : i1
    %or3A_190 = arith.ori %gt3A_186, %and3A_189 : i1
    %select_n3A_191 = arith.select %or3A_190, %squeeze3A_183, %select_n3A_180 : f32
    %select_n3A_192 = arith.select %or3A_190, %squeeze3A_185, %select_n3A_181 : i32
    %slice3A_193 = vector.extract_strided_slice %scan3A_74#0 {offsets = [11], sizes = [1], strides = [1]} : vector<16xf32> to vector<1xf32>
    %squeeze3A_194 = vector.extract %slice3A_193[0] : f32 from vector<1xf32>
    %slice3A_195 = vector.extract_strided_slice %scan3A_74#1 {offsets = [11], sizes = [1], strides = [1]} : vector<16xi32> to vector<1xi32>
    %squeeze3A_196 = vector.extract %slice3A_195[0] : i32 from vector<1xi32>
    %gt3A_197 = arith.cmpf ogt, %squeeze3A_194, %select_n3A_191 : f32
    %eq3A_198 = arith.cmpf oeq, %squeeze3A_194, %select_n3A_191 : f32
    %lt3A_199 = arith.cmpi slt, %squeeze3A_196, %select_n3A_192 : i32
    %and3A_200 = arith.andi %eq3A_198, %lt3A_199 : i1
    %or3A_201 = arith.ori %gt3A_197, %and3A_200 : i1
    %select_n3A_202 = arith.select %or3A_201, %squeeze3A_194, %select_n3A_191 : f32
    %select_n3A_203 = arith.select %or3A_201, %squeeze3A_196, %select_n3A_192 : i32
    %slice3A_204 = vector.extract_strided_slice %scan3A_74#0 {offsets = [12], sizes = [1], strides = [1]} : vector<16xf32> to vector<1xf32>
    %squeeze3A_205 = vector.extract %slice3A_204[0] : f32 from vector<1xf32>
    %slice3A_206 = vector.extract_strided_slice %scan3A_74#1 {offsets = [12], sizes = [1], strides = [1]} : vector<16xi32> to vector<1xi32>
    %squeeze3A_207 = vector.extract %slice3A_206[0] : i32 from vector<1xi32>
    %gt3A_208 = arith.cmpf ogt, %squeeze3A_205, %select_n3A_202 : f32
    %eq3A_209 = arith.cmpf oeq, %squeeze3A_205, %select_n3A_202 : f32
    %lt3A_210 = arith.cmpi slt, %squeeze3A_207, %select_n3A_203 : i32
    %and3A_211 = arith.andi %eq3A_209, %lt3A_210 : i1
    %or3A_212 = arith.ori %gt3A_208, %and3A_211 : i1
    %select_n3A_213 = arith.select %or3A_212, %squeeze3A_205, %select_n3A_202 : f32
    %select_n3A_214 = arith.select %or3A_212, %squeeze3A_207, %select_n3A_203 : i32
    %slice3A_215 = vector.extract_strided_slice %scan3A_74#0 {offsets = [13], sizes = [1], strides = [1]} : vector<16xf32> to vector<1xf32>
    %squeeze3A_216 = vector.extract %slice3A_215[0] : f32 from vector<1xf32>
    %slice3A_217 = vector.extract_strided_slice %scan3A_74#1 {offsets = [13], sizes = [1], strides = [1]} : vector<16xi32> to vector<1xi32>
    %squeeze3A_218 = vector.extract %slice3A_217[0] : i32 from vector<1xi32>
    %gt3A_219 = arith.cmpf ogt, %squeeze3A_216, %select_n3A_213 : f32
    %eq3A_220 = arith.cmpf oeq, %squeeze3A_216, %select_n3A_213 : f32
    %lt3A_221 = arith.cmpi slt, %squeeze3A_218, %select_n3A_214 : i32
    %and3A_222 = arith.andi %eq3A_220, %lt3A_221 : i1
    %or3A_223 = arith.ori %gt3A_219, %and3A_222 : i1
    %select_n3A_224 = arith.select %or3A_223, %squeeze3A_216, %select_n3A_213 : f32
    %select_n3A_225 = arith.select %or3A_223, %squeeze3A_218, %select_n3A_214 : i32
    %slice3A_226 = vector.extract_strided_slice %scan3A_74#0 {offsets = [14], sizes = [1], strides = [1]} : vector<16xf32> to vector<1xf32>
    %squeeze3A_227 = vector.extract %slice3A_226[0] : f32 from vector<1xf32>
    %slice3A_228 = vector.extract_strided_slice %scan3A_74#1 {offsets = [14], sizes = [1], strides = [1]} : vector<16xi32> to vector<1xi32>
    %squeeze3A_229 = vector.extract %slice3A_228[0] : i32 from vector<1xi32>
    %gt3A_230 = arith.cmpf ogt, %squeeze3A_227, %select_n3A_224 : f32
    %eq3A_231 = arith.cmpf oeq, %squeeze3A_227, %select_n3A_224 : f32
    %lt3A_232 = arith.cmpi slt, %squeeze3A_229, %select_n3A_225 : i32
    %and3A_233 = arith.andi %eq3A_231, %lt3A_232 : i1
    %or3A_234 = arith.ori %gt3A_230, %and3A_233 : i1
    %select_n3A_235 = arith.select %or3A_234, %squeeze3A_227, %select_n3A_224 : f32
    %select_n3A_236 = arith.select %or3A_234, %squeeze3A_229, %select_n3A_225 : i32
    %slice3A_237 = vector.extract_strided_slice %scan3A_74#0 {offsets = [15], sizes = [1], strides = [1]} : vector<16xf32> to vector<1xf32>
    %squeeze3A_238 = vector.extract %slice3A_237[0] : f32 from vector<1xf32>
    %slice3A_239 = vector.extract_strided_slice %scan3A_74#1 {offsets = [15], sizes = [1], strides = [1]} : vector<16xi32> to vector<1xi32>
    %squeeze3A_240 = vector.extract %slice3A_239[0] : i32 from vector<1xi32>
    %gt3A_241 = arith.cmpf ogt, %squeeze3A_238, %select_n3A_235 : f32
    %eq3A_242 = arith.cmpf oeq, %squeeze3A_238, %select_n3A_235 : f32
    %lt3A_243 = arith.cmpi slt, %squeeze3A_240, %select_n3A_236 : i32
    %and3A_244 = arith.andi %eq3A_242, %lt3A_243 : i1
    %or3A_245 = arith.ori %gt3A_241, %and3A_244 : i1
    %select_n3A_246 = arith.select %or3A_245, %squeeze3A_238, %select_n3A_235 : f32
    %select_n3A_247 = arith.select %or3A_245, %squeeze3A_240, %select_n3A_236 : i32
    %add3A_248 = arith.constant 0 : i32
    %add3A_249 = arith.addi %select_n3A_247, %add3A_248 : i32
    %ge3A = arith.constant 2048 : i32
    %ge3A_250 = arith.cmpi sge, %add3A_249, %ge3A : i32
    %sub3A = arith.constant 2048 : i32
    %sub3A_251 = arith.subi %add3A_249, %sub3A : i32
    %select_n3A_252 = arith.select %ge3A_250, %sub3A_251, %add3A_249 : i32
    %jit3A_253 = arith.constant 16 : i32
    %div3A = arith.divsi %select_n3A_252, %jit3A_253 : i32
    %sign3A = arith.constant 0 : i32
    %sign3A_254 = arith.cmpi sgt, %select_n3A_252, %sign3A : i32
    %sign3A_255 = arith.extui %sign3A_254 : i1 to i32
    %sign3A_256 = arith.constant 0 : i32
    %sign3A_257 = arith.cmpi slt, %select_n3A_252, %sign3A_256 : i32
    %sign3A_258 = arith.extui %sign3A_257 : i1 to i32
    %sign3A_259 = arith.subi %sign3A_255, %sign3A_258 : i32
    %sign3A_260 = arith.constant 0 : i32
    %sign3A_261 = arith.cmpi sgt, %jit3A_253, %sign3A_260 : i32
    %sign3A_262 = arith.extui %sign3A_261 : i1 to i32
    %sign3A_263 = arith.constant 0 : i32
    %sign3A_264 = arith.cmpi slt, %jit3A_253, %sign3A_263 : i32
    %sign3A_265 = arith.extui %sign3A_264 : i1 to i32
    %sign3A_266 = arith.subi %sign3A_262, %sign3A_265 : i32
    %ne3A = arith.cmpi ne, %sign3A_259, %sign3A_266 : i32
    %rem3A = arith.remsi %select_n3A_252, %jit3A_253 : i32
    %ne3A_267 = arith.constant 0 : i32
    %ne3A_268 = arith.cmpi ne, %rem3A, %ne3A_267 : i32
    %and3A_269 = arith.andi %ne3A, %ne3A_268 : i1
    %sub3A_270 = arith.constant 1 : i32
    %sub3A_271 = arith.subi %div3A, %sub3A_270 : i32
    %select_n3A_272 = arith.select %and3A_269, %sub3A_271, %div3A : i32
    %mul3A_273 = arith.constant 16 : i32
    %mul3A_274 = arith.muli %select_n3A_272, %mul3A_273 : i32
    %sub3A_275 = arith.subi %select_n3A_252, %mul3A_274 : i32
    %eq3A_276 = vector.broadcast %sub3A_275 : i32 to vector<16xi32>
    %eq3A_277 = arith.cmpi eq, %iota3A, %eq3A_276 : vector<16xi32>
    %jit3A_278 = arith.constant 0.000000e+00 : f32
    %broadcast_in_dim3A_279 = vector.broadcast %select_n3A_246 : f32 to vector<16xf32>
    %broadcast_in_dim3A_280 = vector.broadcast %jit3A_278 : f32 to vector<16xf32>
    %select_n3A_281 = arith.select %eq3A_277, %broadcast_in_dim3A_279, %broadcast_in_dim3A_280 : vector<16xi1>, vector<16xf32>
    %swap3A = arith.constant 0 : i32
    %swap3A_282 = arith.constant 0 : i32
    %swap3A_283 = arith.index_cast %swap3A : i32 to index
    %swap3A_284 = arith.index_cast %swap3A_282 : i32 to index
    %swap3A_285 = arith.index_cast %mul3A_274 : i32 to index
    %swap3A_286 = tpu.vector_load %arg8[%swap3A_283, %swap3A_284, %swap3A_285] {strides = array<i32>} : memref<2x4x2048xf32, #tpu.memory_space<vmem>>, vector<1x1x16xf32>,
    %swap3A_287 = vector.shape_cast %swap3A_286 : vector<1x1x16xf32> to vector<16xf32>
    %swap3A_288 = vector.shape_cast %select_n3A_281 : vector<16xf32> to vector<1x1x16xf32>
    tpu.vector_store %arg8[%swap3A_283, %swap3A_284, %swap3A_285], %swap3A_288 {strides = array<i32>} : memref<2x4x2048xf32, #tpu.memory_space<vmem>>, vector<1x1x16xf32>,
    %add3A_289 = arith.constant 1 : i32
    %add3A_290 = arith.addi %select_n3A_247, %add3A_289 : i32
    %ge3A_291 = arith.constant 2048 : i32
    %ge3A_292 = arith.cmpi sge, %add3A_290, %ge3A_291 : i32
    %sub3A_293 = arith.constant 2048 : i32
    %sub3A_294 = arith.subi %add3A_290, %sub3A_293 : i32
    %select_n3A_295 = arith.select %ge3A_292, %sub3A_294, %add3A_290 : i32
    %jit3A_296 = arith.constant 16 : i32
    %div3A_297 = arith.divsi %select_n3A_295, %jit3A_296 : i32
    %sign3A_298 = arith.constant 0 : i32
    %sign3A_299 = arith.cmpi sgt, %select_n3A_295, %sign3A_298 : i32
    %sign3A_300 = arith.extui %sign3A_299 : i1 to i32
    %sign3A_301 = arith.constant 0 : i32
    %sign3A_302 = arith.cmpi slt, %select_n3A_295, %sign3A_301 : i32
    %sign3A_303 = arith.extui %sign3A_302 : i1 to i32
    %sign3A_304 = arith.subi %sign3A_300, %sign3A_303 : i32
    %sign3A_305 = arith.constant 0 : i32
    %sign3A_306 = arith.cmpi sgt, %jit3A_296, %sign3A_305 : i32
    %sign3A_307 = arith.extui %sign3A_306 : i1 to i32
    %sign3A_308 = arith.constant 0 : i32
    %sign3A_309 = arith.cmpi slt, %jit3A_296, %sign3A_308 : i32
    %sign3A_310 = arith.extui %sign3A_309 : i1 to i32
    %sign3A_311 = arith.subi %sign3A_307, %sign3A_310 : i32
    %ne3A_312 = arith.cmpi ne, %sign3A_304, %sign3A_311 : i32
    %rem3A_313 = arith.remsi %select_n3A_295, %jit3A_296 : i32
    %ne3A_314 = arith.constant 0 : i32
    %ne3A_315 = arith.cmpi ne, %rem3A_313, %ne3A_314 : i32
    %and3A_316 = arith.andi %ne3A_312, %ne3A_315 : i1
    %sub3A_317 = arith.constant 1 : i32
    %sub3A_318 = arith.subi %div3A_297, %sub3A_317 : i32
    %select_n3A_319 = arith.select %and3A_316, %sub3A_318, %div3A_297 : i32
    %mul3A_320 = arith.constant 16 : i32
    %mul3A_321 = arith.muli %select_n3A_319, %mul3A_320 : i32
    %sub3A_322 = arith.subi %select_n3A_295, %mul3A_321 : i32
    %eq3A_323 = vector.broadcast %sub3A_322 : i32 to vector<16xi32>
    %eq3A_324 = arith.cmpi eq, %iota3A, %eq3A_323 : vector<16xi32>
    %jit3A_325 = arith.constant 0.000000e+00 : f32
    %broadcast_in_dim3A_326 = vector.broadcast %select_n3A_246 : f32 to vector<16xf32>
    %broadcast_in_dim3A_327 = vector.broadcast %jit3A_325 : f32 to vector<16xf32>
    %select_n3A_328 = arith.select %eq3A_324, %broadcast_in_dim3A_326, %broadcast_in_dim3A_327 : vector<16xi1>, vector<16xf32>
    %swap3A_329 = arith.constant 0 : i32
    %swap3A_330 = arith.constant 1 : i32
    %swap3A_331 = arith.index_cast %swap3A_329 : i32 to index
    %swap3A_332 = arith.index_cast %swap3A_330 : i32 to index
    %swap3A_333 = arith.index_cast %mul3A_321 : i32 to index
    %swap3A_334 = tpu.vector_load %arg8[%swap3A_331, %swap3A_332, %swap3A_333] {strides = array<i32>} : memref<2x4x2048xf32, #tpu.memory_space<vmem>>, vector<1x1x16xf32>,
    %swap3A_335 = vector.shape_cast %swap3A_334 : vector<1x1x16xf32> to vector<16xf32>
    %swap3A_336 = vector.shape_cast %select_n3A_328 : vector<16xf32> to vector<1x1x16xf32>
    tpu.vector_store %arg8[%swap3A_331, %swap3A_332, %swap3A_333], %swap3A_336 {strides = array<i32>} : memref<2x4x2048xf32, #tpu.memory_space<vmem>>, vector<1x1x16xf32>,
    %add3A_337 = arith.constant 2 : i32
    %add3A_338 = arith.addi %select_n3A_247, %add3A_337 : i32
    %ge3A_339 = arith.constant 2048 : i32
    %ge3A_340 = arith.cmpi sge, %add3A_338, %ge3A_339 : i32
    %sub3A_341 = arith.constant 2048 : i32
    %sub3A_342 = arith.subi %add3A_338, %sub3A_341 : i32
    %select_n3A_343 = arith.select %ge3A_340, %sub3A_342, %add3A_338 : i32
    %jit3A_344 = arith.constant 16 : i32
    %div3A_345 = arith.divsi %select_n3A_343, %jit3A_344 : i32
    %sign3A_346 = arith.constant 0 : i32
    %sign3A_347 = arith.cmpi sgt, %select_n3A_343, %sign3A_346 : i32
    %sign3A_348 = arith.extui %sign3A_347 : i1 to i32
    %sign3A_349 = arith.constant 0 : i32
    %sign3A_350 = arith.cmpi slt, %select_n3A_343, %sign3A_349 : i32
    %sign3A_351 = arith.extui %sign3A_350 : i1 to i32
    %sign3A_352 = arith.subi %sign3A_348, %sign3A_351 : i32
    %sign3A_353 = arith.constant 0 : i32
    %sign3A_354 = arith.cmpi sgt, %jit3A_344, %sign3A_353 : i32
    %sign3A_355 = arith.extui %sign3A_354 : i1 to i32
    %sign3A_356 = arith.constant 0 : i32
    %sign3A_357 = arith.cmpi slt, %jit3A_344, %sign3A_356 : i32
    %sign3A_358 = arith.extui %sign3A_357 : i1 to i32
    %sign3A_359 = arith.subi %sign3A_355, %sign3A_358 : i32
    %ne3A_360 = arith.cmpi ne, %sign3A_352, %sign3A_359 : i32
    %rem3A_361 = arith.remsi %select_n3A_343, %jit3A_344 : i32
    %ne3A_362 = arith.constant 0 : i32
    %ne3A_363 = arith.cmpi ne, %rem3A_361, %ne3A_362 : i32
    %and3A_364 = arith.andi %ne3A_360, %ne3A_363 : i1
    %sub3A_365 = arith.constant 1 : i32
    %sub3A_366 = arith.subi %div3A_345, %sub3A_365 : i32
    %select_n3A_367 = arith.select %and3A_364, %sub3A_366, %div3A_345 : i32
    %mul3A_368 = arith.constant 16 : i32
    %mul3A_369 = arith.muli %select_n3A_367, %mul3A_368 : i32
    %sub3A_370 = arith.subi %select_n3A_343, %mul3A_369 : i32
    %eq3A_371 = vector.broadcast %sub3A_370 : i32 to vector<16xi32>
    %eq3A_372 = arith.cmpi eq, %iota3A, %eq3A_371 : vector<16xi32>
    %jit3A_373 = arith.constant 0.000000e+00 : f32
    %broadcast_in_dim3A_374 = vector.broadcast %select_n3A_246 : f32 to vector<16xf32>
    %broadcast_in_dim3A_375 = vector.broadcast %jit3A_373 : f32 to vector<16xf32>
    %select_n3A_376 = arith.select %eq3A_372, %broadcast_in_dim3A_374, %broadcast_in_dim3A_375 : vector<16xi1>, vector<16xf32>
    %swap3A_377 = arith.constant 0 : i32
    %swap3A_378 = arith.constant 2 : i32
    %swap3A_379 = arith.index_cast %swap3A_377 : i32 to index
    %swap3A_380 = arith.index_cast %swap3A_378 : i32 to index
    %swap3A_381 = arith.index_cast %mul3A_369 : i32 to index
    %swap3A_382 = tpu.vector_load %arg8[%swap3A_379, %swap3A_380, %swap3A_381] {strides = array<i32>} : memref<2x4x2048xf32, #tpu.memory_space<vmem>>, vector<1x1x16xf32>,
    %swap3A_383 = vector.shape_cast %swap3A_382 : vector<1x1x16xf32> to vector<16xf32>
    %swap3A_384 = vector.shape_cast %select_n3A_376 : vector<16xf32> to vector<1x1x16xf32>
    tpu.vector_store %arg8[%swap3A_379, %swap3A_380, %swap3A_381], %swap3A_384 {strides = array<i32>} : memref<2x4x2048xf32, #tpu.memory_space<vmem>>, vector<1x1x16xf32>,
    %add3A_385 = arith.constant 3 : i32
    %add3A_386 = arith.addi %select_n3A_247, %add3A_385 : i32
    %ge3A_387 = arith.constant 2048 : i32
    %ge3A_388 = arith.cmpi sge, %add3A_386, %ge3A_387 : i32
    %sub3A_389 = arith.constant 2048 : i32
    %sub3A_390 = arith.subi %add3A_386, %sub3A_389 : i32
    %select_n3A_391 = arith.select %ge3A_388, %sub3A_390, %add3A_386 : i32
    %jit3A_392 = arith.constant 16 : i32
    %div3A_393 = arith.divsi %select_n3A_391, %jit3A_392 : i32
    %sign3A_394 = arith.constant 0 : i32
    %sign3A_395 = arith.cmpi sgt, %select_n3A_391, %sign3A_394 : i32
    %sign3A_396 = arith.extui %sign3A_395 : i1 to i32
    %sign3A_397 = arith.constant 0 : i32
    %sign3A_398 = arith.cmpi slt, %select_n3A_391, %sign3A_397 : i32
    %sign3A_399 = arith.extui %sign3A_398 : i1 to i32
    %sign3A_400 = arith.subi %sign3A_396, %sign3A_399 : i32
    %sign3A_401 = arith.constant 0 : i32
    %sign3A_402 = arith.cmpi sgt, %jit3A_392, %sign3A_401 : i32
    %sign3A_403 = arith.extui %sign3A_402 : i1 to i32
    %sign3A_404 = arith.constant 0 : i32
    %sign3A_405 = arith.cmpi slt, %jit3A_392, %sign3A_404 : i32
    %sign3A_406 = arith.extui %sign3A_405 : i1 to i32
    %sign3A_407 = arith.subi %sign3A_403, %sign3A_406 : i32
    %ne3A_408 = arith.cmpi ne, %sign3A_400, %sign3A_407 : i32
    %rem3A_409 = arith.remsi %select_n3A_391, %jit3A_392 : i32
    %ne3A_410 = arith.constant 0 : i32
    %ne3A_411 = arith.cmpi ne, %rem3A_409, %ne3A_410 : i32
    %and3A_412 = arith.andi %ne3A_408, %ne3A_411 : i1
    %sub3A_413 = arith.constant 1 : i32
    %sub3A_414 = arith.subi %div3A_393, %sub3A_413 : i32
    %select_n3A_415 = arith.select %and3A_412, %sub3A_414, %div3A_393 : i32
    %mul3A_416 = arith.constant 16 : i32
    %mul3A_417 = arith.muli %select_n3A_415, %mul3A_416 : i32
    %sub3A_418 = arith.subi %select_n3A_391, %mul3A_417 : i32
    %eq3A_419 = vector.broadcast %sub3A_418 : i32 to vector<16xi32>
    %eq3A_420 = arith.cmpi eq, %iota3A, %eq3A_419 : vector<16xi32>
    %jit3A_421 = arith.constant 0.000000e+00 : f32
    %broadcast_in_dim3A_422 = vector.broadcast %select_n3A_246 : f32 to vector<16xf32>
    %broadcast_in_dim3A_423 = vector.broadcast %jit3A_421 : f32 to vector<16xf32>
    %select_n3A_424 = arith.select %eq3A_420, %broadcast_in_dim3A_422, %broadcast_in_dim3A_423 : vector<16xi1>, vector<16xf32>
    %swap3A_425 = arith.constant 0 : i32
    %swap3A_426 = arith.constant 3 : i32
    %swap3A_427 = arith.index_cast %swap3A_425 : i32 to index
    %swap3A_428 = arith.index_cast %swap3A_426 : i32 to index
    %swap3A_429 = arith.index_cast %mul3A_417 : i32 to index
    %swap3A_430 = tpu.vector_load %arg8[%swap3A_427, %swap3A_428, %swap3A_429] {strides = array<i32>} : memref<2x4x2048xf32, #tpu.memory_space<vmem>>, vector<1x1x16xf32>,
    %swap3A_431 = vector.shape_cast %swap3A_430 : vector<1x1x16xf32> to vector<16xf32>
    %swap3A_432 = vector.shape_cast %select_n3A_424 : vector<16xf32> to vector<1x1x16xf32>
    tpu.vector_store %arg8[%swap3A_427, %swap3A_428, %swap3A_429], %swap3A_432 {strides = array<i32>} : memref<2x4x2048xf32, #tpu.memory_space<vmem>>, vector<1x1x16xf32>,
    %mul3A_433 = arith.constant 2048 : i32
    %mul3A_434 = arith.muli %add3A_8, %mul3A_433 : i32
    "tpu.region"() ({
      %run_scoped3A = tpu.sem_alloc : memref<!tpu.dma_semaphore, #tpu.memory_space<semaphore_mem>>
      %dma_start3A_1534 = tpu.memref_slice %arg2[%add3A_8, %mul3A_434] : memref<64x131072xf32, #tpu.memory_space<hbm>> -> memref<1x2048xf32, #tpu.memory_space<hbm>>
      %dma_start3A_1535 = tpu.memref_squeeze %dma_start3A_1534 : memref<1x2048xf32, #tpu.memory_space<hbm>> -> memref<2048xf32, #tpu.memory_space<hbm>>
      %dma_start3A_1536 = tpu.memref_slice %arg2[%add3A_8, %mul3A_434] : memref<64x131072xf32, #tpu.memory_space<hbm>> -> memref<1x2048xf32, #tpu.memory_space<hbm>>
      %dma_start3A_1537 = tpu.memref_squeeze %dma_start3A_1536 : memref<1x2048xf32, #tpu.memory_space<hbm>> -> memref<2048xf32, #tpu.memory_space<hbm>>
      tpu.enqueue_dma source(%dma_start3A_1537 : memref<2048xf32, #tpu.memory_space<hbm>>) target(%arg7 : memref<2048xf32, #tpu.memory_space<vmem>>) target_semaphore(%run_scoped3A : memref<!tpu.dma_semaphore, #tpu.memory_space<semaphore_mem>>)
      %dma_wait3A_1538 = tpu.memref_slice %arg2[%add3A_8, %mul3A_434] : memref<64x131072xf32, #tpu.memory_space<hbm>> -> memref<1x2048xf32, #tpu.memory_space<hbm>>
      %dma_wait3A_1539 = tpu.memref_squeeze %dma_wait3A_1538 : memref<1x2048xf32, #tpu.memory_space<hbm>> -> memref<2048xf32, #tpu.memory_space<hbm>>
      %dma_wait3A_1540 = tpu.memref_slice %arg2[%add3A_8, %mul3A_434] : memref<64x131072xf32, #tpu.memory_space<hbm>> -> memref<1x2048xf32, #tpu.memory_space<hbm>>
      %dma_wait3A_1541 = tpu.memref_squeeze %dma_wait3A_1540 : memref<1x2048xf32, #tpu.memory_space<hbm>> -> memref<2048xf32, #tpu.memory_space<hbm>>
      tpu.wait_dma2 semaphore(%run_scoped3A : memref<!tpu.dma_semaphore, #tpu.memory_space<semaphore_mem>>) src(%dma_wait3A_1541 : memref<2048xf32, #tpu.memory_space<hbm>>) dst(%arg7 : memref<2048xf32, #tpu.memory_space<vmem>>)
      tpu.yield
    }) : () -> ()
    %broadcast_in_dim3A_435 = arith.constant 0xFF800000 : f32
    %broadcast_in_dim3A_436 = vector.broadcast %broadcast_in_dim3A_435 : f32 to vector<16xf32>
    %broadcast_in_dim3A_437 = arith.constant 0 : i32
    %broadcast_in_dim3A_438 = vector.broadcast %broadcast_in_dim3A_437 : i32 to vector<16xi32>
    %scan3A_439 = arith.constant 0 : i32
    %scan3A_440 = arith.constant 128 : i32
    %scan3A_441 = arith.addi %scan3A_439, %scan3A_440 : i32
    %scan3A_442 = arith.constant 1 : i32
    %scan3A_443:2 = scf.for %scan3A_1534 = %scan3A_439 to %scan3A_441 step %scan3A_442 iter_args(%scan3A_1535 = %broadcast_in_dim3A_436, %scan3A_1536 = %broadcast_in_dim3A_438) -> (vector<16xf32>, vector<16xi32>)  : i32 {
      %mul3A_1537 = arith.constant 16 : i32
      %mul3A_1538 = arith.muli %scan3A_1534, %mul3A_1537 : i32
      %get3A = arith.index_cast %mul3A_1538 : i32 to index
      %get3A_1539 = tpu.vector_load %arg7[%get3A] {strides = array<i32>} : memref<2048xf32, #tpu.memory_space<vmem>>, vector<16xf32>,
      %get3A_1540 = vector.shape_cast %get3A_1539 : vector<16xf32> to vector<16xf32>
      %gt3A_1541 = arith.cmpf ogt, %get3A_1540, %scan3A_1535 : vector<16xf32>
      %select_n3A_1542 = arith.select %gt3A_1541, %get3A_1540, %scan3A_1535 : vector<16xi1>, vector<16xf32>
      %mul3A_1543 = arith.constant 16 : i32
      %mul3A_1544 = arith.muli %scan3A_1534, %mul3A_1543 : i32
      %add3A_1545 = vector.broadcast %mul3A_1544 : i32 to vector<16xi32>
      %add3A_1546 = arith.addi %add3A_1545, %iota3A : vector<16xi32>
      %select_n3A_1547 = arith.select %gt3A_1541, %add3A_1546, %scan3A_1536 : vector<16xi1>, vector<16xi32>
      scf.yield %select_n3A_1542, %select_n3A_1547 : vector<16xf32>, vector<16xi32>
    }
    %scan3A_444 = arith.constant 128 : i32
    %slice3A_445 = vector.extract_strided_slice %scan3A_443#0 {offsets = [0], sizes = [1], strides = [1]} : vector<16xf32> to vector<1xf32>
    %squeeze3A_446 = vector.extract %slice3A_445[0] : f32 from vector<1xf32>
    %slice3A_447 = vector.extract_strided_slice %scan3A_443#1 {offsets = [0], sizes = [1], strides = [1]} : vector<16xi32> to vector<1xi32>
    %squeeze3A_448 = vector.extract %slice3A_447[0] : i32 from vector<1xi32>
    %gt3A_449 = arith.constant 0xFF800000 : f32
    %gt3A_450 = arith.cmpf ogt, %squeeze3A_446, %gt3A_449 : f32
    %eq3A_451 = arith.constant 0xFF800000 : f32
    %eq3A_452 = arith.cmpf oeq, %squeeze3A_446, %eq3A_451 : f32
    %lt3A_453 = arith.constant 2048 : i32
    %lt3A_454 = arith.cmpi slt, %squeeze3A_448, %lt3A_453 : i32
    %and3A_455 = arith.andi %eq3A_452, %lt3A_454 : i1
    %or3A_456 = arith.ori %gt3A_450, %and3A_455 : i1
    %jit3A_457 = arith.constant 0xFF800000 : f32
    %select_n3A_458 = arith.select %or3A_456, %squeeze3A_446, %jit3A_457 : f32
    %jit3A_459 = arith.constant 2048 : i32
    %select_n3A_460 = arith.select %or3A_456, %squeeze3A_448, %jit3A_459 : i32
    %slice3A_461 = vector.extract_strided_slice %scan3A_443#0 {offsets = [1], sizes = [1], strides = [1]} : vector<16xf32> to vector<1xf32>
    %squeeze3A_462 = vector.extract %slice3A_461[0] : f32 from vector<1xf32>
    %slice3A_463 = vector.extract_strided_slice %scan3A_443#1 {offsets = [1], sizes = [1], strides = [1]} : vector<16xi32> to vector<1xi32>
    %squeeze3A_464 = vector.extract %slice3A_463[0] : i32 from vector<1xi32>
    %gt3A_465 = arith.cmpf ogt, %squeeze3A_462, %select_n3A_458 : f32
    %eq3A_466 = arith.cmpf oeq, %squeeze3A_462, %select_n3A_458 : f32
    %lt3A_467 = arith.cmpi slt, %squeeze3A_464, %select_n3A_460 : i32
    %and3A_468 = arith.andi %eq3A_466, %lt3A_467 : i1
    %or3A_469 = arith.ori %gt3A_465, %and3A_468 : i1
    %select_n3A_470 = arith.select %or3A_469, %squeeze3A_462, %select_n3A_458 : f32
    %select_n3A_471 = arith.select %or3A_469, %squeeze3A_464, %select_n3A_460 : i32
    %slice3A_472 = vector.extract_strided_slice %scan3A_443#0 {offsets = [2], sizes = [1], strides = [1]} : vector<16xf32> to vector<1xf32>
    %squeeze3A_473 = vector.extract %slice3A_472[0] : f32 from vector<1xf32>
    %slice3A_474 = vector.extract_strided_slice %scan3A_443#1 {offsets = [2], sizes = [1], strides = [1]} : vector<16xi32> to vector<1xi32>
    %squeeze3A_475 = vector.extract %slice3A_474[0] : i32 from vector<1xi32>
    %gt3A_476 = arith.cmpf ogt, %squeeze3A_473, %select_n3A_470 : f32
    %eq3A_477 = arith.cmpf oeq, %squeeze3A_473, %select_n3A_470 : f32
    %lt3A_478 = arith.cmpi slt, %squeeze3A_475, %select_n3A_471 : i32
    %and3A_479 = arith.andi %eq3A_477, %lt3A_478 : i1
    %or3A_480 = arith.ori %gt3A_476, %and3A_479 : i1
    %select_n3A_481 = arith.select %or3A_480, %squeeze3A_473, %select_n3A_470 : f32
    %select_n3A_482 = arith.select %or3A_480, %squeeze3A_475, %select_n3A_471 : i32
    %slice3A_483 = vector.extract_strided_slice %scan3A_443#0 {offsets = [3], sizes = [1], strides = [1]} : vector<16xf32> to vector<1xf32>
    %squeeze3A_484 = vector.extract %slice3A_483[0] : f32 from vector<1xf32>
    %slice3A_485 = vector.extract_strided_slice %scan3A_443#1 {offsets = [3], sizes = [1], strides = [1]} : vector<16xi32> to vector<1xi32>
    %squeeze3A_486 = vector.extract %slice3A_485[0] : i32 from vector<1xi32>
    %gt3A_487 = arith.cmpf ogt, %squeeze3A_484, %select_n3A_481 : f32
    %eq3A_488 = arith.cmpf oeq, %squeeze3A_484, %select_n3A_481 : f32
    %lt3A_489 = arith.cmpi slt, %squeeze3A_486, %select_n3A_482 : i32
    %and3A_490 = arith.andi %eq3A_488, %lt3A_489 : i1
    %or3A_491 = arith.ori %gt3A_487, %and3A_490 : i1
    %select_n3A_492 = arith.select %or3A_491, %squeeze3A_484, %select_n3A_481 : f32
    %select_n3A_493 = arith.select %or3A_491, %squeeze3A_486, %select_n3A_482 : i32
    %slice3A_494 = vector.extract_strided_slice %scan3A_443#0 {offsets = [4], sizes = [1], strides = [1]} : vector<16xf32> to vector<1xf32>
    %squeeze3A_495 = vector.extract %slice3A_494[0] : f32 from vector<1xf32>
    %slice3A_496 = vector.extract_strided_slice %scan3A_443#1 {offsets = [4], sizes = [1], strides = [1]} : vector<16xi32> to vector<1xi32>
    %squeeze3A_497 = vector.extract %slice3A_496[0] : i32 from vector<1xi32>
    %gt3A_498 = arith.cmpf ogt, %squeeze3A_495, %select_n3A_492 : f32
    %eq3A_499 = arith.cmpf oeq, %squeeze3A_495, %select_n3A_492 : f32
    %lt3A_500 = arith.cmpi slt, %squeeze3A_497, %select_n3A_493 : i32
    %and3A_501 = arith.andi %eq3A_499, %lt3A_500 : i1
    %or3A_502 = arith.ori %gt3A_498, %and3A_501 : i1
    %select_n3A_503 = arith.select %or3A_502, %squeeze3A_495, %select_n3A_492 : f32
    %select_n3A_504 = arith.select %or3A_502, %squeeze3A_497, %select_n3A_493 : i32
    %slice3A_505 = vector.extract_strided_slice %scan3A_443#0 {offsets = [5], sizes = [1], strides = [1]} : vector<16xf32> to vector<1xf32>
    %squeeze3A_506 = vector.extract %slice3A_505[0] : f32 from vector<1xf32>
    %slice3A_507 = vector.extract_strided_slice %scan3A_443#1 {offsets = [5], sizes = [1], strides = [1]} : vector<16xi32> to vector<1xi32>
    %squeeze3A_508 = vector.extract %slice3A_507[0] : i32 from vector<1xi32>
    %gt3A_509 = arith.cmpf ogt, %squeeze3A_506, %select_n3A_503 : f32
    %eq3A_510 = arith.cmpf oeq, %squeeze3A_506, %select_n3A_503 : f32
    %lt3A_511 = arith.cmpi slt, %squeeze3A_508, %select_n3A_504 : i32
    %and3A_512 = arith.andi %eq3A_510, %lt3A_511 : i1
    %or3A_513 = arith.ori %gt3A_509, %and3A_512 : i1
    %select_n3A_514 = arith.select %or3A_513, %squeeze3A_506, %select_n3A_503 : f32
    %select_n3A_515 = arith.select %or3A_513, %squeeze3A_508, %select_n3A_504 : i32
    %slice3A_516 = vector.extract_strided_slice %scan3A_443#0 {offsets = [6], sizes = [1], strides = [1]} : vector<16xf32> to vector<1xf32>
    %squeeze3A_517 = vector.extract %slice3A_516[0] : f32 from vector<1xf32>
    %slice3A_518 = vector.extract_strided_slice %scan3A_443#1 {offsets = [6], sizes = [1], strides = [1]} : vector<16xi32> to vector<1xi32>
    %squeeze3A_519 = vector.extract %slice3A_518[0] : i32 from vector<1xi32>
    %gt3A_520 = arith.cmpf ogt, %squeeze3A_517, %select_n3A_514 : f32
    %eq3A_521 = arith.cmpf oeq, %squeeze3A_517, %select_n3A_514 : f32
    %lt3A_522 = arith.cmpi slt, %squeeze3A_519, %select_n3A_515 : i32
    %and3A_523 = arith.andi %eq3A_521, %lt3A_522 : i1
    %or3A_524 = arith.ori %gt3A_520, %and3A_523 : i1
    %select_n3A_525 = arith.select %or3A_524, %squeeze3A_517, %select_n3A_514 : f32
    %select_n3A_526 = arith.select %or3A_524, %squeeze3A_519, %select_n3A_515 : i32
    %slice3A_527 = vector.extract_strided_slice %scan3A_443#0 {offsets = [7], sizes = [1], strides = [1]} : vector<16xf32> to vector<1xf32>
    %squeeze3A_528 = vector.extract %slice3A_527[0] : f32 from vector<1xf32>
    %slice3A_529 = vector.extract_strided_slice %scan3A_443#1 {offsets = [7], sizes = [1], strides = [1]} : vector<16xi32> to vector<1xi32>
    %squeeze3A_530 = vector.extract %slice3A_529[0] : i32 from vector<1xi32>
    %gt3A_531 = arith.cmpf ogt, %squeeze3A_528, %select_n3A_525 : f32
    %eq3A_532 = arith.cmpf oeq, %squeeze3A_528, %select_n3A_525 : f32
    %lt3A_533 = arith.cmpi slt, %squeeze3A_530, %select_n3A_526 : i32
    %and3A_534 = arith.andi %eq3A_532, %lt3A_533 : i1
    %or3A_535 = arith.ori %gt3A_531, %and3A_534 : i1
    %select_n3A_536 = arith.select %or3A_535, %squeeze3A_528, %select_n3A_525 : f32
    %select_n3A_537 = arith.select %or3A_535, %squeeze3A_530, %select_n3A_526 : i32
    %slice3A_538 = vector.extract_strided_slice %scan3A_443#0 {offsets = [8], sizes = [1], strides = [1]} : vector<16xf32> to vector<1xf32>
    %squeeze3A_539 = vector.extract %slice3A_538[0] : f32 from vector<1xf32>
    %slice3A_540 = vector.extract_strided_slice %scan3A_443#1 {offsets = [8], sizes = [1], strides = [1]} : vector<16xi32> to vector<1xi32>
    %squeeze3A_541 = vector.extract %slice3A_540[0] : i32 from vector<1xi32>
    %gt3A_542 = arith.cmpf ogt, %squeeze3A_539, %select_n3A_536 : f32
    %eq3A_543 = arith.cmpf oeq, %squeeze3A_539, %select_n3A_536 : f32
    %lt3A_544 = arith.cmpi slt, %squeeze3A_541, %select_n3A_537 : i32
    %and3A_545 = arith.andi %eq3A_543, %lt3A_544 : i1
    %or3A_546 = arith.ori %gt3A_542, %and3A_545 : i1
    %select_n3A_547 = arith.select %or3A_546, %squeeze3A_539, %select_n3A_536 : f32
    %select_n3A_548 = arith.select %or3A_546, %squeeze3A_541, %select_n3A_537 : i32
    %slice3A_549 = vector.extract_strided_slice %scan3A_443#0 {offsets = [9], sizes = [1], strides = [1]} : vector<16xf32> to vector<1xf32>
    %squeeze3A_550 = vector.extract %slice3A_549[0] : f32 from vector<1xf32>
    %slice3A_551 = vector.extract_strided_slice %scan3A_443#1 {offsets = [9], sizes = [1], strides = [1]} : vector<16xi32> to vector<1xi32>
    %squeeze3A_552 = vector.extract %slice3A_551[0] : i32 from vector<1xi32>
    %gt3A_553 = arith.cmpf ogt, %squeeze3A_550, %select_n3A_547 : f32
    %eq3A_554 = arith.cmpf oeq, %squeeze3A_550, %select_n3A_547 : f32
    %lt3A_555 = arith.cmpi slt, %squeeze3A_552, %select_n3A_548 : i32
    %and3A_556 = arith.andi %eq3A_554, %lt3A_555 : i1
    %or3A_557 = arith.ori %gt3A_553, %and3A_556 : i1
    %select_n3A_558 = arith.select %or3A_557, %squeeze3A_550, %select_n3A_547 : f32
    %select_n3A_559 = arith.select %or3A_557, %squeeze3A_552, %select_n3A_548 : i32
    %slice3A_560 = vector.extract_strided_slice %scan3A_443#0 {offsets = [10], sizes = [1], strides = [1]} : vector<16xf32> to vector<1xf32>
    %squeeze3A_561 = vector.extract %slice3A_560[0] : f32 from vector<1xf32>
    %slice3A_562 = vector.extract_strided_slice %scan3A_443#1 {offsets = [10], sizes = [1], strides = [1]} : vector<16xi32> to vector<1xi32>
    %squeeze3A_563 = vector.extract %slice3A_562[0] : i32 from vector<1xi32>
    %gt3A_564 = arith.cmpf ogt, %squeeze3A_561, %select_n3A_558 : f32
    %eq3A_565 = arith.cmpf oeq, %squeeze3A_561, %select_n3A_558 : f32
    %lt3A_566 = arith.cmpi slt, %squeeze3A_563, %select_n3A_559 : i32
    %and3A_567 = arith.andi %eq3A_565, %lt3A_566 : i1
    %or3A_568 = arith.ori %gt3A_564, %and3A_567 : i1
    %select_n3A_569 = arith.select %or3A_568, %squeeze3A_561, %select_n3A_558 : f32
    %select_n3A_570 = arith.select %or3A_568, %squeeze3A_563, %select_n3A_559 : i32
    %slice3A_571 = vector.extract_strided_slice %scan3A_443#0 {offsets = [11], sizes = [1], strides = [1]} : vector<16xf32> to vector<1xf32>
    %squeeze3A_572 = vector.extract %slice3A_571[0] : f32 from vector<1xf32>
    %slice3A_573 = vector.extract_strided_slice %scan3A_443#1 {offsets = [11], sizes = [1], strides = [1]} : vector<16xi32> to vector<1xi32>
    %squeeze3A_574 = vector.extract %slice3A_573[0] : i32 from vector<1xi32>
    %gt3A_575 = arith.cmpf ogt, %squeeze3A_572, %select_n3A_569 : f32
    %eq3A_576 = arith.cmpf oeq, %squeeze3A_572, %select_n3A_569 : f32
    %lt3A_577 = arith.cmpi slt, %squeeze3A_574, %select_n3A_570 : i32
    %and3A_578 = arith.andi %eq3A_576, %lt3A_577 : i1
    %or3A_579 = arith.ori %gt3A_575, %and3A_578 : i1
    %select_n3A_580 = arith.select %or3A_579, %squeeze3A_572, %select_n3A_569 : f32
    %select_n3A_581 = arith.select %or3A_579, %squeeze3A_574, %select_n3A_570 : i32
    %slice3A_582 = vector.extract_strided_slice %scan3A_443#0 {offsets = [12], sizes = [1], strides = [1]} : vector<16xf32> to vector<1xf32>
    %squeeze3A_583 = vector.extract %slice3A_582[0] : f32 from vector<1xf32>
    %slice3A_584 = vector.extract_strided_slice %scan3A_443#1 {offsets = [12], sizes = [1], strides = [1]} : vector<16xi32> to vector<1xi32>
    %squeeze3A_585 = vector.extract %slice3A_584[0] : i32 from vector<1xi32>
    %gt3A_586 = arith.cmpf ogt, %squeeze3A_583, %select_n3A_580 : f32
    %eq3A_587 = arith.cmpf oeq, %squeeze3A_583, %select_n3A_580 : f32
    %lt3A_588 = arith.cmpi slt, %squeeze3A_585, %select_n3A_581 : i32
    %and3A_589 = arith.andi %eq3A_587, %lt3A_588 : i1
    %or3A_590 = arith.ori %gt3A_586, %and3A_589 : i1
    %select_n3A_591 = arith.select %or3A_590, %squeeze3A_583, %select_n3A_580 : f32
    %select_n3A_592 = arith.select %or3A_590, %squeeze3A_585, %select_n3A_581 : i32
    %slice3A_593 = vector.extract_strided_slice %scan3A_443#0 {offsets = [13], sizes = [1], strides = [1]} : vector<16xf32> to vector<1xf32>
    %squeeze3A_594 = vector.extract %slice3A_593[0] : f32 from vector<1xf32>
    %slice3A_595 = vector.extract_strided_slice %scan3A_443#1 {offsets = [13], sizes = [1], strides = [1]} : vector<16xi32> to vector<1xi32>
    %squeeze3A_596 = vector.extract %slice3A_595[0] : i32 from vector<1xi32>
    %gt3A_597 = arith.cmpf ogt, %squeeze3A_594, %select_n3A_591 : f32
    %eq3A_598 = arith.cmpf oeq, %squeeze3A_594, %select_n3A_591 : f32
    %lt3A_599 = arith.cmpi slt, %squeeze3A_596, %select_n3A_592 : i32
    %and3A_600 = arith.andi %eq3A_598, %lt3A_599 : i1
    %or3A_601 = arith.ori %gt3A_597, %and3A_600 : i1
    %select_n3A_602 = arith.select %or3A_601, %squeeze3A_594, %select_n3A_591 : f32
    %select_n3A_603 = arith.select %or3A_601, %squeeze3A_596, %select_n3A_592 : i32
    %slice3A_604 = vector.extract_strided_slice %scan3A_443#0 {offsets = [14], sizes = [1], strides = [1]} : vector<16xf32> to vector<1xf32>
    %squeeze3A_605 = vector.extract %slice3A_604[0] : f32 from vector<1xf32>
    %slice3A_606 = vector.extract_strided_slice %scan3A_443#1 {offsets = [14], sizes = [1], strides = [1]} : vector<16xi32> to vector<1xi32>
    %squeeze3A_607 = vector.extract %slice3A_606[0] : i32 from vector<1xi32>
    %gt3A_608 = arith.cmpf ogt, %squeeze3A_605, %select_n3A_602 : f32
    %eq3A_609 = arith.cmpf oeq, %squeeze3A_605, %select_n3A_602 : f32
    %lt3A_610 = arith.cmpi slt, %squeeze3A_607, %select_n3A_603 : i32
    %and3A_611 = arith.andi %eq3A_609, %lt3A_610 : i1
    %or3A_612 = arith.ori %gt3A_608, %and3A_611 : i1
    %select_n3A_613 = arith.select %or3A_612, %squeeze3A_605, %select_n3A_602 : f32
    %select_n3A_614 = arith.select %or3A_612, %squeeze3A_607, %select_n3A_603 : i32
    %slice3A_615 = vector.extract_strided_slice %scan3A_443#0 {offsets = [15], sizes = [1], strides = [1]} : vector<16xf32> to vector<1xf32>
    %squeeze3A_616 = vector.extract %slice3A_615[0] : f32 from vector<1xf32>
    %slice3A_617 = vector.extract_strided_slice %scan3A_443#1 {offsets = [15], sizes = [1], strides = [1]} : vector<16xi32> to vector<1xi32>
    %squeeze3A_618 = vector.extract %slice3A_617[0] : i32 from vector<1xi32>
    %gt3A_619 = arith.cmpf ogt, %squeeze3A_616, %select_n3A_613 : f32
    %eq3A_620 = arith.cmpf oeq, %squeeze3A_616, %select_n3A_613 : f32
    %lt3A_621 = arith.cmpi slt, %squeeze3A_618, %select_n3A_614 : i32
    %and3A_622 = arith.andi %eq3A_620, %lt3A_621 : i1
    %or3A_623 = arith.ori %gt3A_619, %and3A_622 : i1
    %select_n3A_624 = arith.select %or3A_623, %squeeze3A_616, %select_n3A_613 : f32
    %select_n3A_625 = arith.select %or3A_623, %squeeze3A_618, %select_n3A_614 : i32
    %add3A_626 = arith.constant 0 : i32
    %add3A_627 = arith.addi %select_n3A_625, %add3A_626 : i32
    %ge3A_628 = arith.constant 2048 : i32
    %ge3A_629 = arith.cmpi sge, %add3A_627, %ge3A_628 : i32
    %sub3A_630 = arith.constant 2048 : i32
    %sub3A_631 = arith.subi %add3A_627, %sub3A_630 : i32
    %select_n3A_632 = arith.select %ge3A_629, %sub3A_631, %add3A_627 : i32
    %jit3A_633 = arith.constant 16 : i32
    %div3A_634 = arith.divsi %select_n3A_632, %jit3A_633 : i32
    %sign3A_635 = arith.constant 0 : i32
    %sign3A_636 = arith.cmpi sgt, %select_n3A_632, %sign3A_635 : i32
    %sign3A_637 = arith.extui %sign3A_636 : i1 to i32
    %sign3A_638 = arith.constant 0 : i32
    %sign3A_639 = arith.cmpi slt, %select_n3A_632, %sign3A_638 : i32
    %sign3A_640 = arith.extui %sign3A_639 : i1 to i32
    %sign3A_641 = arith.subi %sign3A_637, %sign3A_640 : i32
    %sign3A_642 = arith.constant 0 : i32
    %sign3A_643 = arith.cmpi sgt, %jit3A_633, %sign3A_642 : i32
    %sign3A_644 = arith.extui %sign3A_643 : i1 to i32
    %sign3A_645 = arith.constant 0 : i32
    %sign3A_646 = arith.cmpi slt, %jit3A_633, %sign3A_645 : i32
    %sign3A_647 = arith.extui %sign3A_646 : i1 to i32
    %sign3A_648 = arith.subi %sign3A_644, %sign3A_647 : i32
    %ne3A_649 = arith.cmpi ne, %sign3A_641, %sign3A_648 : i32
    %rem3A_650 = arith.remsi %select_n3A_632, %jit3A_633 : i32
    %ne3A_651 = arith.constant 0 : i32
    %ne3A_652 = arith.cmpi ne, %rem3A_650, %ne3A_651 : i32
    %and3A_653 = arith.andi %ne3A_649, %ne3A_652 : i1
    %sub3A_654 = arith.constant 1 : i32
    %sub3A_655 = arith.subi %div3A_634, %sub3A_654 : i32
    %select_n3A_656 = arith.select %and3A_653, %sub3A_655, %div3A_634 : i32
    %mul3A_657 = arith.constant 16 : i32
    %mul3A_658 = arith.muli %select_n3A_656, %mul3A_657 : i32
    %sub3A_659 = arith.subi %select_n3A_632, %mul3A_658 : i32
    %eq3A_660 = vector.broadcast %sub3A_659 : i32 to vector<16xi32>
    %eq3A_661 = arith.cmpi eq, %iota3A, %eq3A_660 : vector<16xi32>
    %jit3A_662 = arith.constant 0.000000e+00 : f32
    %broadcast_in_dim3A_663 = vector.broadcast %select_n3A_624 : f32 to vector<16xf32>
    %broadcast_in_dim3A_664 = vector.broadcast %jit3A_662 : f32 to vector<16xf32>
    %select_n3A_665 = arith.select %eq3A_661, %broadcast_in_dim3A_663, %broadcast_in_dim3A_664 : vector<16xi1>, vector<16xf32>
    %swap3A_666 = arith.constant 1 : i32
    %swap3A_667 = arith.constant 0 : i32
    %swap3A_668 = arith.index_cast %swap3A_666 : i32 to index
    %swap3A_669 = arith.index_cast %swap3A_667 : i32 to index
    %swap3A_670 = arith.index_cast %mul3A_658 : i32 to index
    %swap3A_671 = tpu.vector_load %arg8[%swap3A_668, %swap3A_669, %swap3A_670] {strides = array<i32>} : memref<2x4x2048xf32, #tpu.memory_space<vmem>>, vector<1x1x16xf32>,
    %swap3A_672 = vector.shape_cast %swap3A_671 : vector<1x1x16xf32> to vector<16xf32>
    %swap3A_673 = vector.shape_cast %select_n3A_665 : vector<16xf32> to vector<1x1x16xf32>
    tpu.vector_store %arg8[%swap3A_668, %swap3A_669, %swap3A_670], %swap3A_673 {strides = array<i32>} : memref<2x4x2048xf32, #tpu.memory_space<vmem>>, vector<1x1x16xf32>,
    %add3A_674 = arith.constant 1 : i32
    %add3A_675 = arith.addi %select_n3A_625, %add3A_674 : i32
    %ge3A_676 = arith.constant 2048 : i32
    %ge3A_677 = arith.cmpi sge, %add3A_675, %ge3A_676 : i32
    %sub3A_678 = arith.constant 2048 : i32
    %sub3A_679 = arith.subi %add3A_675, %sub3A_678 : i32
    %select_n3A_680 = arith.select %ge3A_677, %sub3A_679, %add3A_675 : i32
    %jit3A_681 = arith.constant 16 : i32
    %div3A_682 = arith.divsi %select_n3A_680, %jit3A_681 : i32
    %sign3A_683 = arith.constant 0 : i32
    %sign3A_684 = arith.cmpi sgt, %select_n3A_680, %sign3A_683 : i32
    %sign3A_685 = arith.extui %sign3A_684 : i1 to i32
    %sign3A_686 = arith.constant 0 : i32
    %sign3A_687 = arith.cmpi slt, %select_n3A_680, %sign3A_686 : i32
    %sign3A_688 = arith.extui %sign3A_687 : i1 to i32
    %sign3A_689 = arith.subi %sign3A_685, %sign3A_688 : i32
    %sign3A_690 = arith.constant 0 : i32
    %sign3A_691 = arith.cmpi sgt, %jit3A_681, %sign3A_690 : i32
    %sign3A_692 = arith.extui %sign3A_691 : i1 to i32
    %sign3A_693 = arith.constant 0 : i32
    %sign3A_694 = arith.cmpi slt, %jit3A_681, %sign3A_693 : i32
    %sign3A_695 = arith.extui %sign3A_694 : i1 to i32
    %sign3A_696 = arith.subi %sign3A_692, %sign3A_695 : i32
    %ne3A_697 = arith.cmpi ne, %sign3A_689, %sign3A_696 : i32
    %rem3A_698 = arith.remsi %select_n3A_680, %jit3A_681 : i32
    %ne3A_699 = arith.constant 0 : i32
    %ne3A_700 = arith.cmpi ne, %rem3A_698, %ne3A_699 : i32
    %and3A_701 = arith.andi %ne3A_697, %ne3A_700 : i1
    %sub3A_702 = arith.constant 1 : i32
    %sub3A_703 = arith.subi %div3A_682, %sub3A_702 : i32
    %select_n3A_704 = arith.select %and3A_701, %sub3A_703, %div3A_682 : i32
    %mul3A_705 = arith.constant 16 : i32
    %mul3A_706 = arith.muli %select_n3A_704, %mul3A_705 : i32
    %sub3A_707 = arith.subi %select_n3A_680, %mul3A_706 : i32
    %eq3A_708 = vector.broadcast %sub3A_707 : i32 to vector<16xi32>
    %eq3A_709 = arith.cmpi eq, %iota3A, %eq3A_708 : vector<16xi32>
    %jit3A_710 = arith.constant 0.000000e+00 : f32
    %broadcast_in_dim3A_711 = vector.broadcast %select_n3A_624 : f32 to vector<16xf32>
    %broadcast_in_dim3A_712 = vector.broadcast %jit3A_710 : f32 to vector<16xf32>
    %select_n3A_713 = arith.select %eq3A_709, %broadcast_in_dim3A_711, %broadcast_in_dim3A_712 : vector<16xi1>, vector<16xf32>
    %swap3A_714 = arith.constant 1 : i32
    %swap3A_715 = arith.constant 1 : i32
    %swap3A_716 = arith.index_cast %swap3A_714 : i32 to index
    %swap3A_717 = arith.index_cast %swap3A_715 : i32 to index
    %swap3A_718 = arith.index_cast %mul3A_706 : i32 to index
    %swap3A_719 = tpu.vector_load %arg8[%swap3A_716, %swap3A_717, %swap3A_718] {strides = array<i32>} : memref<2x4x2048xf32, #tpu.memory_space<vmem>>, vector<1x1x16xf32>,
    %swap3A_720 = vector.shape_cast %swap3A_719 : vector<1x1x16xf32> to vector<16xf32>
    %swap3A_721 = vector.shape_cast %select_n3A_713 : vector<16xf32> to vector<1x1x16xf32>
    tpu.vector_store %arg8[%swap3A_716, %swap3A_717, %swap3A_718], %swap3A_721 {strides = array<i32>} : memref<2x4x2048xf32, #tpu.memory_space<vmem>>, vector<1x1x16xf32>,
    %add3A_722 = arith.constant 2 : i32
    %add3A_723 = arith.addi %select_n3A_625, %add3A_722 : i32
    %ge3A_724 = arith.constant 2048 : i32
    %ge3A_725 = arith.cmpi sge, %add3A_723, %ge3A_724 : i32
    %sub3A_726 = arith.constant 2048 : i32
    %sub3A_727 = arith.subi %add3A_723, %sub3A_726 : i32
    %select_n3A_728 = arith.select %ge3A_725, %sub3A_727, %add3A_723 : i32
    %jit3A_729 = arith.constant 16 : i32
    %div3A_730 = arith.divsi %select_n3A_728, %jit3A_729 : i32
    %sign3A_731 = arith.constant 0 : i32
    %sign3A_732 = arith.cmpi sgt, %select_n3A_728, %sign3A_731 : i32
    %sign3A_733 = arith.extui %sign3A_732 : i1 to i32
    %sign3A_734 = arith.constant 0 : i32
    %sign3A_735 = arith.cmpi slt, %select_n3A_728, %sign3A_734 : i32
    %sign3A_736 = arith.extui %sign3A_735 : i1 to i32
    %sign3A_737 = arith.subi %sign3A_733, %sign3A_736 : i32
    %sign3A_738 = arith.constant 0 : i32
    %sign3A_739 = arith.cmpi sgt, %jit3A_729, %sign3A_738 : i32
    %sign3A_740 = arith.extui %sign3A_739 : i1 to i32
    %sign3A_741 = arith.constant 0 : i32
    %sign3A_742 = arith.cmpi slt, %jit3A_729, %sign3A_741 : i32
    %sign3A_743 = arith.extui %sign3A_742 : i1 to i32
    %sign3A_744 = arith.subi %sign3A_740, %sign3A_743 : i32
    %ne3A_745 = arith.cmpi ne, %sign3A_737, %sign3A_744 : i32
    %rem3A_746 = arith.remsi %select_n3A_728, %jit3A_729 : i32
    %ne3A_747 = arith.constant 0 : i32
    %ne3A_748 = arith.cmpi ne, %rem3A_746, %ne3A_747 : i32
    %and3A_749 = arith.andi %ne3A_745, %ne3A_748 : i1
    %sub3A_750 = arith.constant 1 : i32
    %sub3A_751 = arith.subi %div3A_730, %sub3A_750 : i32
    %select_n3A_752 = arith.select %and3A_749, %sub3A_751, %div3A_730 : i32
    %mul3A_753 = arith.constant 16 : i32
    %mul3A_754 = arith.muli %select_n3A_752, %mul3A_753 : i32
    %sub3A_755 = arith.subi %select_n3A_728, %mul3A_754 : i32
    %eq3A_756 = vector.broadcast %sub3A_755 : i32 to vector<16xi32>
    %eq3A_757 = arith.cmpi eq, %iota3A, %eq3A_756 : vector<16xi32>
    %jit3A_758 = arith.constant 0.000000e+00 : f32
    %broadcast_in_dim3A_759 = vector.broadcast %select_n3A_624 : f32 to vector<16xf32>
    %broadcast_in_dim3A_760 = vector.broadcast %jit3A_758 : f32 to vector<16xf32>
    %select_n3A_761 = arith.select %eq3A_757, %broadcast_in_dim3A_759, %broadcast_in_dim3A_760 : vector<16xi1>, vector<16xf32>
    %swap3A_762 = arith.constant 1 : i32
    %swap3A_763 = arith.constant 2 : i32
    %swap3A_764 = arith.index_cast %swap3A_762 : i32 to index
    %swap3A_765 = arith.index_cast %swap3A_763 : i32 to index
    %swap3A_766 = arith.index_cast %mul3A_754 : i32 to index
    %swap3A_767 = tpu.vector_load %arg8[%swap3A_764, %swap3A_765, %swap3A_766] {strides = array<i32>} : memref<2x4x2048xf32, #tpu.memory_space<vmem>>, vector<1x1x16xf32>,
    %swap3A_768 = vector.shape_cast %swap3A_767 : vector<1x1x16xf32> to vector<16xf32>
    %swap3A_769 = vector.shape_cast %select_n3A_761 : vector<16xf32> to vector<1x1x16xf32>
    tpu.vector_store %arg8[%swap3A_764, %swap3A_765, %swap3A_766], %swap3A_769 {strides = array<i32>} : memref<2x4x2048xf32, #tpu.memory_space<vmem>>, vector<1x1x16xf32>,
    %add3A_770 = arith.constant 3 : i32
    %add3A_771 = arith.addi %select_n3A_625, %add3A_770 : i32
    %ge3A_772 = arith.constant 2048 : i32
    %ge3A_773 = arith.cmpi sge, %add3A_771, %ge3A_772 : i32
    %sub3A_774 = arith.constant 2048 : i32
    %sub3A_775 = arith.subi %add3A_771, %sub3A_774 : i32
    %select_n3A_776 = arith.select %ge3A_773, %sub3A_775, %add3A_771 : i32
    %jit3A_777 = arith.constant 16 : i32
    %div3A_778 = arith.divsi %select_n3A_776, %jit3A_777 : i32
    %sign3A_779 = arith.constant 0 : i32
    %sign3A_780 = arith.cmpi sgt, %select_n3A_776, %sign3A_779 : i32
    %sign3A_781 = arith.extui %sign3A_780 : i1 to i32
    %sign3A_782 = arith.constant 0 : i32
    %sign3A_783 = arith.cmpi slt, %select_n3A_776, %sign3A_782 : i32
    %sign3A_784 = arith.extui %sign3A_783 : i1 to i32
    %sign3A_785 = arith.subi %sign3A_781, %sign3A_784 : i32
    %sign3A_786 = arith.constant 0 : i32
    %sign3A_787 = arith.cmpi sgt, %jit3A_777, %sign3A_786 : i32
    %sign3A_788 = arith.extui %sign3A_787 : i1 to i32
    %sign3A_789 = arith.constant 0 : i32
    %sign3A_790 = arith.cmpi slt, %jit3A_777, %sign3A_789 : i32
    %sign3A_791 = arith.extui %sign3A_790 : i1 to i32
    %sign3A_792 = arith.subi %sign3A_788, %sign3A_791 : i32
    %ne3A_793 = arith.cmpi ne, %sign3A_785, %sign3A_792 : i32
    %rem3A_794 = arith.remsi %select_n3A_776, %jit3A_777 : i32
    %ne3A_795 = arith.constant 0 : i32
    %ne3A_796 = arith.cmpi ne, %rem3A_794, %ne3A_795 : i32
    %and3A_797 = arith.andi %ne3A_793, %ne3A_796 : i1
    %sub3A_798 = arith.constant 1 : i32
    %sub3A_799 = arith.subi %div3A_778, %sub3A_798 : i32
    %select_n3A_800 = arith.select %and3A_797, %sub3A_799, %div3A_778 : i32
    %mul3A_801 = arith.constant 16 : i32
    %mul3A_802 = arith.muli %select_n3A_800, %mul3A_801 : i32
    %sub3A_803 = arith.subi %select_n3A_776, %mul3A_802 : i32
    %eq3A_804 = vector.broadcast %sub3A_803 : i32 to vector<16xi32>
    %eq3A_805 = arith.cmpi eq, %iota3A, %eq3A_804 : vector<16xi32>
    %jit3A_806 = arith.constant 0.000000e+00 : f32
    %broadcast_in_dim3A_807 = vector.broadcast %select_n3A_624 : f32 to vector<16xf32>
    %broadcast_in_dim3A_808 = vector.broadcast %jit3A_806 : f32 to vector<16xf32>
    %select_n3A_809 = arith.select %eq3A_805, %broadcast_in_dim3A_807, %broadcast_in_dim3A_808 : vector<16xi1>, vector<16xf32>
    %swap3A_810 = arith.constant 1 : i32
    %swap3A_811 = arith.constant 3 : i32
    %swap3A_812 = arith.index_cast %swap3A_810 : i32 to index
    %swap3A_813 = arith.index_cast %swap3A_811 : i32 to index
    %swap3A_814 = arith.index_cast %mul3A_802 : i32 to index
    %swap3A_815 = tpu.vector_load %arg8[%swap3A_812, %swap3A_813, %swap3A_814] {strides = array<i32>} : memref<2x4x2048xf32, #tpu.memory_space<vmem>>, vector<1x1x16xf32>,
    %swap3A_816 = vector.shape_cast %swap3A_815 : vector<1x1x16xf32> to vector<16xf32>
    %swap3A_817 = vector.shape_cast %select_n3A_809 : vector<16xf32> to vector<1x1x16xf32>
    tpu.vector_store %arg8[%swap3A_812, %swap3A_813, %swap3A_814], %swap3A_817 {strides = array<i32>} : memref<2x4x2048xf32, #tpu.memory_space<vmem>>, vector<1x1x16xf32>,
    %dma_wait3A_818 = arith.constant 0 : i32
    %dma_wait3A_819 = arith.constant 0 : i32
    %dma_wait3A_820 = tpu.memref_slice %arg3[%add3A_4, %dma_wait3A_818, %dma_wait3A_819] : memref<64x4x131072xf32, #tpu.memory_space<hbm>> -> memref<1x1x32768xf32, #tpu.memory_space<hbm>>
    %dma_wait3A_821 = tpu.memref_squeeze %dma_wait3A_820 : memref<1x1x32768xf32, #tpu.memory_space<hbm>> -> memref<32768xf32, #tpu.memory_space<hbm>>
    %dma_wait3A_822 = arith.constant 0 : i32
    %dma_wait3A_823 = tpu.memref_slice %arg3[%add3A_4, %dma_wait3A_818, %dma_wait3A_822] : memref<64x4x131072xf32, #tpu.memory_space<hbm>> -> memref<1x1x32768xf32, #tpu.memory_space<hbm>>
    %dma_wait3A_824 = tpu.memref_squeeze %dma_wait3A_823 : memref<1x1x32768xf32, #tpu.memory_space<hbm>> -> memref<32768xf32, #tpu.memory_space<hbm>>
    tpu.wait_dma2 semaphore(%arg12 : memref<!tpu.dma_semaphore, #tpu.memory_space<semaphore_mem>>) src(%arg4 : memref<32768xf32, #tpu.memory_space<vmem>>) dst(%dma_wait3A_824 : memref<32768xf32, #tpu.memory_space<hbm>>)
    %dma_wait3A_825 = arith.constant 1 : i32
    %dma_wait3A_826 = arith.constant 0 : i32
    %dma_wait3A_827 = tpu.memref_slice %arg3[%add3A_4, %dma_wait3A_825, %dma_wait3A_826] : memref<64x4x131072xf32, #tpu.memory_space<hbm>> -> memref<1x1x32768xf32, #tpu.memory_space<hbm>>
    %dma_wait3A_828 = tpu.memref_squeeze %dma_wait3A_827 : memref<1x1x32768xf32, #tpu.memory_space<hbm>> -> memref<32768xf32, #tpu.memory_space<hbm>>
    %dma_wait3A_829 = arith.constant 0 : i32
    %dma_wait3A_830 = tpu.memref_slice %arg3[%add3A_4, %dma_wait3A_825, %dma_wait3A_829] : memref<64x4x131072xf32, #tpu.memory_space<hbm>> -> memref<1x1x32768xf32, #tpu.memory_space<hbm>>
    %dma_wait3A_831 = tpu.memref_squeeze %dma_wait3A_830 : memref<1x1x32768xf32, #tpu.memory_space<hbm>> -> memref<32768xf32, #tpu.memory_space<hbm>>
    tpu.wait_dma2 semaphore(%arg12 : memref<!tpu.dma_semaphore, #tpu.memory_space<semaphore_mem>>) src(%arg4 : memref<32768xf32, #tpu.memory_space<vmem>>) dst(%dma_wait3A_831 : memref<32768xf32, #tpu.memory_space<hbm>>)
    %dma_wait3A_832 = arith.constant 2 : i32
    %dma_wait3A_833 = arith.constant 0 : i32
    %dma_wait3A_834 = tpu.memref_slice %arg3[%add3A_4, %dma_wait3A_832, %dma_wait3A_833] : memref<64x4x131072xf32, #tpu.memory_space<hbm>> -> memref<1x1x32768xf32, #tpu.memory_space<hbm>>
    %dma_wait3A_835 = tpu.memref_squeeze %dma_wait3A_834 : memref<1x1x32768xf32, #tpu.memory_space<hbm>> -> memref<32768xf32, #tpu.memory_space<hbm>>
    %dma_wait3A_836 = arith.constant 0 : i32
    %dma_wait3A_837 = tpu.memref_slice %arg3[%add3A_4, %dma_wait3A_832, %dma_wait3A_836] : memref<64x4x131072xf32, #tpu.memory_space<hbm>> -> memref<1x1x32768xf32, #tpu.memory_space<hbm>>
    %dma_wait3A_838 = tpu.memref_squeeze %dma_wait3A_837 : memref<1x1x32768xf32, #tpu.memory_space<hbm>> -> memref<32768xf32, #tpu.memory_space<hbm>>
    tpu.wait_dma2 semaphore(%arg12 : memref<!tpu.dma_semaphore, #tpu.memory_space<semaphore_mem>>) src(%arg4 : memref<32768xf32, #tpu.memory_space<vmem>>) dst(%dma_wait3A_838 : memref<32768xf32, #tpu.memory_space<hbm>>)
    %dma_wait3A_839 = arith.constant 3 : i32
    %dma_wait3A_840 = arith.constant 0 : i32
    %dma_wait3A_841 = tpu.memref_slice %arg3[%add3A_4, %dma_wait3A_839, %dma_wait3A_840] : memref<64x4x131072xf32, #tpu.memory_space<hbm>> -> memref<1x1x32768xf32, #tpu.memory_space<hbm>>
    %dma_wait3A_842 = tpu.memref_squeeze %dma_wait3A_841 : memref<1x1x32768xf32, #tpu.memory_space<hbm>> -> memref<32768xf32, #tpu.memory_space<hbm>>
    %dma_wait3A_843 = arith.constant 0 : i32
    %dma_wait3A_844 = tpu.memref_slice %arg3[%add3A_4, %dma_wait3A_839, %dma_wait3A_843] : memref<64x4x131072xf32, #tpu.memory_space<hbm>> -> memref<1x1x32768xf32, #tpu.memory_space<hbm>>
    %dma_wait3A_845 = tpu.memref_squeeze %dma_wait3A_844 : memref<1x1x32768xf32, #tpu.memory_space<hbm>> -> memref<32768xf32, #tpu.memory_space<hbm>>
    tpu.wait_dma2 semaphore(%arg12 : memref<!tpu.dma_semaphore, #tpu.memory_space<semaphore_mem>>) src(%arg4 : memref<32768xf32, #tpu.memory_space<vmem>>) dst(%dma_wait3A_845 : memref<32768xf32, #tpu.memory_space<hbm>>)
    %dma_start3A_846 = arith.constant 98304 : i32
    %dma_start3A_847 = tpu.memref_slice %arg2[%add3A_4, %dma_start3A_846] : memref<64x131072xf32, #tpu.memory_space<hbm>> -> memref<1x32768xf32, #tpu.memory_space<hbm>>
    %dma_start3A_848 = tpu.memref_squeeze %dma_start3A_847 : memref<1x32768xf32, #tpu.memory_space<hbm>> -> memref<32768xf32, #tpu.memory_space<hbm>>
    %dma_start3A_849 = arith.constant 98304 : i32
    %dma_start3A_850 = tpu.memref_slice %arg2[%add3A_4, %dma_start3A_849] : memref<64x131072xf32, #tpu.memory_space<hbm>> -> memref<1x32768xf32, #tpu.memory_space<hbm>>
    %dma_start3A_851 = tpu.memref_squeeze %dma_start3A_850 : memref<1x32768xf32, #tpu.memory_space<hbm>> -> memref<32768xf32, #tpu.memory_space<hbm>>
    tpu.enqueue_dma source(%dma_start3A_851 : memref<32768xf32, #tpu.memory_space<hbm>>) target(%arg4 : memref<32768xf32, #tpu.memory_space<vmem>>) target_semaphore(%arg9 : memref<!tpu.dma_semaphore, #tpu.memory_space<semaphore_mem>>)
    %dma_wait3A_852 = arith.constant 32768 : i32
    %dma_wait3A_853 = tpu.memref_slice %arg2[%add3A_4, %dma_wait3A_852] : memref<64x131072xf32, #tpu.memory_space<hbm>> -> memref<1x32768xf32, #tpu.memory_space<hbm>>
    %dma_wait3A_854 = tpu.memref_squeeze %dma_wait3A_853 : memref<1x32768xf32, #tpu.memory_space<hbm>> -> memref<32768xf32, #tpu.memory_space<hbm>>
    %dma_wait3A_855 = arith.constant 32768 : i32
    %dma_wait3A_856 = tpu.memref_slice %arg2[%add3A_4, %dma_wait3A_855] : memref<64x131072xf32, #tpu.memory_space<hbm>> -> memref<1x32768xf32, #tpu.memory_space<hbm>>
    %dma_wait3A_857 = tpu.memref_squeeze %dma_wait3A_856 : memref<1x32768xf32, #tpu.memory_space<hbm>> -> memref<32768xf32, #tpu.memory_space<hbm>>
    tpu.wait_dma2 semaphore(%arg10 : memref<!tpu.dma_semaphore, #tpu.memory_space<semaphore_mem>>) src(%dma_wait3A_857 : memref<32768xf32, #tpu.memory_space<hbm>>) dst(%arg5 : memref<32768xf32, #tpu.memory_space<vmem>>)
    %dma_start3A_858 = arith.constant 0 : i32
    %dma_start3A_859 = arith.constant 32768 : i32
    %dma_start3A_860 = tpu.memref_slice %arg3[%add3A_4, %dma_start3A_858, %dma_start3A_859] : memref<64x4x131072xf32, #tpu.memory_space<hbm>> -> memref<1x1x32768xf32, #tpu.memory_space<hbm>>
    %dma_start3A_861 = tpu.memref_squeeze %dma_start3A_860 : memref<1x1x32768xf32, #tpu.memory_space<hbm>> -> memref<32768xf32, #tpu.memory_space<hbm>>
    %dma_start3A_862 = arith.constant 32768 : i32
    %dma_start3A_863 = tpu.memref_slice %arg3[%add3A_4, %dma_start3A_858, %dma_start3A_862] : memref<64x4x131072xf32, #tpu.memory_space<hbm>> -> memref<1x1x32768xf32, #tpu.memory_space<hbm>>
    %dma_start3A_864 = tpu.memref_squeeze %dma_start3A_863 : memref<1x1x32768xf32, #tpu.memory_space<hbm>> -> memref<32768xf32, #tpu.memory_space<hbm>>
    tpu.enqueue_dma source(%arg5 : memref<32768xf32, #tpu.memory_space<vmem>>) target(%dma_start3A_864 : memref<32768xf32, #tpu.memory_space<hbm>>) target_semaphore(%arg13 : memref<!tpu.dma_semaphore, #tpu.memory_space<semaphore_mem>>)
    %dma_start3A_865 = arith.constant 1 : i32
    %dma_start3A_866 = arith.constant 32768 : i32
    %dma_start3A_867 = tpu.memref_slice %arg3[%add3A_4, %dma_start3A_865, %dma_start3A_866] : memref<64x4x131072xf32, #tpu.memory_space<hbm>> -> memref<1x1x32768xf32, #tpu.memory_space<hbm>>
    %dma_start3A_868 = tpu.memref_squeeze %dma_start3A_867 : memref<1x1x32768xf32, #tpu.memory_space<hbm>> -> memref<32768xf32, #tpu.memory_space<hbm>>
    %dma_start3A_869 = arith.constant 32768 : i32
    %dma_start3A_870 = tpu.memref_slice %arg3[%add3A_4, %dma_start3A_865, %dma_start3A_869] : memref<64x4x131072xf32, #tpu.memory_space<hbm>> -> memref<1x1x32768xf32, #tpu.memory_space<hbm>>
    %dma_start3A_871 = tpu.memref_squeeze %dma_start3A_870 : memref<1x1x32768xf32, #tpu.memory_space<hbm>> -> memref<32768xf32, #tpu.memory_space<hbm>>
    tpu.enqueue_dma source(%arg5 : memref<32768xf32, #tpu.memory_space<vmem>>) target(%dma_start3A_871 : memref<32768xf32, #tpu.memory_space<hbm>>) target_semaphore(%arg13 : memref<!tpu.dma_semaphore, #tpu.memory_space<semaphore_mem>>)
    %dma_start3A_872 = arith.constant 2 : i32
    %dma_start3A_873 = arith.constant 32768 : i32
    %dma_start3A_874 = tpu.memref_slice %arg3[%add3A_4, %dma_start3A_872, %dma_start3A_873] : memref<64x4x131072xf32, #tpu.memory_space<hbm>> -> memref<1x1x32768xf32, #tpu.memory_space<hbm>>
    %dma_start3A_875 = tpu.memref_squeeze %dma_start3A_874 : memref<1x1x32768xf32, #tpu.memory_space<hbm>> -> memref<32768xf32, #tpu.memory_space<hbm>>
    %dma_start3A_876 = arith.constant 32768 : i32
    %dma_start3A_877 = tpu.memref_slice %arg3[%add3A_4, %dma_start3A_872, %dma_start3A_876] : memref<64x4x131072xf32, #tpu.memory_space<hbm>> -> memref<1x1x32768xf32, #tpu.memory_space<hbm>>
    %dma_start3A_878 = tpu.memref_squeeze %dma_start3A_877 : memref<1x1x32768xf32, #tpu.memory_space<hbm>> -> memref<32768xf32, #tpu.memory_space<hbm>>
    tpu.enqueue_dma source(%arg5 : memref<32768xf32, #tpu.memory_space<vmem>>) target(%dma_start3A_878 : memref<32768xf32, #tpu.memory_space<hbm>>) target_semaphore(%arg13 : memref<!tpu.dma_semaphore, #tpu.memory_space<semaphore_mem>>)
    %dma_start3A_879 = arith.constant 3 : i32
    %dma_start3A_880 = arith.constant 32768 : i32
    %dma_start3A_881 = tpu.memref_slice %arg3[%add3A_4, %dma_start3A_879, %dma_start3A_880] : memref<64x4x131072xf32, #tpu.memory_space<hbm>> -> memref<1x1x32768xf32, #tpu.memory_space<hbm>>
    %dma_start3A_882 = tpu.memref_squeeze %dma_start3A_881 : memref<1x1x32768xf32, #tpu.memory_space<hbm>> -> memref<32768xf32, #tpu.memory_space<hbm>>
    %dma_start3A_883 = arith.constant 32768 : i32
    %dma_start3A_884 = tpu.memref_slice %arg3[%add3A_4, %dma_start3A_879, %dma_start3A_883] : memref<64x4x131072xf32, #tpu.memory_space<hbm>> -> memref<1x1x32768xf32, #tpu.memory_space<hbm>>
    %dma_start3A_885 = tpu.memref_squeeze %dma_start3A_884 : memref<1x1x32768xf32, #tpu.memory_space<hbm>> -> memref<32768xf32, #tpu.memory_space<hbm>>
    tpu.enqueue_dma source(%arg5 : memref<32768xf32, #tpu.memory_space<vmem>>) target(%dma_start3A_885 : memref<32768xf32, #tpu.memory_space<hbm>>) target_semaphore(%arg13 : memref<!tpu.dma_semaphore, #tpu.memory_space<semaphore_mem>>)
    %dma_wait3A_886 = arith.constant 0 : i32
    %dma_wait3A_887 = arith.constant 32768 : i32
    %dma_wait3A_888 = tpu.memref_slice %arg3[%add3A_4, %dma_wait3A_886, %dma_wait3A_887] : memref<64x4x131072xf32, #tpu.memory_space<hbm>> -> memref<1x1x32768xf32, #tpu.memory_space<hbm>>
    %dma_wait3A_889 = tpu.memref_squeeze %dma_wait3A_888 : memref<1x1x32768xf32, #tpu.memory_space<hbm>> -> memref<32768xf32, #tpu.memory_space<hbm>>
    %dma_wait3A_890 = arith.constant 32768 : i32
    %dma_wait3A_891 = tpu.memref_slice %arg3[%add3A_4, %dma_wait3A_886, %dma_wait3A_890] : memref<64x4x131072xf32, #tpu.memory_space<hbm>> -> memref<1x1x32768xf32, #tpu.memory_space<hbm>>
    %dma_wait3A_892 = tpu.memref_squeeze %dma_wait3A_891 : memref<1x1x32768xf32, #tpu.memory_space<hbm>> -> memref<32768xf32, #tpu.memory_space<hbm>>
    tpu.wait_dma2 semaphore(%arg13 : memref<!tpu.dma_semaphore, #tpu.memory_space<semaphore_mem>>) src(%arg5 : memref<32768xf32, #tpu.memory_space<vmem>>) dst(%dma_wait3A_892 : memref<32768xf32, #tpu.memory_space<hbm>>)
    %dma_wait3A_893 = arith.constant 1 : i32
    %dma_wait3A_894 = arith.constant 32768 : i32
    %dma_wait3A_895 = tpu.memref_slice %arg3[%add3A_4, %dma_wait3A_893, %dma_wait3A_894] : memref<64x4x131072xf32, #tpu.memory_space<hbm>> -> memref<1x1x32768xf32, #tpu.memory_space<hbm>>
    %dma_wait3A_896 = tpu.memref_squeeze %dma_wait3A_895 : memref<1x1x32768xf32, #tpu.memory_space<hbm>> -> memref<32768xf32, #tpu.memory_space<hbm>>
    %dma_wait3A_897 = arith.constant 32768 : i32
    %dma_wait3A_898 = tpu.memref_slice %arg3[%add3A_4, %dma_wait3A_893, %dma_wait3A_897] : memref<64x4x131072xf32, #tpu.memory_space<hbm>> -> memref<1x1x32768xf32, #tpu.memory_space<hbm>>
    %dma_wait3A_899 = tpu.memref_squeeze %dma_wait3A_898 : memref<1x1x32768xf32, #tpu.memory_space<hbm>> -> memref<32768xf32, #tpu.memory_space<hbm>>
    tpu.wait_dma2 semaphore(%arg13 : memref<!tpu.dma_semaphore, #tpu.memory_space<semaphore_mem>>) src(%arg5 : memref<32768xf32, #tpu.memory_space<vmem>>) dst(%dma_wait3A_899 : memref<32768xf32, #tpu.memory_space<hbm>>)
    %dma_wait3A_900 = arith.constant 2 : i32
    %dma_wait3A_901 = arith.constant 32768 : i32
    %dma_wait3A_902 = tpu.memref_slice %arg3[%add3A_4, %dma_wait3A_900, %dma_wait3A_901] : memref<64x4x131072xf32, #tpu.memory_space<hbm>> -> memref<1x1x32768xf32, #tpu.memory_space<hbm>>
    %dma_wait3A_903 = tpu.memref_squeeze %dma_wait3A_902 : memref<1x1x32768xf32, #tpu.memory_space<hbm>> -> memref<32768xf32, #tpu.memory_space<hbm>>
    %dma_wait3A_904 = arith.constant 32768 : i32
    %dma_wait3A_905 = tpu.memref_slice %arg3[%add3A_4, %dma_wait3A_900, %dma_wait3A_904] : memref<64x4x131072xf32, #tpu.memory_space<hbm>> -> memref<1x1x32768xf32, #tpu.memory_space<hbm>>
    %dma_wait3A_906 = tpu.memref_squeeze %dma_wait3A_905 : memref<1x1x32768xf32, #tpu.memory_space<hbm>> -> memref<32768xf32, #tpu.memory_space<hbm>>
    tpu.wait_dma2 semaphore(%arg13 : memref<!tpu.dma_semaphore, #tpu.memory_space<semaphore_mem>>) src(%arg5 : memref<32768xf32, #tpu.memory_space<vmem>>) dst(%dma_wait3A_906 : memref<32768xf32, #tpu.memory_space<hbm>>)
    %dma_wait3A_907 = arith.constant 3 : i32
    %dma_wait3A_908 = arith.constant 32768 : i32
    %dma_wait3A_909 = tpu.memref_slice %arg3[%add3A_4, %dma_wait3A_907, %dma_wait3A_908] : memref<64x4x131072xf32, #tpu.memory_space<hbm>> -> memref<1x1x32768xf32, #tpu.memory_space<hbm>>
    %dma_wait3A_910 = tpu.memref_squeeze %dma_wait3A_909 : memref<1x1x32768xf32, #tpu.memory_space<hbm>> -> memref<32768xf32, #tpu.memory_space<hbm>>
    %dma_wait3A_911 = arith.constant 32768 : i32
    %dma_wait3A_912 = tpu.memref_slice %arg3[%add3A_4, %dma_wait3A_907, %dma_wait3A_911] : memref<64x4x131072xf32, #tpu.memory_space<hbm>> -> memref<1x1x32768xf32, #tpu.memory_space<hbm>>
    %dma_wait3A_913 = tpu.memref_squeeze %dma_wait3A_912 : memref<1x1x32768xf32, #tpu.memory_space<hbm>> -> memref<32768xf32, #tpu.memory_space<hbm>>
    tpu.wait_dma2 semaphore(%arg13 : memref<!tpu.dma_semaphore, #tpu.memory_space<semaphore_mem>>) src(%arg5 : memref<32768xf32, #tpu.memory_space<vmem>>) dst(%dma_wait3A_913 : memref<32768xf32, #tpu.memory_space<hbm>>)
    %dma_start3A_914 = arith.constant 0 : i32
    %dma_start3A_915 = tpu.memref_slice %arg2[%add3A_8, %dma_start3A_914] : memref<64x131072xf32, #tpu.memory_space<hbm>> -> memref<1x32768xf32, #tpu.memory_space<hbm>>
    %dma_start3A_916 = tpu.memref_squeeze %dma_start3A_915 : memref<1x32768xf32, #tpu.memory_space<hbm>> -> memref<32768xf32, #tpu.memory_space<hbm>>
    %dma_start3A_917 = arith.constant 0 : i32
    %dma_start3A_918 = tpu.memref_slice %arg2[%add3A_8, %dma_start3A_917] : memref<64x131072xf32, #tpu.memory_space<hbm>> -> memref<1x32768xf32, #tpu.memory_space<hbm>>
    %dma_start3A_919 = tpu.memref_squeeze %dma_start3A_918 : memref<1x32768xf32, #tpu.memory_space<hbm>> -> memref<32768xf32, #tpu.memory_space<hbm>>
    tpu.enqueue_dma source(%dma_start3A_919 : memref<32768xf32, #tpu.memory_space<hbm>>) target(%arg5 : memref<32768xf32, #tpu.memory_space<vmem>>) target_semaphore(%arg10 : memref<!tpu.dma_semaphore, #tpu.memory_space<semaphore_mem>>)
    %dma_wait3A_920 = arith.constant 65536 : i32
    %dma_wait3A_921 = tpu.memref_slice %arg2[%add3A_4, %dma_wait3A_920] : memref<64x131072xf32, #tpu.memory_space<hbm>> -> memref<1x32768xf32, #tpu.memory_space<hbm>>
    %dma_wait3A_922 = tpu.memref_squeeze %dma_wait3A_921 : memref<1x32768xf32, #tpu.memory_space<hbm>> -> memref<32768xf32, #tpu.memory_space<hbm>>
    %dma_wait3A_923 = arith.constant 65536 : i32
    %dma_wait3A_924 = tpu.memref_slice %arg2[%add3A_4, %dma_wait3A_923] : memref<64x131072xf32, #tpu.memory_space<hbm>> -> memref<1x32768xf32, #tpu.memory_space<hbm>>
    %dma_wait3A_925 = tpu.memref_squeeze %dma_wait3A_924 : memref<1x32768xf32, #tpu.memory_space<hbm>> -> memref<32768xf32, #tpu.memory_space<hbm>>
    tpu.wait_dma2 semaphore(%arg11 : memref<!tpu.dma_semaphore, #tpu.memory_space<semaphore_mem>>) src(%dma_wait3A_925 : memref<32768xf32, #tpu.memory_space<hbm>>) dst(%arg6 : memref<32768xf32, #tpu.memory_space<vmem>>)
    %dma_start3A_926 = arith.constant 0 : i32
    %dma_start3A_927 = arith.constant 65536 : i32
    %dma_start3A_928 = tpu.memref_slice %arg3[%add3A_4, %dma_start3A_926, %dma_start3A_927] : memref<64x4x131072xf32, #tpu.memory_space<hbm>> -> memref<1x1x32768xf32, #tpu.memory_space<hbm>>
    %dma_start3A_929 = tpu.memref_squeeze %dma_start3A_928 : memref<1x1x32768xf32, #tpu.memory_space<hbm>> -> memref<32768xf32, #tpu.memory_space<hbm>>
    %dma_start3A_930 = arith.constant 65536 : i32
    %dma_start3A_931 = tpu.memref_slice %arg3[%add3A_4, %dma_start3A_926, %dma_start3A_930] : memref<64x4x131072xf32, #tpu.memory_space<hbm>> -> memref<1x1x32768xf32, #tpu.memory_space<hbm>>
    %dma_start3A_932 = tpu.memref_squeeze %dma_start3A_931 : memref<1x1x32768xf32, #tpu.memory_space<hbm>> -> memref<32768xf32, #tpu.memory_space<hbm>>
    tpu.enqueue_dma source(%arg6 : memref<32768xf32, #tpu.memory_space<vmem>>) target(%dma_start3A_932 : memref<32768xf32, #tpu.memory_space<hbm>>) target_semaphore(%arg14 : memref<!tpu.dma_semaphore, #tpu.memory_space<semaphore_mem>>)
    %dma_start3A_933 = arith.constant 1 : i32
    %dma_start3A_934 = arith.constant 65536 : i32
    %dma_start3A_935 = tpu.memref_slice %arg3[%add3A_4, %dma_start3A_933, %dma_start3A_934] : memref<64x4x131072xf32, #tpu.memory_space<hbm>> -> memref<1x1x32768xf32, #tpu.memory_space<hbm>>
    %dma_start3A_936 = tpu.memref_squeeze %dma_start3A_935 : memref<1x1x32768xf32, #tpu.memory_space<hbm>> -> memref<32768xf32, #tpu.memory_space<hbm>>
    %dma_start3A_937 = arith.constant 65536 : i32
    %dma_start3A_938 = tpu.memref_slice %arg3[%add3A_4, %dma_start3A_933, %dma_start3A_937] : memref<64x4x131072xf32, #tpu.memory_space<hbm>> -> memref<1x1x32768xf32, #tpu.memory_space<hbm>>
    %dma_start3A_939 = tpu.memref_squeeze %dma_start3A_938 : memref<1x1x32768xf32, #tpu.memory_space<hbm>> -> memref<32768xf32, #tpu.memory_space<hbm>>
    tpu.enqueue_dma source(%arg6 : memref<32768xf32, #tpu.memory_space<vmem>>) target(%dma_start3A_939 : memref<32768xf32, #tpu.memory_space<hbm>>) target_semaphore(%arg14 : memref<!tpu.dma_semaphore, #tpu.memory_space<semaphore_mem>>)
    %dma_start3A_940 = arith.constant 2 : i32
    %dma_start3A_941 = arith.constant 65536 : i32
    %dma_start3A_942 = tpu.memref_slice %arg3[%add3A_4, %dma_start3A_940, %dma_start3A_941] : memref<64x4x131072xf32, #tpu.memory_space<hbm>> -> memref<1x1x32768xf32, #tpu.memory_space<hbm>>
    %dma_start3A_943 = tpu.memref_squeeze %dma_start3A_942 : memref<1x1x32768xf32, #tpu.memory_space<hbm>> -> memref<32768xf32, #tpu.memory_space<hbm>>
    %dma_start3A_944 = arith.constant 65536 : i32
    %dma_start3A_945 = tpu.memref_slice %arg3[%add3A_4, %dma_start3A_940, %dma_start3A_944] : memref<64x4x131072xf32, #tpu.memory_space<hbm>> -> memref<1x1x32768xf32, #tpu.memory_space<hbm>>
    %dma_start3A_946 = tpu.memref_squeeze %dma_start3A_945 : memref<1x1x32768xf32, #tpu.memory_space<hbm>> -> memref<32768xf32, #tpu.memory_space<hbm>>
    tpu.enqueue_dma source(%arg6 : memref<32768xf32, #tpu.memory_space<vmem>>) target(%dma_start3A_946 : memref<32768xf32, #tpu.memory_space<hbm>>) target_semaphore(%arg14 : memref<!tpu.dma_semaphore, #tpu.memory_space<semaphore_mem>>)
    %dma_start3A_947 = arith.constant 3 : i32
    %dma_start3A_948 = arith.constant 65536 : i32
    %dma_start3A_949 = tpu.memref_slice %arg3[%add3A_4, %dma_start3A_947, %dma_start3A_948] : memref<64x4x131072xf32, #tpu.memory_space<hbm>> -> memref<1x1x32768xf32, #tpu.memory_space<hbm>>
    %dma_start3A_950 = tpu.memref_squeeze %dma_start3A_949 : memref<1x1x32768xf32, #tpu.memory_space<hbm>> -> memref<32768xf32, #tpu.memory_space<hbm>>
    %dma_start3A_951 = arith.constant 65536 : i32
    %dma_start3A_952 = tpu.memref_slice %arg3[%add3A_4, %dma_start3A_947, %dma_start3A_951] : memref<64x4x131072xf32, #tpu.memory_space<hbm>> -> memref<1x1x32768xf32, #tpu.memory_space<hbm>>
    %dma_start3A_953 = tpu.memref_squeeze %dma_start3A_952 : memref<1x1x32768xf32, #tpu.memory_space<hbm>> -> memref<32768xf32, #tpu.memory_space<hbm>>
    tpu.enqueue_dma source(%arg6 : memref<32768xf32, #tpu.memory_space<vmem>>) target(%dma_start3A_953 : memref<32768xf32, #tpu.memory_space<hbm>>) target_semaphore(%arg14 : memref<!tpu.dma_semaphore, #tpu.memory_space<semaphore_mem>>)
    %dma_wait3A_954 = arith.constant 0 : i32
    %dma_wait3A_955 = arith.constant 65536 : i32
    %dma_wait3A_956 = tpu.memref_slice %arg3[%add3A_4, %dma_wait3A_954, %dma_wait3A_955] : memref<64x4x131072xf32, #tpu.memory_space<hbm>> -> memref<1x1x32768xf32, #tpu.memory_space<hbm>>
    %dma_wait3A_957 = tpu.memref_squeeze %dma_wait3A_956 : memref<1x1x32768xf32, #tpu.memory_space<hbm>> -> memref<32768xf32, #tpu.memory_space<hbm>>
    %dma_wait3A_958 = arith.constant 65536 : i32
    %dma_wait3A_959 = tpu.memref_slice %arg3[%add3A_4, %dma_wait3A_954, %dma_wait3A_958] : memref<64x4x131072xf32, #tpu.memory_space<hbm>> -> memref<1x1x32768xf32, #tpu.memory_space<hbm>>
    %dma_wait3A_960 = tpu.memref_squeeze %dma_wait3A_959 : memref<1x1x32768xf32, #tpu.memory_space<hbm>> -> memref<32768xf32, #tpu.memory_space<hbm>>
    tpu.wait_dma2 semaphore(%arg14 : memref<!tpu.dma_semaphore, #tpu.memory_space<semaphore_mem>>) src(%arg6 : memref<32768xf32, #tpu.memory_space<vmem>>) dst(%dma_wait3A_960 : memref<32768xf32, #tpu.memory_space<hbm>>)
    %dma_wait3A_961 = arith.constant 1 : i32
    %dma_wait3A_962 = arith.constant 65536 : i32
    %dma_wait3A_963 = tpu.memref_slice %arg3[%add3A_4, %dma_wait3A_961, %dma_wait3A_962] : memref<64x4x131072xf32, #tpu.memory_space<hbm>> -> memref<1x1x32768xf32, #tpu.memory_space<hbm>>
    %dma_wait3A_964 = tpu.memref_squeeze %dma_wait3A_963 : memref<1x1x32768xf32, #tpu.memory_space<hbm>> -> memref<32768xf32, #tpu.memory_space<hbm>>
    %dma_wait3A_965 = arith.constant 65536 : i32
    %dma_wait3A_966 = tpu.memref_slice %arg3[%add3A_4, %dma_wait3A_961, %dma_wait3A_965] : memref<64x4x131072xf32, #tpu.memory_space<hbm>> -> memref<1x1x32768xf32, #tpu.memory_space<hbm>>
    %dma_wait3A_967 = tpu.memref_squeeze %dma_wait3A_966 : memref<1x1x32768xf32, #tpu.memory_space<hbm>> -> memref<32768xf32, #tpu.memory_space<hbm>>
    tpu.wait_dma2 semaphore(%arg14 : memref<!tpu.dma_semaphore, #tpu.memory_space<semaphore_mem>>) src(%arg6 : memref<32768xf32, #tpu.memory_space<vmem>>) dst(%dma_wait3A_967 : memref<32768xf32, #tpu.memory_space<hbm>>)
    %dma_wait3A_968 = arith.constant 2 : i32
    %dma_wait3A_969 = arith.constant 65536 : i32
    %dma_wait3A_970 = tpu.memref_slice %arg3[%add3A_4, %dma_wait3A_968, %dma_wait3A_969] : memref<64x4x131072xf32, #tpu.memory_space<hbm>> -> memref<1x1x32768xf32, #tpu.memory_space<hbm>>
    %dma_wait3A_971 = tpu.memref_squeeze %dma_wait3A_970 : memref<1x1x32768xf32, #tpu.memory_space<hbm>> -> memref<32768xf32, #tpu.memory_space<hbm>>
    %dma_wait3A_972 = arith.constant 65536 : i32
    %dma_wait3A_973 = tpu.memref_slice %arg3[%add3A_4, %dma_wait3A_968, %dma_wait3A_972] : memref<64x4x131072xf32, #tpu.memory_space<hbm>> -> memref<1x1x32768xf32, #tpu.memory_space<hbm>>
    %dma_wait3A_974 = tpu.memref_squeeze %dma_wait3A_973 : memref<1x1x32768xf32, #tpu.memory_space<hbm>> -> memref<32768xf32, #tpu.memory_space<hbm>>
    tpu.wait_dma2 semaphore(%arg14 : memref<!tpu.dma_semaphore, #tpu.memory_space<semaphore_mem>>) src(%arg6 : memref<32768xf32, #tpu.memory_space<vmem>>) dst(%dma_wait3A_974 : memref<32768xf32, #tpu.memory_space<hbm>>)
    %dma_wait3A_975 = arith.constant 3 : i32
    %dma_wait3A_976 = arith.constant 65536 : i32
    %dma_wait3A_977 = tpu.memref_slice %arg3[%add3A_4, %dma_wait3A_975, %dma_wait3A_976] : memref<64x4x131072xf32, #tpu.memory_space<hbm>> -> memref<1x1x32768xf32, #tpu.memory_space<hbm>>
    %dma_wait3A_978 = tpu.memref_squeeze %dma_wait3A_977 : memref<1x1x32768xf32, #tpu.memory_space<hbm>> -> memref<32768xf32, #tpu.memory_space<hbm>>
    %dma_wait3A_979 = arith.constant 65536 : i32
    %dma_wait3A_980 = tpu.memref_slice %arg3[%add3A_4, %dma_wait3A_975, %dma_wait3A_979] : memref<64x4x131072xf32, #tpu.memory_space<hbm>> -> memref<1x1x32768xf32, #tpu.memory_space<hbm>>
    %dma_wait3A_981 = tpu.memref_squeeze %dma_wait3A_980 : memref<1x1x32768xf32, #tpu.memory_space<hbm>> -> memref<32768xf32, #tpu.memory_space<hbm>>
    tpu.wait_dma2 semaphore(%arg14 : memref<!tpu.dma_semaphore, #tpu.memory_space<semaphore_mem>>) src(%arg6 : memref<32768xf32, #tpu.memory_space<vmem>>) dst(%dma_wait3A_981 : memref<32768xf32, #tpu.memory_space<hbm>>)
    %dma_start3A_982 = arith.constant 32768 : i32
    %dma_start3A_983 = tpu.memref_slice %arg2[%add3A_8, %dma_start3A_982] : memref<64x131072xf32, #tpu.memory_space<hbm>> -> memref<1x32768xf32, #tpu.memory_space<hbm>>
    %dma_start3A_984 = tpu.memref_squeeze %dma_start3A_983 : memref<1x32768xf32, #tpu.memory_space<hbm>> -> memref<32768xf32, #tpu.memory_space<hbm>>
    %dma_start3A_985 = arith.constant 32768 : i32
    %dma_start3A_986 = tpu.memref_slice %arg2[%add3A_8, %dma_start3A_985] : memref<64x131072xf32, #tpu.memory_space<hbm>> -> memref<1x32768xf32, #tpu.memory_space<hbm>>
    %dma_start3A_987 = tpu.memref_squeeze %dma_start3A_986 : memref<1x32768xf32, #tpu.memory_space<hbm>> -> memref<32768xf32, #tpu.memory_space<hbm>>
    tpu.enqueue_dma source(%dma_start3A_987 : memref<32768xf32, #tpu.memory_space<hbm>>) target(%arg6 : memref<32768xf32, #tpu.memory_space<vmem>>) target_semaphore(%arg11 : memref<!tpu.dma_semaphore, #tpu.memory_space<semaphore_mem>>)
    %dma_wait3A_988 = arith.constant 98304 : i32
    %dma_wait3A_989 = tpu.memref_slice %arg2[%add3A_4, %dma_wait3A_988] : memref<64x131072xf32, #tpu.memory_space<hbm>> -> memref<1x32768xf32, #tpu.memory_space<hbm>>
    %dma_wait3A_990 = tpu.memref_squeeze %dma_wait3A_989 : memref<1x32768xf32, #tpu.memory_space<hbm>> -> memref<32768xf32, #tpu.memory_space<hbm>>
    %dma_wait3A_991 = arith.constant 98304 : i32
    %dma_wait3A_992 = tpu.memref_slice %arg2[%add3A_4, %dma_wait3A_991] : memref<64x131072xf32, #tpu.memory_space<hbm>> -> memref<1x32768xf32, #tpu.memory_space<hbm>>
    %dma_wait3A_993 = tpu.memref_squeeze %dma_wait3A_992 : memref<1x32768xf32, #tpu.memory_space<hbm>> -> memref<32768xf32, #tpu.memory_space<hbm>>
    tpu.wait_dma2 semaphore(%arg9 : memref<!tpu.dma_semaphore, #tpu.memory_space<semaphore_mem>>) src(%dma_wait3A_993 : memref<32768xf32, #tpu.memory_space<hbm>>) dst(%arg4 : memref<32768xf32, #tpu.memory_space<vmem>>)
    %dma_start3A_994 = arith.constant 0 : i32
    %dma_start3A_995 = arith.constant 98304 : i32
    %dma_start3A_996 = tpu.memref_slice %arg3[%add3A_4, %dma_start3A_994, %dma_start3A_995] : memref<64x4x131072xf32, #tpu.memory_space<hbm>> -> memref<1x1x32768xf32, #tpu.memory_space<hbm>>
    %dma_start3A_997 = tpu.memref_squeeze %dma_start3A_996 : memref<1x1x32768xf32, #tpu.memory_space<hbm>> -> memref<32768xf32, #tpu.memory_space<hbm>>
    %dma_start3A_998 = arith.constant 98304 : i32
    %dma_start3A_999 = tpu.memref_slice %arg3[%add3A_4, %dma_start3A_994, %dma_start3A_998] : memref<64x4x131072xf32, #tpu.memory_space<hbm>> -> memref<1x1x32768xf32, #tpu.memory_space<hbm>>
    %dma_start3A_1000 = tpu.memref_squeeze %dma_start3A_999 : memref<1x1x32768xf32, #tpu.memory_space<hbm>> -> memref<32768xf32, #tpu.memory_space<hbm>>
    tpu.enqueue_dma source(%arg4 : memref<32768xf32, #tpu.memory_space<vmem>>) target(%dma_start3A_1000 : memref<32768xf32, #tpu.memory_space<hbm>>) target_semaphore(%arg12 : memref<!tpu.dma_semaphore, #tpu.memory_space<semaphore_mem>>)
    %dma_start3A_1001 = arith.constant 1 : i32
    %dma_start3A_1002 = arith.constant 98304 : i32
    %dma_start3A_1003 = tpu.memref_slice %arg3[%add3A_4, %dma_start3A_1001, %dma_start3A_1002] : memref<64x4x131072xf32, #tpu.memory_space<hbm>> -> memref<1x1x32768xf32, #tpu.memory_space<hbm>>
    %dma_start3A_1004 = tpu.memref_squeeze %dma_start3A_1003 : memref<1x1x32768xf32, #tpu.memory_space<hbm>> -> memref<32768xf32, #tpu.memory_space<hbm>>
    %dma_start3A_1005 = arith.constant 98304 : i32
    %dma_start3A_1006 = tpu.memref_slice %arg3[%add3A_4, %dma_start3A_1001, %dma_start3A_1005] : memref<64x4x131072xf32, #tpu.memory_space<hbm>> -> memref<1x1x32768xf32, #tpu.memory_space<hbm>>
    %dma_start3A_1007 = tpu.memref_squeeze %dma_start3A_1006 : memref<1x1x32768xf32, #tpu.memory_space<hbm>> -> memref<32768xf32, #tpu.memory_space<hbm>>
    tpu.enqueue_dma source(%arg4 : memref<32768xf32, #tpu.memory_space<vmem>>) target(%dma_start3A_1007 : memref<32768xf32, #tpu.memory_space<hbm>>) target_semaphore(%arg12 : memref<!tpu.dma_semaphore, #tpu.memory_space<semaphore_mem>>)
    %dma_start3A_1008 = arith.constant 2 : i32
    %dma_start3A_1009 = arith.constant 98304 : i32
    %dma_start3A_1010 = tpu.memref_slice %arg3[%add3A_4, %dma_start3A_1008, %dma_start3A_1009] : memref<64x4x131072xf32, #tpu.memory_space<hbm>> -> memref<1x1x32768xf32, #tpu.memory_space<hbm>>
    %dma_start3A_1011 = tpu.memref_squeeze %dma_start3A_1010 : memref<1x1x32768xf32, #tpu.memory_space<hbm>> -> memref<32768xf32, #tpu.memory_space<hbm>>
    %dma_start3A_1012 = arith.constant 98304 : i32
    %dma_start3A_1013 = tpu.memref_slice %arg3[%add3A_4, %dma_start3A_1008, %dma_start3A_1012] : memref<64x4x131072xf32, #tpu.memory_space<hbm>> -> memref<1x1x32768xf32, #tpu.memory_space<hbm>>
    %dma_start3A_1014 = tpu.memref_squeeze %dma_start3A_1013 : memref<1x1x32768xf32, #tpu.memory_space<hbm>> -> memref<32768xf32, #tpu.memory_space<hbm>>
    tpu.enqueue_dma source(%arg4 : memref<32768xf32, #tpu.memory_space<vmem>>) target(%dma_start3A_1014 : memref<32768xf32, #tpu.memory_space<hbm>>) target_semaphore(%arg12 : memref<!tpu.dma_semaphore, #tpu.memory_space<semaphore_mem>>)
    %dma_start3A_1015 = arith.constant 3 : i32
    %dma_start3A_1016 = arith.constant 98304 : i32
    %dma_start3A_1017 = tpu.memref_slice %arg3[%add3A_4, %dma_start3A_1015, %dma_start3A_1016] : memref<64x4x131072xf32, #tpu.memory_space<hbm>> -> memref<1x1x32768xf32, #tpu.memory_space<hbm>>
    %dma_start3A_1018 = tpu.memref_squeeze %dma_start3A_1017 : memref<1x1x32768xf32, #tpu.memory_space<hbm>> -> memref<32768xf32, #tpu.memory_space<hbm>>
    %dma_start3A_1019 = arith.constant 98304 : i32
    %dma_start3A_1020 = tpu.memref_slice %arg3[%add3A_4, %dma_start3A_1015, %dma_start3A_1019] : memref<64x4x131072xf32, #tpu.memory_space<hbm>> -> memref<1x1x32768xf32, #tpu.memory_space<hbm>>
    %dma_start3A_1021 = tpu.memref_squeeze %dma_start3A_1020 : memref<1x1x32768xf32, #tpu.memory_space<hbm>> -> memref<32768xf32, #tpu.memory_space<hbm>>
    tpu.enqueue_dma source(%arg4 : memref<32768xf32, #tpu.memory_space<vmem>>) target(%dma_start3A_1021 : memref<32768xf32, #tpu.memory_space<hbm>>) target_semaphore(%arg12 : memref<!tpu.dma_semaphore, #tpu.memory_space<semaphore_mem>>)
    %dma_wait3A_1022 = arith.constant 0 : i32
    %dma_wait3A_1023 = arith.constant 98304 : i32
    %dma_wait3A_1024 = tpu.memref_slice %arg3[%add3A_4, %dma_wait3A_1022, %dma_wait3A_1023] : memref<64x4x131072xf32, #tpu.memory_space<hbm>> -> memref<1x1x32768xf32, #tpu.memory_space<hbm>>
    %dma_wait3A_1025 = tpu.memref_squeeze %dma_wait3A_1024 : memref<1x1x32768xf32, #tpu.memory_space<hbm>> -> memref<32768xf32, #tpu.memory_space<hbm>>
    %dma_wait3A_1026 = arith.constant 98304 : i32
    %dma_wait3A_1027 = tpu.memref_slice %arg3[%add3A_4, %dma_wait3A_1022, %dma_wait3A_1026] : memref<64x4x131072xf32, #tpu.memory_space<hbm>> -> memref<1x1x32768xf32, #tpu.memory_space<hbm>>
    %dma_wait3A_1028 = tpu.memref_squeeze %dma_wait3A_1027 : memref<1x1x32768xf32, #tpu.memory_space<hbm>> -> memref<32768xf32, #tpu.memory_space<hbm>>
    tpu.wait_dma2 semaphore(%arg12 : memref<!tpu.dma_semaphore, #tpu.memory_space<semaphore_mem>>) src(%arg4 : memref<32768xf32, #tpu.memory_space<vmem>>) dst(%dma_wait3A_1028 : memref<32768xf32, #tpu.memory_space<hbm>>)
    %dma_wait3A_1029 = arith.constant 1 : i32
    %dma_wait3A_1030 = arith.constant 98304 : i32
    %dma_wait3A_1031 = tpu.memref_slice %arg3[%add3A_4, %dma_wait3A_1029, %dma_wait3A_1030] : memref<64x4x131072xf32, #tpu.memory_space<hbm>> -> memref<1x1x32768xf32, #tpu.memory_space<hbm>>
    %dma_wait3A_1032 = tpu.memref_squeeze %dma_wait3A_1031 : memref<1x1x32768xf32, #tpu.memory_space<hbm>> -> memref<32768xf32, #tpu.memory_space<hbm>>
    %dma_wait3A_1033 = arith.constant 98304 : i32
    %dma_wait3A_1034 = tpu.memref_slice %arg3[%add3A_4, %dma_wait3A_1029, %dma_wait3A_1033] : memref<64x4x131072xf32, #tpu.memory_space<hbm>> -> memref<1x1x32768xf32, #tpu.memory_space<hbm>>
    %dma_wait3A_1035 = tpu.memref_squeeze %dma_wait3A_1034 : memref<1x1x32768xf32, #tpu.memory_space<hbm>> -> memref<32768xf32, #tpu.memory_space<hbm>>
    tpu.wait_dma2 semaphore(%arg12 : memref<!tpu.dma_semaphore, #tpu.memory_space<semaphore_mem>>) src(%arg4 : memref<32768xf32, #tpu.memory_space<vmem>>) dst(%dma_wait3A_1035 : memref<32768xf32, #tpu.memory_space<hbm>>)
    %dma_wait3A_1036 = arith.constant 2 : i32
    %dma_wait3A_1037 = arith.constant 98304 : i32
    %dma_wait3A_1038 = tpu.memref_slice %arg3[%add3A_4, %dma_wait3A_1036, %dma_wait3A_1037] : memref<64x4x131072xf32, #tpu.memory_space<hbm>> -> memref<1x1x32768xf32, #tpu.memory_space<hbm>>
    %dma_wait3A_1039 = tpu.memref_squeeze %dma_wait3A_1038 : memref<1x1x32768xf32, #tpu.memory_space<hbm>> -> memref<32768xf32, #tpu.memory_space<hbm>>
    %dma_wait3A_1040 = arith.constant 98304 : i32
    %dma_wait3A_1041 = tpu.memref_slice %arg3[%add3A_4, %dma_wait3A_1036, %dma_wait3A_1040] : memref<64x4x131072xf32, #tpu.memory_space<hbm>> -> memref<1x1x32768xf32, #tpu.memory_space<hbm>>
    %dma_wait3A_1042 = tpu.memref_squeeze %dma_wait3A_1041 : memref<1x1x32768xf32, #tpu.memory_space<hbm>> -> memref<32768xf32, #tpu.memory_space<hbm>>
    tpu.wait_dma2 semaphore(%arg12 : memref<!tpu.dma_semaphore, #tpu.memory_space<semaphore_mem>>) src(%arg4 : memref<32768xf32, #tpu.memory_space<vmem>>) dst(%dma_wait3A_1042 : memref<32768xf32, #tpu.memory_space<hbm>>)
    %dma_wait3A_1043 = arith.constant 3 : i32
    %dma_wait3A_1044 = arith.constant 98304 : i32
    %dma_wait3A_1045 = tpu.memref_slice %arg3[%add3A_4, %dma_wait3A_1043, %dma_wait3A_1044] : memref<64x4x131072xf32, #tpu.memory_space<hbm>> -> memref<1x1x32768xf32, #tpu.memory_space<hbm>>
    %dma_wait3A_1046 = tpu.memref_squeeze %dma_wait3A_1045 : memref<1x1x32768xf32, #tpu.memory_space<hbm>> -> memref<32768xf32, #tpu.memory_space<hbm>>
    %dma_wait3A_1047 = arith.constant 98304 : i32
    %dma_wait3A_1048 = tpu.memref_slice %arg3[%add3A_4, %dma_wait3A_1043, %dma_wait3A_1047] : memref<64x4x131072xf32, #tpu.memory_space<hbm>> -> memref<1x1x32768xf32, #tpu.memory_space<hbm>>
    %dma_wait3A_1049 = tpu.memref_squeeze %dma_wait3A_1048 : memref<1x1x32768xf32, #tpu.memory_space<hbm>> -> memref<32768xf32, #tpu.memory_space<hbm>>
    tpu.wait_dma2 semaphore(%arg12 : memref<!tpu.dma_semaphore, #tpu.memory_space<semaphore_mem>>) src(%arg4 : memref<32768xf32, #tpu.memory_space<vmem>>) dst(%dma_wait3A_1049 : memref<32768xf32, #tpu.memory_space<hbm>>)
    %dma_start3A_1050 = arith.constant 65536 : i32
    %dma_start3A_1051 = tpu.memref_slice %arg2[%add3A_8, %dma_start3A_1050] : memref<64x131072xf32, #tpu.memory_space<hbm>> -> memref<1x32768xf32, #tpu.memory_space<hbm>>
    %dma_start3A_1052 = tpu.memref_squeeze %dma_start3A_1051 : memref<1x32768xf32, #tpu.memory_space<hbm>> -> memref<32768xf32, #tpu.memory_space<hbm>>
    %dma_start3A_1053 = arith.constant 65536 : i32
    %dma_start3A_1054 = tpu.memref_slice %arg2[%add3A_8, %dma_start3A_1053] : memref<64x131072xf32, #tpu.memory_space<hbm>> -> memref<1x32768xf32, #tpu.memory_space<hbm>>
    %dma_start3A_1055 = tpu.memref_squeeze %dma_start3A_1054 : memref<1x32768xf32, #tpu.memory_space<hbm>> -> memref<32768xf32, #tpu.memory_space<hbm>>
    tpu.enqueue_dma source(%dma_start3A_1055 : memref<32768xf32, #tpu.memory_space<hbm>>) target(%arg4 : memref<32768xf32, #tpu.memory_space<vmem>>) target_semaphore(%arg9 : memref<!tpu.dma_semaphore, #tpu.memory_space<semaphore_mem>>)
    %dma_wait3A_1056 = arith.constant 0 : i32
    %dma_wait3A_1057 = tpu.memref_slice %arg2[%add3A_8, %dma_wait3A_1056] : memref<64x131072xf32, #tpu.memory_space<hbm>> -> memref<1x32768xf32, #tpu.memory_space<hbm>>
    %dma_wait3A_1058 = tpu.memref_squeeze %dma_wait3A_1057 : memref<1x32768xf32, #tpu.memory_space<hbm>> -> memref<32768xf32, #tpu.memory_space<hbm>>
    %dma_wait3A_1059 = arith.constant 0 : i32
    %dma_wait3A_1060 = tpu.memref_slice %arg2[%add3A_8, %dma_wait3A_1059] : memref<64x131072xf32, #tpu.memory_space<hbm>> -> memref<1x32768xf32, #tpu.memory_space<hbm>>
    %dma_wait3A_1061 = tpu.memref_squeeze %dma_wait3A_1060 : memref<1x32768xf32, #tpu.memory_space<hbm>> -> memref<32768xf32, #tpu.memory_space<hbm>>
    tpu.wait_dma2 semaphore(%arg10 : memref<!tpu.dma_semaphore, #tpu.memory_space<semaphore_mem>>) src(%dma_wait3A_1061 : memref<32768xf32, #tpu.memory_space<hbm>>) dst(%arg5 : memref<32768xf32, #tpu.memory_space<vmem>>)
    %dma_start3A_1062 = arith.constant 0 : i32
    %dma_start3A_1063 = arith.constant 0 : i32
    %dma_start3A_1064 = tpu.memref_slice %arg3[%add3A_8, %dma_start3A_1062, %dma_start3A_1063] : memref<64x4x131072xf32, #tpu.memory_space<hbm>> -> memref<1x1x32768xf32, #tpu.memory_space<hbm>>
    %dma_start3A_1065 = tpu.memref_squeeze %dma_start3A_1064 : memref<1x1x32768xf32, #tpu.memory_space<hbm>> -> memref<32768xf32, #tpu.memory_space<hbm>>
    %dma_start3A_1066 = arith.constant 0 : i32
    %dma_start3A_1067 = tpu.memref_slice %arg3[%add3A_8, %dma_start3A_1062, %dma_start3A_1066] : memref<64x4x131072xf32, #tpu.memory_space<hbm>> -> memref<1x1x32768xf32, #tpu.memory_space<hbm>>
    %dma_start3A_1068 = tpu.memref_squeeze %dma_start3A_1067 : memref<1x1x32768xf32, #tpu.memory_space<hbm>> -> memref<32768xf32, #tpu.memory_space<hbm>>
    tpu.enqueue_dma source(%arg5 : memref<32768xf32, #tpu.memory_space<vmem>>) target(%dma_start3A_1068 : memref<32768xf32, #tpu.memory_space<hbm>>) target_semaphore(%arg13 : memref<!tpu.dma_semaphore, #tpu.memory_space<semaphore_mem>>)
    %dma_start3A_1069 = arith.constant 1 : i32
    %dma_start3A_1070 = arith.constant 0 : i32
    %dma_start3A_1071 = tpu.memref_slice %arg3[%add3A_8, %dma_start3A_1069, %dma_start3A_1070] : memref<64x4x131072xf32, #tpu.memory_space<hbm>> -> memref<1x1x32768xf32, #tpu.memory_space<hbm>>
    %dma_start3A_1072 = tpu.memref_squeeze %dma_start3A_1071 : memref<1x1x32768xf32, #tpu.memory_space<hbm>> -> memref<32768xf32, #tpu.memory_space<hbm>>
    %dma_start3A_1073 = arith.constant 0 : i32
    %dma_start3A_1074 = tpu.memref_slice %arg3[%add3A_8, %dma_start3A_1069, %dma_start3A_1073] : memref<64x4x131072xf32, #tpu.memory_space<hbm>> -> memref<1x1x32768xf32, #tpu.memory_space<hbm>>
    %dma_start3A_1075 = tpu.memref_squeeze %dma_start3A_1074 : memref<1x1x32768xf32, #tpu.memory_space<hbm>> -> memref<32768xf32, #tpu.memory_space<hbm>>
    tpu.enqueue_dma source(%arg5 : memref<32768xf32, #tpu.memory_space<vmem>>) target(%dma_start3A_1075 : memref<32768xf32, #tpu.memory_space<hbm>>) target_semaphore(%arg13 : memref<!tpu.dma_semaphore, #tpu.memory_space<semaphore_mem>>)
    %dma_start3A_1076 = arith.constant 2 : i32
    %dma_start3A_1077 = arith.constant 0 : i32
    %dma_start3A_1078 = tpu.memref_slice %arg3[%add3A_8, %dma_start3A_1076, %dma_start3A_1077] : memref<64x4x131072xf32, #tpu.memory_space<hbm>> -> memref<1x1x32768xf32, #tpu.memory_space<hbm>>
    %dma_start3A_1079 = tpu.memref_squeeze %dma_start3A_1078 : memref<1x1x32768xf32, #tpu.memory_space<hbm>> -> memref<32768xf32, #tpu.memory_space<hbm>>
    %dma_start3A_1080 = arith.constant 0 : i32
    %dma_start3A_1081 = tpu.memref_slice %arg3[%add3A_8, %dma_start3A_1076, %dma_start3A_1080] : memref<64x4x131072xf32, #tpu.memory_space<hbm>> -> memref<1x1x32768xf32, #tpu.memory_space<hbm>>
    %dma_start3A_1082 = tpu.memref_squeeze %dma_start3A_1081 : memref<1x1x32768xf32, #tpu.memory_space<hbm>> -> memref<32768xf32, #tpu.memory_space<hbm>>
    tpu.enqueue_dma source(%arg5 : memref<32768xf32, #tpu.memory_space<vmem>>) target(%dma_start3A_1082 : memref<32768xf32, #tpu.memory_space<hbm>>) target_semaphore(%arg13 : memref<!tpu.dma_semaphore, #tpu.memory_space<semaphore_mem>>)
    %dma_start3A_1083 = arith.constant 3 : i32
    %dma_start3A_1084 = arith.constant 0 : i32
    %dma_start3A_1085 = tpu.memref_slice %arg3[%add3A_8, %dma_start3A_1083, %dma_start3A_1084] : memref<64x4x131072xf32, #tpu.memory_space<hbm>> -> memref<1x1x32768xf32, #tpu.memory_space<hbm>>
    %dma_start3A_1086 = tpu.memref_squeeze %dma_start3A_1085 : memref<1x1x32768xf32, #tpu.memory_space<hbm>> -> memref<32768xf32, #tpu.memory_space<hbm>>
    %dma_start3A_1087 = arith.constant 0 : i32
    %dma_start3A_1088 = tpu.memref_slice %arg3[%add3A_8, %dma_start3A_1083, %dma_start3A_1087] : memref<64x4x131072xf32, #tpu.memory_space<hbm>> -> memref<1x1x32768xf32, #tpu.memory_space<hbm>>
    %dma_start3A_1089 = tpu.memref_squeeze %dma_start3A_1088 : memref<1x1x32768xf32, #tpu.memory_space<hbm>> -> memref<32768xf32, #tpu.memory_space<hbm>>
    tpu.enqueue_dma source(%arg5 : memref<32768xf32, #tpu.memory_space<vmem>>) target(%dma_start3A_1089 : memref<32768xf32, #tpu.memory_space<hbm>>) target_semaphore(%arg13 : memref<!tpu.dma_semaphore, #tpu.memory_space<semaphore_mem>>)
    %dma_wait3A_1090 = arith.constant 0 : i32
    %dma_wait3A_1091 = arith.constant 0 : i32
    %dma_wait3A_1092 = tpu.memref_slice %arg3[%add3A_8, %dma_wait3A_1090, %dma_wait3A_1091] : memref<64x4x131072xf32, #tpu.memory_space<hbm>> -> memref<1x1x32768xf32, #tpu.memory_space<hbm>>
    %dma_wait3A_1093 = tpu.memref_squeeze %dma_wait3A_1092 : memref<1x1x32768xf32, #tpu.memory_space<hbm>> -> memref<32768xf32, #tpu.memory_space<hbm>>
    %dma_wait3A_1094 = arith.constant 0 : i32
    %dma_wait3A_1095 = tpu.memref_slice %arg3[%add3A_8, %dma_wait3A_1090, %dma_wait3A_1094] : memref<64x4x131072xf32, #tpu.memory_space<hbm>> -> memref<1x1x32768xf32, #tpu.memory_space<hbm>>
    %dma_wait3A_1096 = tpu.memref_squeeze %dma_wait3A_1095 : memref<1x1x32768xf32, #tpu.memory_space<hbm>> -> memref<32768xf32, #tpu.memory_space<hbm>>
    tpu.wait_dma2 semaphore(%arg13 : memref<!tpu.dma_semaphore, #tpu.memory_space<semaphore_mem>>) src(%arg5 : memref<32768xf32, #tpu.memory_space<vmem>>) dst(%dma_wait3A_1096 : memref<32768xf32, #tpu.memory_space<hbm>>)
    %dma_wait3A_1097 = arith.constant 1 : i32
    %dma_wait3A_1098 = arith.constant 0 : i32
    %dma_wait3A_1099 = tpu.memref_slice %arg3[%add3A_8, %dma_wait3A_1097, %dma_wait3A_1098] : memref<64x4x131072xf32, #tpu.memory_space<hbm>> -> memref<1x1x32768xf32, #tpu.memory_space<hbm>>
    %dma_wait3A_1100 = tpu.memref_squeeze %dma_wait3A_1099 : memref<1x1x32768xf32, #tpu.memory_space<hbm>> -> memref<32768xf32, #tpu.memory_space<hbm>>
    %dma_wait3A_1101 = arith.constant 0 : i32
    %dma_wait3A_1102 = tpu.memref_slice %arg3[%add3A_8, %dma_wait3A_1097, %dma_wait3A_1101] : memref<64x4x131072xf32, #tpu.memory_space<hbm>> -> memref<1x1x32768xf32, #tpu.memory_space<hbm>>
    %dma_wait3A_1103 = tpu.memref_squeeze %dma_wait3A_1102 : memref<1x1x32768xf32, #tpu.memory_space<hbm>> -> memref<32768xf32, #tpu.memory_space<hbm>>
    tpu.wait_dma2 semaphore(%arg13 : memref<!tpu.dma_semaphore, #tpu.memory_space<semaphore_mem>>) src(%arg5 : memref<32768xf32, #tpu.memory_space<vmem>>) dst(%dma_wait3A_1103 : memref<32768xf32, #tpu.memory_space<hbm>>)
    %dma_wait3A_1104 = arith.constant 2 : i32
    %dma_wait3A_1105 = arith.constant 0 : i32
    %dma_wait3A_1106 = tpu.memref_slice %arg3[%add3A_8, %dma_wait3A_1104, %dma_wait3A_1105] : memref<64x4x131072xf32, #tpu.memory_space<hbm>> -> memref<1x1x32768xf32, #tpu.memory_space<hbm>>
    %dma_wait3A_1107 = tpu.memref_squeeze %dma_wait3A_1106 : memref<1x1x32768xf32, #tpu.memory_space<hbm>> -> memref<32768xf32, #tpu.memory_space<hbm>>
    %dma_wait3A_1108 = arith.constant 0 : i32
    %dma_wait3A_1109 = tpu.memref_slice %arg3[%add3A_8, %dma_wait3A_1104, %dma_wait3A_1108] : memref<64x4x131072xf32, #tpu.memory_space<hbm>> -> memref<1x1x32768xf32, #tpu.memory_space<hbm>>
    %dma_wait3A_1110 = tpu.memref_squeeze %dma_wait3A_1109 : memref<1x1x32768xf32, #tpu.memory_space<hbm>> -> memref<32768xf32, #tpu.memory_space<hbm>>
    tpu.wait_dma2 semaphore(%arg13 : memref<!tpu.dma_semaphore, #tpu.memory_space<semaphore_mem>>) src(%arg5 : memref<32768xf32, #tpu.memory_space<vmem>>) dst(%dma_wait3A_1110 : memref<32768xf32, #tpu.memory_space<hbm>>)
    %dma_wait3A_1111 = arith.constant 3 : i32
    %dma_wait3A_1112 = arith.constant 0 : i32
    %dma_wait3A_1113 = tpu.memref_slice %arg3[%add3A_8, %dma_wait3A_1111, %dma_wait3A_1112] : memref<64x4x131072xf32, #tpu.memory_space<hbm>> -> memref<1x1x32768xf32, #tpu.memory_space<hbm>>
    %dma_wait3A_1114 = tpu.memref_squeeze %dma_wait3A_1113 : memref<1x1x32768xf32, #tpu.memory_space<hbm>> -> memref<32768xf32, #tpu.memory_space<hbm>>
    %dma_wait3A_1115 = arith.constant 0 : i32
    %dma_wait3A_1116 = tpu.memref_slice %arg3[%add3A_8, %dma_wait3A_1111, %dma_wait3A_1115] : memref<64x4x131072xf32, #tpu.memory_space<hbm>> -> memref<1x1x32768xf32, #tpu.memory_space<hbm>>
    %dma_wait3A_1117 = tpu.memref_squeeze %dma_wait3A_1116 : memref<1x1x32768xf32, #tpu.memory_space<hbm>> -> memref<32768xf32, #tpu.memory_space<hbm>>
    tpu.wait_dma2 semaphore(%arg13 : memref<!tpu.dma_semaphore, #tpu.memory_space<semaphore_mem>>) src(%arg5 : memref<32768xf32, #tpu.memory_space<vmem>>) dst(%dma_wait3A_1117 : memref<32768xf32, #tpu.memory_space<hbm>>)
    %dma_start3A_1118 = arith.constant 98304 : i32
    %dma_start3A_1119 = tpu.memref_slice %arg2[%add3A_8, %dma_start3A_1118] : memref<64x131072xf32, #tpu.memory_space<hbm>> -> memref<1x32768xf32, #tpu.memory_space<hbm>>
    %dma_start3A_1120 = tpu.memref_squeeze %dma_start3A_1119 : memref<1x32768xf32, #tpu.memory_space<hbm>> -> memref<32768xf32, #tpu.memory_space<hbm>>
    %dma_start3A_1121 = arith.constant 98304 : i32
    %dma_start3A_1122 = tpu.memref_slice %arg2[%add3A_8, %dma_start3A_1121] : memref<64x131072xf32, #tpu.memory_space<hbm>> -> memref<1x32768xf32, #tpu.memory_space<hbm>>
    %dma_start3A_1123 = tpu.memref_squeeze %dma_start3A_1122 : memref<1x32768xf32, #tpu.memory_space<hbm>> -> memref<32768xf32, #tpu.memory_space<hbm>>
    tpu.enqueue_dma source(%dma_start3A_1123 : memref<32768xf32, #tpu.memory_space<hbm>>) target(%arg5 : memref<32768xf32, #tpu.memory_space<vmem>>) target_semaphore(%arg10 : memref<!tpu.dma_semaphore, #tpu.memory_space<semaphore_mem>>)
    %dma_wait3A_1124 = arith.constant 32768 : i32
    %dma_wait3A_1125 = tpu.memref_slice %arg2[%add3A_8, %dma_wait3A_1124] : memref<64x131072xf32, #tpu.memory_space<hbm>> -> memref<1x32768xf32, #tpu.memory_space<hbm>>
    %dma_wait3A_1126 = tpu.memref_squeeze %dma_wait3A_1125 : memref<1x32768xf32, #tpu.memory_space<hbm>> -> memref<32768xf32, #tpu.memory_space<hbm>>
    %dma_wait3A_1127 = arith.constant 32768 : i32
    %dma_wait3A_1128 = tpu.memref_slice %arg2[%add3A_8, %dma_wait3A_1127] : memref<64x131072xf32, #tpu.memory_space<hbm>> -> memref<1x32768xf32, #tpu.memory_space<hbm>>
    %dma_wait3A_1129 = tpu.memref_squeeze %dma_wait3A_1128 : memref<1x32768xf32, #tpu.memory_space<hbm>> -> memref<32768xf32, #tpu.memory_space<hbm>>
    tpu.wait_dma2 semaphore(%arg11 : memref<!tpu.dma_semaphore, #tpu.memory_space<semaphore_mem>>) src(%dma_wait3A_1129 : memref<32768xf32, #tpu.memory_space<hbm>>) dst(%arg6 : memref<32768xf32, #tpu.memory_space<vmem>>)
    %dma_start3A_1130 = arith.constant 0 : i32
    %dma_start3A_1131 = arith.constant 32768 : i32
    %dma_start3A_1132 = tpu.memref_slice %arg3[%add3A_8, %dma_start3A_1130, %dma_start3A_1131] : memref<64x4x131072xf32, #tpu.memory_space<hbm>> -> memref<1x1x32768xf32, #tpu.memory_space<hbm>>
    %dma_start3A_1133 = tpu.memref_squeeze %dma_start3A_1132 : memref<1x1x32768xf32, #tpu.memory_space<hbm>> -> memref<32768xf32, #tpu.memory_space<hbm>>
    %dma_start3A_1134 = arith.constant 32768 : i32
    %dma_start3A_1135 = tpu.memref_slice %arg3[%add3A_8, %dma_start3A_1130, %dma_start3A_1134] : memref<64x4x131072xf32, #tpu.memory_space<hbm>> -> memref<1x1x32768xf32, #tpu.memory_space<hbm>>
    %dma_start3A_1136 = tpu.memref_squeeze %dma_start3A_1135 : memref<1x1x32768xf32, #tpu.memory_space<hbm>> -> memref<32768xf32, #tpu.memory_space<hbm>>
    tpu.enqueue_dma source(%arg6 : memref<32768xf32, #tpu.memory_space<vmem>>) target(%dma_start3A_1136 : memref<32768xf32, #tpu.memory_space<hbm>>) target_semaphore(%arg14 : memref<!tpu.dma_semaphore, #tpu.memory_space<semaphore_mem>>)
    %dma_start3A_1137 = arith.constant 1 : i32
    %dma_start3A_1138 = arith.constant 32768 : i32
    %dma_start3A_1139 = tpu.memref_slice %arg3[%add3A_8, %dma_start3A_1137, %dma_start3A_1138] : memref<64x4x131072xf32, #tpu.memory_space<hbm>> -> memref<1x1x32768xf32, #tpu.memory_space<hbm>>
    %dma_start3A_1140 = tpu.memref_squeeze %dma_start3A_1139 : memref<1x1x32768xf32, #tpu.memory_space<hbm>> -> memref<32768xf32, #tpu.memory_space<hbm>>
    %dma_start3A_1141 = arith.constant 32768 : i32
    %dma_start3A_1142 = tpu.memref_slice %arg3[%add3A_8, %dma_start3A_1137, %dma_start3A_1141] : memref<64x4x131072xf32, #tpu.memory_space<hbm>> -> memref<1x1x32768xf32, #tpu.memory_space<hbm>>
    %dma_start3A_1143 = tpu.memref_squeeze %dma_start3A_1142 : memref<1x1x32768xf32, #tpu.memory_space<hbm>> -> memref<32768xf32, #tpu.memory_space<hbm>>
    tpu.enqueue_dma source(%arg6 : memref<32768xf32, #tpu.memory_space<vmem>>) target(%dma_start3A_1143 : memref<32768xf32, #tpu.memory_space<hbm>>) target_semaphore(%arg14 : memref<!tpu.dma_semaphore, #tpu.memory_space<semaphore_mem>>)
    %dma_start3A_1144 = arith.constant 2 : i32
    %dma_start3A_1145 = arith.constant 32768 : i32
    %dma_start3A_1146 = tpu.memref_slice %arg3[%add3A_8, %dma_start3A_1144, %dma_start3A_1145] : memref<64x4x131072xf32, #tpu.memory_space<hbm>> -> memref<1x1x32768xf32, #tpu.memory_space<hbm>>
    %dma_start3A_1147 = tpu.memref_squeeze %dma_start3A_1146 : memref<1x1x32768xf32, #tpu.memory_space<hbm>> -> memref<32768xf32, #tpu.memory_space<hbm>>
    %dma_start3A_1148 = arith.constant 32768 : i32
    %dma_start3A_1149 = tpu.memref_slice %arg3[%add3A_8, %dma_start3A_1144, %dma_start3A_1148] : memref<64x4x131072xf32, #tpu.memory_space<hbm>> -> memref<1x1x32768xf32, #tpu.memory_space<hbm>>
    %dma_start3A_1150 = tpu.memref_squeeze %dma_start3A_1149 : memref<1x1x32768xf32, #tpu.memory_space<hbm>> -> memref<32768xf32, #tpu.memory_space<hbm>>
    tpu.enqueue_dma source(%arg6 : memref<32768xf32, #tpu.memory_space<vmem>>) target(%dma_start3A_1150 : memref<32768xf32, #tpu.memory_space<hbm>>) target_semaphore(%arg14 : memref<!tpu.dma_semaphore, #tpu.memory_space<semaphore_mem>>)
    %dma_start3A_1151 = arith.constant 3 : i32
    %dma_start3A_1152 = arith.constant 32768 : i32
    %dma_start3A_1153 = tpu.memref_slice %arg3[%add3A_8, %dma_start3A_1151, %dma_start3A_1152] : memref<64x4x131072xf32, #tpu.memory_space<hbm>> -> memref<1x1x32768xf32, #tpu.memory_space<hbm>>
    %dma_start3A_1154 = tpu.memref_squeeze %dma_start3A_1153 : memref<1x1x32768xf32, #tpu.memory_space<hbm>> -> memref<32768xf32, #tpu.memory_space<hbm>>
    %dma_start3A_1155 = arith.constant 32768 : i32
    %dma_start3A_1156 = tpu.memref_slice %arg3[%add3A_8, %dma_start3A_1151, %dma_start3A_1155] : memref<64x4x131072xf32, #tpu.memory_space<hbm>> -> memref<1x1x32768xf32, #tpu.memory_space<hbm>>
    %dma_start3A_1157 = tpu.memref_squeeze %dma_start3A_1156 : memref<1x1x32768xf32, #tpu.memory_space<hbm>> -> memref<32768xf32, #tpu.memory_space<hbm>>
    tpu.enqueue_dma source(%arg6 : memref<32768xf32, #tpu.memory_space<vmem>>) target(%dma_start3A_1157 : memref<32768xf32, #tpu.memory_space<hbm>>) target_semaphore(%arg14 : memref<!tpu.dma_semaphore, #tpu.memory_space<semaphore_mem>>)
    %dma_wait3A_1158 = arith.constant 65536 : i32
    %dma_wait3A_1159 = tpu.memref_slice %arg2[%add3A_8, %dma_wait3A_1158] : memref<64x131072xf32, #tpu.memory_space<hbm>> -> memref<1x32768xf32, #tpu.memory_space<hbm>>
    %dma_wait3A_1160 = tpu.memref_squeeze %dma_wait3A_1159 : memref<1x32768xf32, #tpu.memory_space<hbm>> -> memref<32768xf32, #tpu.memory_space<hbm>>
    %dma_wait3A_1161 = arith.constant 65536 : i32
    %dma_wait3A_1162 = tpu.memref_slice %arg2[%add3A_8, %dma_wait3A_1161] : memref<64x131072xf32, #tpu.memory_space<hbm>> -> memref<1x32768xf32, #tpu.memory_space<hbm>>
    %dma_wait3A_1163 = tpu.memref_squeeze %dma_wait3A_1162 : memref<1x32768xf32, #tpu.memory_space<hbm>> -> memref<32768xf32, #tpu.memory_space<hbm>>
    tpu.wait_dma2 semaphore(%arg9 : memref<!tpu.dma_semaphore, #tpu.memory_space<semaphore_mem>>) src(%dma_wait3A_1163 : memref<32768xf32, #tpu.memory_space<hbm>>) dst(%arg4 : memref<32768xf32, #tpu.memory_space<vmem>>)
    %dma_start3A_1164 = arith.constant 0 : i32
    %dma_start3A_1165 = arith.constant 65536 : i32
    %dma_start3A_1166 = tpu.memref_slice %arg3[%add3A_8, %dma_start3A_1164, %dma_start3A_1165] : memref<64x4x131072xf32, #tpu.memory_space<hbm>> -> memref<1x1x32768xf32, #tpu.memory_space<hbm>>
    %dma_start3A_1167 = tpu.memref_squeeze %dma_start3A_1166 : memref<1x1x32768xf32, #tpu.memory_space<hbm>> -> memref<32768xf32, #tpu.memory_space<hbm>>
    %dma_start3A_1168 = arith.constant 65536 : i32
    %dma_start3A_1169 = tpu.memref_slice %arg3[%add3A_8, %dma_start3A_1164, %dma_start3A_1168] : memref<64x4x131072xf32, #tpu.memory_space<hbm>> -> memref<1x1x32768xf32, #tpu.memory_space<hbm>>
    %dma_start3A_1170 = tpu.memref_squeeze %dma_start3A_1169 : memref<1x1x32768xf32, #tpu.memory_space<hbm>> -> memref<32768xf32, #tpu.memory_space<hbm>>
    tpu.enqueue_dma source(%arg4 : memref<32768xf32, #tpu.memory_space<vmem>>) target(%dma_start3A_1170 : memref<32768xf32, #tpu.memory_space<hbm>>) target_semaphore(%arg12 : memref<!tpu.dma_semaphore, #tpu.memory_space<semaphore_mem>>)
    %dma_start3A_1171 = arith.constant 1 : i32
    %dma_start3A_1172 = arith.constant 65536 : i32
    %dma_start3A_1173 = tpu.memref_slice %arg3[%add3A_8, %dma_start3A_1171, %dma_start3A_1172] : memref<64x4x131072xf32, #tpu.memory_space<hbm>> -> memref<1x1x32768xf32, #tpu.memory_space<hbm>>
    %dma_start3A_1174 = tpu.memref_squeeze %dma_start3A_1173 : memref<1x1x32768xf32, #tpu.memory_space<hbm>> -> memref<32768xf32, #tpu.memory_space<hbm>>
    %dma_start3A_1175 = arith.constant 65536 : i32
    %dma_start3A_1176 = tpu.memref_slice %arg3[%add3A_8, %dma_start3A_1171, %dma_start3A_1175] : memref<64x4x131072xf32, #tpu.memory_space<hbm>> -> memref<1x1x32768xf32, #tpu.memory_space<hbm>>
    %dma_start3A_1177 = tpu.memref_squeeze %dma_start3A_1176 : memref<1x1x32768xf32, #tpu.memory_space<hbm>> -> memref<32768xf32, #tpu.memory_space<hbm>>
    tpu.enqueue_dma source(%arg4 : memref<32768xf32, #tpu.memory_space<vmem>>) target(%dma_start3A_1177 : memref<32768xf32, #tpu.memory_space<hbm>>) target_semaphore(%arg12 : memref<!tpu.dma_semaphore, #tpu.memory_space<semaphore_mem>>)
    %dma_start3A_1178 = arith.constant 2 : i32
    %dma_start3A_1179 = arith.constant 65536 : i32
    %dma_start3A_1180 = tpu.memref_slice %arg3[%add3A_8, %dma_start3A_1178, %dma_start3A_1179] : memref<64x4x131072xf32, #tpu.memory_space<hbm>> -> memref<1x1x32768xf32, #tpu.memory_space<hbm>>
    %dma_start3A_1181 = tpu.memref_squeeze %dma_start3A_1180 : memref<1x1x32768xf32, #tpu.memory_space<hbm>> -> memref<32768xf32, #tpu.memory_space<hbm>>
    %dma_start3A_1182 = arith.constant 65536 : i32
    %dma_start3A_1183 = tpu.memref_slice %arg3[%add3A_8, %dma_start3A_1178, %dma_start3A_1182] : memref<64x4x131072xf32, #tpu.memory_space<hbm>> -> memref<1x1x32768xf32, #tpu.memory_space<hbm>>
    %dma_start3A_1184 = tpu.memref_squeeze %dma_start3A_1183 : memref<1x1x32768xf32, #tpu.memory_space<hbm>> -> memref<32768xf32, #tpu.memory_space<hbm>>
    tpu.enqueue_dma source(%arg4 : memref<32768xf32, #tpu.memory_space<vmem>>) target(%dma_start3A_1184 : memref<32768xf32, #tpu.memory_space<hbm>>) target_semaphore(%arg12 : memref<!tpu.dma_semaphore, #tpu.memory_space<semaphore_mem>>)
    %dma_start3A_1185 = arith.constant 3 : i32
    %dma_start3A_1186 = arith.constant 65536 : i32
    %dma_start3A_1187 = tpu.memref_slice %arg3[%add3A_8, %dma_start3A_1185, %dma_start3A_1186] : memref<64x4x131072xf32, #tpu.memory_space<hbm>> -> memref<1x1x32768xf32, #tpu.memory_space<hbm>>
    %dma_start3A_1188 = tpu.memref_squeeze %dma_start3A_1187 : memref<1x1x32768xf32, #tpu.memory_space<hbm>> -> memref<32768xf32, #tpu.memory_space<hbm>>
    %dma_start3A_1189 = arith.constant 65536 : i32
    %dma_start3A_1190 = tpu.memref_slice %arg3[%add3A_8, %dma_start3A_1185, %dma_start3A_1189] : memref<64x4x131072xf32, #tpu.memory_space<hbm>> -> memref<1x1x32768xf32, #tpu.memory_space<hbm>>
    %dma_start3A_1191 = tpu.memref_squeeze %dma_start3A_1190 : memref<1x1x32768xf32, #tpu.memory_space<hbm>> -> memref<32768xf32, #tpu.memory_space<hbm>>
    tpu.enqueue_dma source(%arg4 : memref<32768xf32, #tpu.memory_space<vmem>>) target(%dma_start3A_1191 : memref<32768xf32, #tpu.memory_space<hbm>>) target_semaphore(%arg12 : memref<!tpu.dma_semaphore, #tpu.memory_space<semaphore_mem>>)
    %dma_wait3A_1192 = arith.constant 98304 : i32
    %dma_wait3A_1193 = tpu.memref_slice %arg2[%add3A_8, %dma_wait3A_1192] : memref<64x131072xf32, #tpu.memory_space<hbm>> -> memref<1x32768xf32, #tpu.memory_space<hbm>>
    %dma_wait3A_1194 = tpu.memref_squeeze %dma_wait3A_1193 : memref<1x32768xf32, #tpu.memory_space<hbm>> -> memref<32768xf32, #tpu.memory_space<hbm>>
    %dma_wait3A_1195 = arith.constant 98304 : i32
    %dma_wait3A_1196 = tpu.memref_slice %arg2[%add3A_8, %dma_wait3A_1195] : memref<64x131072xf32, #tpu.memory_space<hbm>> -> memref<1x32768xf32, #tpu.memory_space<hbm>>
    %dma_wait3A_1197 = tpu.memref_squeeze %dma_wait3A_1196 : memref<1x32768xf32, #tpu.memory_space<hbm>> -> memref<32768xf32, #tpu.memory_space<hbm>>
    tpu.wait_dma2 semaphore(%arg10 : memref<!tpu.dma_semaphore, #tpu.memory_space<semaphore_mem>>) src(%dma_wait3A_1197 : memref<32768xf32, #tpu.memory_space<hbm>>) dst(%arg5 : memref<32768xf32, #tpu.memory_space<vmem>>)
    %dma_start3A_1198 = arith.constant 0 : i32
    %dma_start3A_1199 = arith.constant 98304 : i32
    %dma_start3A_1200 = tpu.memref_slice %arg3[%add3A_8, %dma_start3A_1198, %dma_start3A_1199] : memref<64x4x131072xf32, #tpu.memory_space<hbm>> -> memref<1x1x32768xf32, #tpu.memory_space<hbm>>
    %dma_start3A_1201 = tpu.memref_squeeze %dma_start3A_1200 : memref<1x1x32768xf32, #tpu.memory_space<hbm>> -> memref<32768xf32, #tpu.memory_space<hbm>>
    %dma_start3A_1202 = arith.constant 98304 : i32
    %dma_start3A_1203 = tpu.memref_slice %arg3[%add3A_8, %dma_start3A_1198, %dma_start3A_1202] : memref<64x4x131072xf32, #tpu.memory_space<hbm>> -> memref<1x1x32768xf32, #tpu.memory_space<hbm>>
    %dma_start3A_1204 = tpu.memref_squeeze %dma_start3A_1203 : memref<1x1x32768xf32, #tpu.memory_space<hbm>> -> memref<32768xf32, #tpu.memory_space<hbm>>
    tpu.enqueue_dma source(%arg5 : memref<32768xf32, #tpu.memory_space<vmem>>) target(%dma_start3A_1204 : memref<32768xf32, #tpu.memory_space<hbm>>) target_semaphore(%arg13 : memref<!tpu.dma_semaphore, #tpu.memory_space<semaphore_mem>>)
    %dma_start3A_1205 = arith.constant 1 : i32
    %dma_start3A_1206 = arith.constant 98304 : i32
    %dma_start3A_1207 = tpu.memref_slice %arg3[%add3A_8, %dma_start3A_1205, %dma_start3A_1206] : memref<64x4x131072xf32, #tpu.memory_space<hbm>> -> memref<1x1x32768xf32, #tpu.memory_space<hbm>>
    %dma_start3A_1208 = tpu.memref_squeeze %dma_start3A_1207 : memref<1x1x32768xf32, #tpu.memory_space<hbm>> -> memref<32768xf32, #tpu.memory_space<hbm>>
    %dma_start3A_1209 = arith.constant 98304 : i32
    %dma_start3A_1210 = tpu.memref_slice %arg3[%add3A_8, %dma_start3A_1205, %dma_start3A_1209] : memref<64x4x131072xf32, #tpu.memory_space<hbm>> -> memref<1x1x32768xf32, #tpu.memory_space<hbm>>
    %dma_start3A_1211 = tpu.memref_squeeze %dma_start3A_1210 : memref<1x1x32768xf32, #tpu.memory_space<hbm>> -> memref<32768xf32, #tpu.memory_space<hbm>>
    tpu.enqueue_dma source(%arg5 : memref<32768xf32, #tpu.memory_space<vmem>>) target(%dma_start3A_1211 : memref<32768xf32, #tpu.memory_space<hbm>>) target_semaphore(%arg13 : memref<!tpu.dma_semaphore, #tpu.memory_space<semaphore_mem>>)
    %dma_start3A_1212 = arith.constant 2 : i32
    %dma_start3A_1213 = arith.constant 98304 : i32
    %dma_start3A_1214 = tpu.memref_slice %arg3[%add3A_8, %dma_start3A_1212, %dma_start3A_1213] : memref<64x4x131072xf32, #tpu.memory_space<hbm>> -> memref<1x1x32768xf32, #tpu.memory_space<hbm>>
    %dma_start3A_1215 = tpu.memref_squeeze %dma_start3A_1214 : memref<1x1x32768xf32, #tpu.memory_space<hbm>> -> memref<32768xf32, #tpu.memory_space<hbm>>
    %dma_start3A_1216 = arith.constant 98304 : i32
    %dma_start3A_1217 = tpu.memref_slice %arg3[%add3A_8, %dma_start3A_1212, %dma_start3A_1216] : memref<64x4x131072xf32, #tpu.memory_space<hbm>> -> memref<1x1x32768xf32, #tpu.memory_space<hbm>>
    %dma_start3A_1218 = tpu.memref_squeeze %dma_start3A_1217 : memref<1x1x32768xf32, #tpu.memory_space<hbm>> -> memref<32768xf32, #tpu.memory_space<hbm>>
    tpu.enqueue_dma source(%arg5 : memref<32768xf32, #tpu.memory_space<vmem>>) target(%dma_start3A_1218 : memref<32768xf32, #tpu.memory_space<hbm>>) target_semaphore(%arg13 : memref<!tpu.dma_semaphore, #tpu.memory_space<semaphore_mem>>)
    %dma_start3A_1219 = arith.constant 3 : i32
    %dma_start3A_1220 = arith.constant 98304 : i32
    %dma_start3A_1221 = tpu.memref_slice %arg3[%add3A_8, %dma_start3A_1219, %dma_start3A_1220] : memref<64x4x131072xf32, #tpu.memory_space<hbm>> -> memref<1x1x32768xf32, #tpu.memory_space<hbm>>
    %dma_start3A_1222 = tpu.memref_squeeze %dma_start3A_1221 : memref<1x1x32768xf32, #tpu.memory_space<hbm>> -> memref<32768xf32, #tpu.memory_space<hbm>>
    %dma_start3A_1223 = arith.constant 98304 : i32
    %dma_start3A_1224 = tpu.memref_slice %arg3[%add3A_8, %dma_start3A_1219, %dma_start3A_1223] : memref<64x4x131072xf32, #tpu.memory_space<hbm>> -> memref<1x1x32768xf32, #tpu.memory_space<hbm>>
    %dma_start3A_1225 = tpu.memref_squeeze %dma_start3A_1224 : memref<1x1x32768xf32, #tpu.memory_space<hbm>> -> memref<32768xf32, #tpu.memory_space<hbm>>
    tpu.enqueue_dma source(%arg5 : memref<32768xf32, #tpu.memory_space<vmem>>) target(%dma_start3A_1225 : memref<32768xf32, #tpu.memory_space<hbm>>) target_semaphore(%arg13 : memref<!tpu.dma_semaphore, #tpu.memory_space<semaphore_mem>>)
    %dma_wait3A_1226 = arith.constant 0 : i32
    %dma_wait3A_1227 = arith.constant 32768 : i32
    %dma_wait3A_1228 = tpu.memref_slice %arg3[%add3A_8, %dma_wait3A_1226, %dma_wait3A_1227] : memref<64x4x131072xf32, #tpu.memory_space<hbm>> -> memref<1x1x32768xf32, #tpu.memory_space<hbm>>
    %dma_wait3A_1229 = tpu.memref_squeeze %dma_wait3A_1228 : memref<1x1x32768xf32, #tpu.memory_space<hbm>> -> memref<32768xf32, #tpu.memory_space<hbm>>
    %dma_wait3A_1230 = arith.constant 32768 : i32
    %dma_wait3A_1231 = tpu.memref_slice %arg3[%add3A_8, %dma_wait3A_1226, %dma_wait3A_1230] : memref<64x4x131072xf32, #tpu.memory_space<hbm>> -> memref<1x1x32768xf32, #tpu.memory_space<hbm>>
    %dma_wait3A_1232 = tpu.memref_squeeze %dma_wait3A_1231 : memref<1x1x32768xf32, #tpu.memory_space<hbm>> -> memref<32768xf32, #tpu.memory_space<hbm>>
    tpu.wait_dma2 semaphore(%arg14 : memref<!tpu.dma_semaphore, #tpu.memory_space<semaphore_mem>>) src(%arg6 : memref<32768xf32, #tpu.memory_space<vmem>>) dst(%dma_wait3A_1232 : memref<32768xf32, #tpu.memory_space<hbm>>)
    %dma_wait3A_1233 = arith.constant 1 : i32
    %dma_wait3A_1234 = arith.constant 32768 : i32
    %dma_wait3A_1235 = tpu.memref_slice %arg3[%add3A_8, %dma_wait3A_1233, %dma_wait3A_1234] : memref<64x4x131072xf32, #tpu.memory_space<hbm>> -> memref<1x1x32768xf32, #tpu.memory_space<hbm>>
    %dma_wait3A_1236 = tpu.memref_squeeze %dma_wait3A_1235 : memref<1x1x32768xf32, #tpu.memory_space<hbm>> -> memref<32768xf32, #tpu.memory_space<hbm>>
    %dma_wait3A_1237 = arith.constant 32768 : i32
    %dma_wait3A_1238 = tpu.memref_slice %arg3[%add3A_8, %dma_wait3A_1233, %dma_wait3A_1237] : memref<64x4x131072xf32, #tpu.memory_space<hbm>> -> memref<1x1x32768xf32, #tpu.memory_space<hbm>>
    %dma_wait3A_1239 = tpu.memref_squeeze %dma_wait3A_1238 : memref<1x1x32768xf32, #tpu.memory_space<hbm>> -> memref<32768xf32, #tpu.memory_space<hbm>>
    tpu.wait_dma2 semaphore(%arg14 : memref<!tpu.dma_semaphore, #tpu.memory_space<semaphore_mem>>) src(%arg6 : memref<32768xf32, #tpu.memory_space<vmem>>) dst(%dma_wait3A_1239 : memref<32768xf32, #tpu.memory_space<hbm>>)
    %dma_wait3A_1240 = arith.constant 2 : i32
    %dma_wait3A_1241 = arith.constant 32768 : i32
    %dma_wait3A_1242 = tpu.memref_slice %arg3[%add3A_8, %dma_wait3A_1240, %dma_wait3A_1241] : memref<64x4x131072xf32, #tpu.memory_space<hbm>> -> memref<1x1x32768xf32, #tpu.memory_space<hbm>>
    %dma_wait3A_1243 = tpu.memref_squeeze %dma_wait3A_1242 : memref<1x1x32768xf32, #tpu.memory_space<hbm>> -> memref<32768xf32, #tpu.memory_space<hbm>>
    %dma_wait3A_1244 = arith.constant 32768 : i32
    %dma_wait3A_1245 = tpu.memref_slice %arg3[%add3A_8, %dma_wait3A_1240, %dma_wait3A_1244] : memref<64x4x131072xf32, #tpu.memory_space<hbm>> -> memref<1x1x32768xf32, #tpu.memory_space<hbm>>
    %dma_wait3A_1246 = tpu.memref_squeeze %dma_wait3A_1245 : memref<1x1x32768xf32, #tpu.memory_space<hbm>> -> memref<32768xf32, #tpu.memory_space<hbm>>
    tpu.wait_dma2 semaphore(%arg14 : memref<!tpu.dma_semaphore, #tpu.memory_space<semaphore_mem>>) src(%arg6 : memref<32768xf32, #tpu.memory_space<vmem>>) dst(%dma_wait3A_1246 : memref<32768xf32, #tpu.memory_space<hbm>>)
    %dma_wait3A_1247 = arith.constant 3 : i32
    %dma_wait3A_1248 = arith.constant 32768 : i32
    %dma_wait3A_1249 = tpu.memref_slice %arg3[%add3A_8, %dma_wait3A_1247, %dma_wait3A_1248] : memref<64x4x131072xf32, #tpu.memory_space<hbm>> -> memref<1x1x32768xf32, #tpu.memory_space<hbm>>
    %dma_wait3A_1250 = tpu.memref_squeeze %dma_wait3A_1249 : memref<1x1x32768xf32, #tpu.memory_space<hbm>> -> memref<32768xf32, #tpu.memory_space<hbm>>
    %dma_wait3A_1251 = arith.constant 32768 : i32
    %dma_wait3A_1252 = tpu.memref_slice %arg3[%add3A_8, %dma_wait3A_1247, %dma_wait3A_1251] : memref<64x4x131072xf32, #tpu.memory_space<hbm>> -> memref<1x1x32768xf32, #tpu.memory_space<hbm>>
    %dma_wait3A_1253 = tpu.memref_squeeze %dma_wait3A_1252 : memref<1x1x32768xf32, #tpu.memory_space<hbm>> -> memref<32768xf32, #tpu.memory_space<hbm>>
    tpu.wait_dma2 semaphore(%arg14 : memref<!tpu.dma_semaphore, #tpu.memory_space<semaphore_mem>>) src(%arg6 : memref<32768xf32, #tpu.memory_space<vmem>>) dst(%dma_wait3A_1253 : memref<32768xf32, #tpu.memory_space<hbm>>)
    %dma_wait3A_1254 = arith.constant 0 : i32
    %dma_wait3A_1255 = arith.constant 65536 : i32
    %dma_wait3A_1256 = tpu.memref_slice %arg3[%add3A_8, %dma_wait3A_1254, %dma_wait3A_1255] : memref<64x4x131072xf32, #tpu.memory_space<hbm>> -> memref<1x1x32768xf32, #tpu.memory_space<hbm>>
    %dma_wait3A_1257 = tpu.memref_squeeze %dma_wait3A_1256 : memref<1x1x32768xf32, #tpu.memory_space<hbm>> -> memref<32768xf32, #tpu.memory_space<hbm>>
    %dma_wait3A_1258 = arith.constant 65536 : i32
    %dma_wait3A_1259 = tpu.memref_slice %arg3[%add3A_8, %dma_wait3A_1254, %dma_wait3A_1258] : memref<64x4x131072xf32, #tpu.memory_space<hbm>> -> memref<1x1x32768xf32, #tpu.memory_space<hbm>>
    %dma_wait3A_1260 = tpu.memref_squeeze %dma_wait3A_1259 : memref<1x1x32768xf32, #tpu.memory_space<hbm>> -> memref<32768xf32, #tpu.memory_space<hbm>>
    tpu.wait_dma2 semaphore(%arg12 : memref<!tpu.dma_semaphore, #tpu.memory_space<semaphore_mem>>) src(%arg4 : memref<32768xf32, #tpu.memory_space<vmem>>) dst(%dma_wait3A_1260 : memref<32768xf32, #tpu.memory_space<hbm>>)
    %dma_wait3A_1261 = arith.constant 1 : i32
    %dma_wait3A_1262 = arith.constant 65536 : i32
    %dma_wait3A_1263 = tpu.memref_slice %arg3[%add3A_8, %dma_wait3A_1261, %dma_wait3A_1262] : memref<64x4x131072xf32, #tpu.memory_space<hbm>> -> memref<1x1x32768xf32, #tpu.memory_space<hbm>>
    %dma_wait3A_1264 = tpu.memref_squeeze %dma_wait3A_1263 : memref<1x1x32768xf32, #tpu.memory_space<hbm>> -> memref<32768xf32, #tpu.memory_space<hbm>>
    %dma_wait3A_1265 = arith.constant 65536 : i32
    %dma_wait3A_1266 = tpu.memref_slice %arg3[%add3A_8, %dma_wait3A_1261, %dma_wait3A_1265] : memref<64x4x131072xf32, #tpu.memory_space<hbm>> -> memref<1x1x32768xf32, #tpu.memory_space<hbm>>
    %dma_wait3A_1267 = tpu.memref_squeeze %dma_wait3A_1266 : memref<1x1x32768xf32, #tpu.memory_space<hbm>> -> memref<32768xf32, #tpu.memory_space<hbm>>
    tpu.wait_dma2 semaphore(%arg12 : memref<!tpu.dma_semaphore, #tpu.memory_space<semaphore_mem>>) src(%arg4 : memref<32768xf32, #tpu.memory_space<vmem>>) dst(%dma_wait3A_1267 : memref<32768xf32, #tpu.memory_space<hbm>>)
    %dma_wait3A_1268 = arith.constant 2 : i32
    %dma_wait3A_1269 = arith.constant 65536 : i32
    %dma_wait3A_1270 = tpu.memref_slice %arg3[%add3A_8, %dma_wait3A_1268, %dma_wait3A_1269] : memref<64x4x131072xf32, #tpu.memory_space<hbm>> -> memref<1x1x32768xf32, #tpu.memory_space<hbm>>
    %dma_wait3A_1271 = tpu.memref_squeeze %dma_wait3A_1270 : memref<1x1x32768xf32, #tpu.memory_space<hbm>> -> memref<32768xf32, #tpu.memory_space<hbm>>
    %dma_wait3A_1272 = arith.constant 65536 : i32
    %dma_wait3A_1273 = tpu.memref_slice %arg3[%add3A_8, %dma_wait3A_1268, %dma_wait3A_1272] : memref<64x4x131072xf32, #tpu.memory_space<hbm>> -> memref<1x1x32768xf32, #tpu.memory_space<hbm>>
    %dma_wait3A_1274 = tpu.memref_squeeze %dma_wait3A_1273 : memref<1x1x32768xf32, #tpu.memory_space<hbm>> -> memref<32768xf32, #tpu.memory_space<hbm>>
    tpu.wait_dma2 semaphore(%arg12 : memref<!tpu.dma_semaphore, #tpu.memory_space<semaphore_mem>>) src(%arg4 : memref<32768xf32, #tpu.memory_space<vmem>>) dst(%dma_wait3A_1274 : memref<32768xf32, #tpu.memory_space<hbm>>)
    %dma_wait3A_1275 = arith.constant 3 : i32
    %dma_wait3A_1276 = arith.constant 65536 : i32
    %dma_wait3A_1277 = tpu.memref_slice %arg3[%add3A_8, %dma_wait3A_1275, %dma_wait3A_1276] : memref<64x4x131072xf32, #tpu.memory_space<hbm>> -> memref<1x1x32768xf32, #tpu.memory_space<hbm>>
    %dma_wait3A_1278 = tpu.memref_squeeze %dma_wait3A_1277 : memref<1x1x32768xf32, #tpu.memory_space<hbm>> -> memref<32768xf32, #tpu.memory_space<hbm>>
    %dma_wait3A_1279 = arith.constant 65536 : i32
    %dma_wait3A_1280 = tpu.memref_slice %arg3[%add3A_8, %dma_wait3A_1275, %dma_wait3A_1279] : memref<64x4x131072xf32, #tpu.memory_space<hbm>> -> memref<1x1x32768xf32, #tpu.memory_space<hbm>>
    %dma_wait3A_1281 = tpu.memref_squeeze %dma_wait3A_1280 : memref<1x1x32768xf32, #tpu.memory_space<hbm>> -> memref<32768xf32, #tpu.memory_space<hbm>>
    tpu.wait_dma2 semaphore(%arg12 : memref<!tpu.dma_semaphore, #tpu.memory_space<semaphore_mem>>) src(%arg4 : memref<32768xf32, #tpu.memory_space<vmem>>) dst(%dma_wait3A_1281 : memref<32768xf32, #tpu.memory_space<hbm>>)
    %dma_wait3A_1282 = arith.constant 0 : i32
    %dma_wait3A_1283 = arith.constant 98304 : i32
    %dma_wait3A_1284 = tpu.memref_slice %arg3[%add3A_8, %dma_wait3A_1282, %dma_wait3A_1283] : memref<64x4x131072xf32, #tpu.memory_space<hbm>> -> memref<1x1x32768xf32, #tpu.memory_space<hbm>>
    %dma_wait3A_1285 = tpu.memref_squeeze %dma_wait3A_1284 : memref<1x1x32768xf32, #tpu.memory_space<hbm>> -> memref<32768xf32, #tpu.memory_space<hbm>>
    %dma_wait3A_1286 = arith.constant 98304 : i32
    %dma_wait3A_1287 = tpu.memref_slice %arg3[%add3A_8, %dma_wait3A_1282, %dma_wait3A_1286] : memref<64x4x131072xf32, #tpu.memory_space<hbm>> -> memref<1x1x32768xf32, #tpu.memory_space<hbm>>
    %dma_wait3A_1288 = tpu.memref_squeeze %dma_wait3A_1287 : memref<1x1x32768xf32, #tpu.memory_space<hbm>> -> memref<32768xf32, #tpu.memory_space<hbm>>
    tpu.wait_dma2 semaphore(%arg13 : memref<!tpu.dma_semaphore, #tpu.memory_space<semaphore_mem>>) src(%arg5 : memref<32768xf32, #tpu.memory_space<vmem>>) dst(%dma_wait3A_1288 : memref<32768xf32, #tpu.memory_space<hbm>>)
    %dma_wait3A_1289 = arith.constant 1 : i32
    %dma_wait3A_1290 = arith.constant 98304 : i32
    %dma_wait3A_1291 = tpu.memref_slice %arg3[%add3A_8, %dma_wait3A_1289, %dma_wait3A_1290] : memref<64x4x131072xf32, #tpu.memory_space<hbm>> -> memref<1x1x32768xf32, #tpu.memory_space<hbm>>
    %dma_wait3A_1292 = tpu.memref_squeeze %dma_wait3A_1291 : memref<1x1x32768xf32, #tpu.memory_space<hbm>> -> memref<32768xf32, #tpu.memory_space<hbm>>
    %dma_wait3A_1293 = arith.constant 98304 : i32
    %dma_wait3A_1294 = tpu.memref_slice %arg3[%add3A_8, %dma_wait3A_1289, %dma_wait3A_1293] : memref<64x4x131072xf32, #tpu.memory_space<hbm>> -> memref<1x1x32768xf32, #tpu.memory_space<hbm>>
    %dma_wait3A_1295 = tpu.memref_squeeze %dma_wait3A_1294 : memref<1x1x32768xf32, #tpu.memory_space<hbm>> -> memref<32768xf32, #tpu.memory_space<hbm>>
    tpu.wait_dma2 semaphore(%arg13 : memref<!tpu.dma_semaphore, #tpu.memory_space<semaphore_mem>>) src(%arg5 : memref<32768xf32, #tpu.memory_space<vmem>>) dst(%dma_wait3A_1295 : memref<32768xf32, #tpu.memory_space<hbm>>)
    %dma_wait3A_1296 = arith.constant 2 : i32
    %dma_wait3A_1297 = arith.constant 98304 : i32
    %dma_wait3A_1298 = tpu.memref_slice %arg3[%add3A_8, %dma_wait3A_1296, %dma_wait3A_1297] : memref<64x4x131072xf32, #tpu.memory_space<hbm>> -> memref<1x1x32768xf32, #tpu.memory_space<hbm>>
    %dma_wait3A_1299 = tpu.memref_squeeze %dma_wait3A_1298 : memref<1x1x32768xf32, #tpu.memory_space<hbm>> -> memref<32768xf32, #tpu.memory_space<hbm>>
    %dma_wait3A_1300 = arith.constant 98304 : i32
    %dma_wait3A_1301 = tpu.memref_slice %arg3[%add3A_8, %dma_wait3A_1296, %dma_wait3A_1300] : memref<64x4x131072xf32, #tpu.memory_space<hbm>> -> memref<1x1x32768xf32, #tpu.memory_space<hbm>>
    %dma_wait3A_1302 = tpu.memref_squeeze %dma_wait3A_1301 : memref<1x1x32768xf32, #tpu.memory_space<hbm>> -> memref<32768xf32, #tpu.memory_space<hbm>>
    tpu.wait_dma2 semaphore(%arg13 : memref<!tpu.dma_semaphore, #tpu.memory_space<semaphore_mem>>) src(%arg5 : memref<32768xf32, #tpu.memory_space<vmem>>) dst(%dma_wait3A_1302 : memref<32768xf32, #tpu.memory_space<hbm>>)
    %dma_wait3A_1303 = arith.constant 3 : i32
    %dma_wait3A_1304 = arith.constant 98304 : i32
    %dma_wait3A_1305 = tpu.memref_slice %arg3[%add3A_8, %dma_wait3A_1303, %dma_wait3A_1304] : memref<64x4x131072xf32, #tpu.memory_space<hbm>> -> memref<1x1x32768xf32, #tpu.memory_space<hbm>>
    %dma_wait3A_1306 = tpu.memref_squeeze %dma_wait3A_1305 : memref<1x1x32768xf32, #tpu.memory_space<hbm>> -> memref<32768xf32, #tpu.memory_space<hbm>>
    %dma_wait3A_1307 = arith.constant 98304 : i32
    %dma_wait3A_1308 = tpu.memref_slice %arg3[%add3A_8, %dma_wait3A_1303, %dma_wait3A_1307] : memref<64x4x131072xf32, #tpu.memory_space<hbm>> -> memref<1x1x32768xf32, #tpu.memory_space<hbm>>
    %dma_wait3A_1309 = tpu.memref_squeeze %dma_wait3A_1308 : memref<1x1x32768xf32, #tpu.memory_space<hbm>> -> memref<32768xf32, #tpu.memory_space<hbm>>
    tpu.wait_dma2 semaphore(%arg13 : memref<!tpu.dma_semaphore, #tpu.memory_space<semaphore_mem>>) src(%arg5 : memref<32768xf32, #tpu.memory_space<vmem>>) dst(%dma_wait3A_1309 : memref<32768xf32, #tpu.memory_space<hbm>>)
    %mul3A_1310 = arith.constant 2048 : i32
    %mul3A_1311 = arith.muli %add3A_4, %mul3A_1310 : i32
    %dma_start3A_1312 = arith.constant 0 : i32
    %dma_start3A_1313 = arith.constant 0 : i32
    %dma_start3A_1314 = arith.constant 0 : i32
    %dma_start3A_1315 = arith.constant 0 : i32
    %dma_start3A_1316 = tpu.memref_slice %arg8[%dma_start3A_1312, %dma_start3A_1313, %dma_start3A_1315] : memref<2x4x2048xf32, #tpu.memory_space<vmem>> -> memref<1x1x2048xf32, #tpu.memory_space<vmem>>
    %dma_start3A_1317 = tpu.memref_squeeze %dma_start3A_1316 : memref<1x1x2048xf32, #tpu.memory_space<vmem>> -> memref<2048xf32, #tpu.memory_space<vmem>>
    %dma_start3A_1318 = tpu.memref_slice %arg3[%add3A_4, %dma_start3A_1314, %mul3A_1311] : memref<64x4x131072xf32, #tpu.memory_space<hbm>> -> memref<1x1x2048xf32, #tpu.memory_space<hbm>>
    %dma_start3A_1319 = tpu.memref_squeeze %dma_start3A_1318 : memref<1x1x2048xf32, #tpu.memory_space<hbm>> -> memref<2048xf32, #tpu.memory_space<hbm>>
    %dma_start3A_1320 = tpu.memref_slice %arg3[%add3A_4, %dma_start3A_1314, %mul3A_1311] : memref<64x4x131072xf32, #tpu.memory_space<hbm>> -> memref<1x1x2048xf32, #tpu.memory_space<hbm>>
    %dma_start3A_1321 = tpu.memref_squeeze %dma_start3A_1320 : memref<1x1x2048xf32, #tpu.memory_space<hbm>> -> memref<2048xf32, #tpu.memory_space<hbm>>
    %dma_start3A_1322 = arith.constant 0 : i32
    %dma_start3A_1323 = tpu.memref_slice %arg8[%dma_start3A_1312, %dma_start3A_1313, %dma_start3A_1322] : memref<2x4x2048xf32, #tpu.memory_space<vmem>> -> memref<1x1x2048xf32, #tpu.memory_space<vmem>>
    %dma_start3A_1324 = tpu.memref_squeeze %dma_start3A_1323 : memref<1x1x2048xf32, #tpu.memory_space<vmem>> -> memref<2048xf32, #tpu.memory_space<vmem>>
    tpu.enqueue_dma source(%dma_start3A_1324 : memref<2048xf32, #tpu.memory_space<vmem>>) target(%dma_start3A_1321 : memref<2048xf32, #tpu.memory_space<hbm>>) target_semaphore(%arg15 : memref<!tpu.dma_semaphore, #tpu.memory_space<semaphore_mem>>)
    %mul3A_1325 = arith.constant 2048 : i32
    %mul3A_1326 = arith.muli %add3A_4, %mul3A_1325 : i32
    %dma_start3A_1327 = arith.constant 0 : i32
    %dma_start3A_1328 = arith.constant 1 : i32
    %dma_start3A_1329 = arith.constant 1 : i32
    %dma_start3A_1330 = arith.constant 0 : i32
    %dma_start3A_1331 = tpu.memref_slice %arg8[%dma_start3A_1327, %dma_start3A_1328, %dma_start3A_1330] : memref<2x4x2048xf32, #tpu.memory_space<vmem>> -> memref<1x1x2048xf32, #tpu.memory_space<vmem>>
    %dma_start3A_1332 = tpu.memref_squeeze %dma_start3A_1331 : memref<1x1x2048xf32, #tpu.memory_space<vmem>> -> memref<2048xf32, #tpu.memory_space<vmem>>
    %dma_start3A_1333 = tpu.memref_slice %arg3[%add3A_4, %dma_start3A_1329, %mul3A_1326] : memref<64x4x131072xf32, #tpu.memory_space<hbm>> -> memref<1x1x2048xf32, #tpu.memory_space<hbm>>
    %dma_start3A_1334 = tpu.memref_squeeze %dma_start3A_1333 : memref<1x1x2048xf32, #tpu.memory_space<hbm>> -> memref<2048xf32, #tpu.memory_space<hbm>>
    %dma_start3A_1335 = tpu.memref_slice %arg3[%add3A_4, %dma_start3A_1329, %mul3A_1326] : memref<64x4x131072xf32, #tpu.memory_space<hbm>> -> memref<1x1x2048xf32, #tpu.memory_space<hbm>>
    %dma_start3A_1336 = tpu.memref_squeeze %dma_start3A_1335 : memref<1x1x2048xf32, #tpu.memory_space<hbm>> -> memref<2048xf32, #tpu.memory_space<hbm>>
    %dma_start3A_1337 = arith.constant 0 : i32
    %dma_start3A_1338 = tpu.memref_slice %arg8[%dma_start3A_1327, %dma_start3A_1328, %dma_start3A_1337] : memref<2x4x2048xf32, #tpu.memory_space<vmem>> -> memref<1x1x2048xf32, #tpu.memory_space<vmem>>
    %dma_start3A_1339 = tpu.memref_squeeze %dma_start3A_1338 : memref<1x1x2048xf32, #tpu.memory_space<vmem>> -> memref<2048xf32, #tpu.memory_space<vmem>>
    tpu.enqueue_dma source(%dma_start3A_1339 : memref<2048xf32, #tpu.memory_space<vmem>>) target(%dma_start3A_1336 : memref<2048xf32, #tpu.memory_space<hbm>>) target_semaphore(%arg15 : memref<!tpu.dma_semaphore, #tpu.memory_space<semaphore_mem>>)
    %mul3A_1340 = arith.constant 2048 : i32
    %mul3A_1341 = arith.muli %add3A_4, %mul3A_1340 : i32
    %dma_start3A_1342 = arith.constant 0 : i32
    %dma_start3A_1343 = arith.constant 2 : i32
    %dma_start3A_1344 = arith.constant 2 : i32
    %dma_start3A_1345 = arith.constant 0 : i32
    %dma_start3A_1346 = tpu.memref_slice %arg8[%dma_start3A_1342, %dma_start3A_1343, %dma_start3A_1345] : memref<2x4x2048xf32, #tpu.memory_space<vmem>> -> memref<1x1x2048xf32, #tpu.memory_space<vmem>>
    %dma_start3A_1347 = tpu.memref_squeeze %dma_start3A_1346 : memref<1x1x2048xf32, #tpu.memory_space<vmem>> -> memref<2048xf32, #tpu.memory_space<vmem>>
    %dma_start3A_1348 = tpu.memref_slice %arg3[%add3A_4, %dma_start3A_1344, %mul3A_1341] : memref<64x4x131072xf32, #tpu.memory_space<hbm>> -> memref<1x1x2048xf32, #tpu.memory_space<hbm>>
    %dma_start3A_1349 = tpu.memref_squeeze %dma_start3A_1348 : memref<1x1x2048xf32, #tpu.memory_space<hbm>> -> memref<2048xf32, #tpu.memory_space<hbm>>
    %dma_start3A_1350 = tpu.memref_slice %arg3[%add3A_4, %dma_start3A_1344, %mul3A_1341] : memref<64x4x131072xf32, #tpu.memory_space<hbm>> -> memref<1x1x2048xf32, #tpu.memory_space<hbm>>
    %dma_start3A_1351 = tpu.memref_squeeze %dma_start3A_1350 : memref<1x1x2048xf32, #tpu.memory_space<hbm>> -> memref<2048xf32, #tpu.memory_space<hbm>>
    %dma_start3A_1352 = arith.constant 0 : i32
    %dma_start3A_1353 = tpu.memref_slice %arg8[%dma_start3A_1342, %dma_start3A_1343, %dma_start3A_1352] : memref<2x4x2048xf32, #tpu.memory_space<vmem>> -> memref<1x1x2048xf32, #tpu.memory_space<vmem>>
    %dma_start3A_1354 = tpu.memref_squeeze %dma_start3A_1353 : memref<1x1x2048xf32, #tpu.memory_space<vmem>> -> memref<2048xf32, #tpu.memory_space<vmem>>
    tpu.enqueue_dma source(%dma_start3A_1354 : memref<2048xf32, #tpu.memory_space<vmem>>) target(%dma_start3A_1351 : memref<2048xf32, #tpu.memory_space<hbm>>) target_semaphore(%arg15 : memref<!tpu.dma_semaphore, #tpu.memory_space<semaphore_mem>>)
    %mul3A_1355 = arith.constant 2048 : i32
    %mul3A_1356 = arith.muli %add3A_4, %mul3A_1355 : i32
    %dma_start3A_1357 = arith.constant 0 : i32
    %dma_start3A_1358 = arith.constant 3 : i32
    %dma_start3A_1359 = arith.constant 3 : i32
    %dma_start3A_1360 = arith.constant 0 : i32
    %dma_start3A_1361 = tpu.memref_slice %arg8[%dma_start3A_1357, %dma_start3A_1358, %dma_start3A_1360] : memref<2x4x2048xf32, #tpu.memory_space<vmem>> -> memref<1x1x2048xf32, #tpu.memory_space<vmem>>
    %dma_start3A_1362 = tpu.memref_squeeze %dma_start3A_1361 : memref<1x1x2048xf32, #tpu.memory_space<vmem>> -> memref<2048xf32, #tpu.memory_space<vmem>>
    %dma_start3A_1363 = tpu.memref_slice %arg3[%add3A_4, %dma_start3A_1359, %mul3A_1356] : memref<64x4x131072xf32, #tpu.memory_space<hbm>> -> memref<1x1x2048xf32, #tpu.memory_space<hbm>>
    %dma_start3A_1364 = tpu.memref_squeeze %dma_start3A_1363 : memref<1x1x2048xf32, #tpu.memory_space<hbm>> -> memref<2048xf32, #tpu.memory_space<hbm>>
    %dma_start3A_1365 = tpu.memref_slice %arg3[%add3A_4, %dma_start3A_1359, %mul3A_1356] : memref<64x4x131072xf32, #tpu.memory_space<hbm>> -> memref<1x1x2048xf32, #tpu.memory_space<hbm>>
    %dma_start3A_1366 = tpu.memref_squeeze %dma_start3A_1365 : memref<1x1x2048xf32, #tpu.memory_space<hbm>> -> memref<2048xf32, #tpu.memory_space<hbm>>
    %dma_start3A_1367 = arith.constant 0 : i32
    %dma_start3A_1368 = tpu.memref_slice %arg8[%dma_start3A_1357, %dma_start3A_1358, %dma_start3A_1367] : memref<2x4x2048xf32, #tpu.memory_space<vmem>> -> memref<1x1x2048xf32, #tpu.memory_space<vmem>>
    %dma_start3A_1369 = tpu.memref_squeeze %dma_start3A_1368 : memref<1x1x2048xf32, #tpu.memory_space<vmem>> -> memref<2048xf32, #tpu.memory_space<vmem>>
    tpu.enqueue_dma source(%dma_start3A_1369 : memref<2048xf32, #tpu.memory_space<vmem>>) target(%dma_start3A_1366 : memref<2048xf32, #tpu.memory_space<hbm>>) target_semaphore(%arg15 : memref<!tpu.dma_semaphore, #tpu.memory_space<semaphore_mem>>)
    %mul3A_1370 = arith.constant 2048 : i32
    %mul3A_1371 = arith.muli %add3A_8, %mul3A_1370 : i32
    %dma_start3A_1372 = arith.constant 1 : i32
    %dma_start3A_1373 = arith.constant 0 : i32
    %dma_start3A_1374 = arith.constant 0 : i32
    %dma_start3A_1375 = arith.constant 0 : i32
    %dma_start3A_1376 = tpu.memref_slice %arg8[%dma_start3A_1372, %dma_start3A_1373, %dma_start3A_1375] : memref<2x4x2048xf32, #tpu.memory_space<vmem>> -> memref<1x1x2048xf32, #tpu.memory_space<vmem>>
    %dma_start3A_1377 = tpu.memref_squeeze %dma_start3A_1376 : memref<1x1x2048xf32, #tpu.memory_space<vmem>> -> memref<2048xf32, #tpu.memory_space<vmem>>
    %dma_start3A_1378 = tpu.memref_slice %arg3[%add3A_8, %dma_start3A_1374, %mul3A_1371] : memref<64x4x131072xf32, #tpu.memory_space<hbm>> -> memref<1x1x2048xf32, #tpu.memory_space<hbm>>
    %dma_start3A_1379 = tpu.memref_squeeze %dma_start3A_1378 : memref<1x1x2048xf32, #tpu.memory_space<hbm>> -> memref<2048xf32, #tpu.memory_space<hbm>>
    %dma_start3A_1380 = tpu.memref_slice %arg3[%add3A_8, %dma_start3A_1374, %mul3A_1371] : memref<64x4x131072xf32, #tpu.memory_space<hbm>> -> memref<1x1x2048xf32, #tpu.memory_space<hbm>>
    %dma_start3A_1381 = tpu.memref_squeeze %dma_start3A_1380 : memref<1x1x2048xf32, #tpu.memory_space<hbm>> -> memref<2048xf32, #tpu.memory_space<hbm>>
    %dma_start3A_1382 = arith.constant 0 : i32
    %dma_start3A_1383 = tpu.memref_slice %arg8[%dma_start3A_1372, %dma_start3A_1373, %dma_start3A_1382] : memref<2x4x2048xf32, #tpu.memory_space<vmem>> -> memref<1x1x2048xf32, #tpu.memory_space<vmem>>
    %dma_start3A_1384 = tpu.memref_squeeze %dma_start3A_1383 : memref<1x1x2048xf32, #tpu.memory_space<vmem>> -> memref<2048xf32, #tpu.memory_space<vmem>>
    tpu.enqueue_dma source(%dma_start3A_1384 : memref<2048xf32, #tpu.memory_space<vmem>>) target(%dma_start3A_1381 : memref<2048xf32, #tpu.memory_space<hbm>>) target_semaphore(%arg15 : memref<!tpu.dma_semaphore, #tpu.memory_space<semaphore_mem>>)
    %mul3A_1385 = arith.constant 2048 : i32
    %mul3A_1386 = arith.muli %add3A_8, %mul3A_1385 : i32
    %dma_start3A_1387 = arith.constant 1 : i32
    %dma_start3A_1388 = arith.constant 1 : i32
    %dma_start3A_1389 = arith.constant 1 : i32
    %dma_start3A_1390 = arith.constant 0 : i32
    %dma_start3A_1391 = tpu.memref_slice %arg8[%dma_start3A_1387, %dma_start3A_1388, %dma_start3A_1390] : memref<2x4x2048xf32, #tpu.memory_space<vmem>> -> memref<1x1x2048xf32, #tpu.memory_space<vmem>>
    %dma_start3A_1392 = tpu.memref_squeeze %dma_start3A_1391 : memref<1x1x2048xf32, #tpu.memory_space<vmem>> -> memref<2048xf32, #tpu.memory_space<vmem>>
    %dma_start3A_1393 = tpu.memref_slice %arg3[%add3A_8, %dma_start3A_1389, %mul3A_1386] : memref<64x4x131072xf32, #tpu.memory_space<hbm>> -> memref<1x1x2048xf32, #tpu.memory_space<hbm>>
    %dma_start3A_1394 = tpu.memref_squeeze %dma_start3A_1393 : memref<1x1x2048xf32, #tpu.memory_space<hbm>> -> memref<2048xf32, #tpu.memory_space<hbm>>
    %dma_start3A_1395 = tpu.memref_slice %arg3[%add3A_8, %dma_start3A_1389, %mul3A_1386] : memref<64x4x131072xf32, #tpu.memory_space<hbm>> -> memref<1x1x2048xf32, #tpu.memory_space<hbm>>
    %dma_start3A_1396 = tpu.memref_squeeze %dma_start3A_1395 : memref<1x1x2048xf32, #tpu.memory_space<hbm>> -> memref<2048xf32, #tpu.memory_space<hbm>>
    %dma_start3A_1397 = arith.constant 0 : i32
    %dma_start3A_1398 = tpu.memref_slice %arg8[%dma_start3A_1387, %dma_start3A_1388, %dma_start3A_1397] : memref<2x4x2048xf32, #tpu.memory_space<vmem>> -> memref<1x1x2048xf32, #tpu.memory_space<vmem>>
    %dma_start3A_1399 = tpu.memref_squeeze %dma_start3A_1398 : memref<1x1x2048xf32, #tpu.memory_space<vmem>> -> memref<2048xf32, #tpu.memory_space<vmem>>
    tpu.enqueue_dma source(%dma_start3A_1399 : memref<2048xf32, #tpu.memory_space<vmem>>) target(%dma_start3A_1396 : memref<2048xf32, #tpu.memory_space<hbm>>) target_semaphore(%arg15 : memref<!tpu.dma_semaphore, #tpu.memory_space<semaphore_mem>>)
    %mul3A_1400 = arith.constant 2048 : i32
    %mul3A_1401 = arith.muli %add3A_8, %mul3A_1400 : i32
    %dma_start3A_1402 = arith.constant 1 : i32
    %dma_start3A_1403 = arith.constant 2 : i32
    %dma_start3A_1404 = arith.constant 2 : i32
    %dma_start3A_1405 = arith.constant 0 : i32
    %dma_start3A_1406 = tpu.memref_slice %arg8[%dma_start3A_1402, %dma_start3A_1403, %dma_start3A_1405] : memref<2x4x2048xf32, #tpu.memory_space<vmem>> -> memref<1x1x2048xf32, #tpu.memory_space<vmem>>
    %dma_start3A_1407 = tpu.memref_squeeze %dma_start3A_1406 : memref<1x1x2048xf32, #tpu.memory_space<vmem>> -> memref<2048xf32, #tpu.memory_space<vmem>>
    %dma_start3A_1408 = tpu.memref_slice %arg3[%add3A_8, %dma_start3A_1404, %mul3A_1401] : memref<64x4x131072xf32, #tpu.memory_space<hbm>> -> memref<1x1x2048xf32, #tpu.memory_space<hbm>>
    %dma_start3A_1409 = tpu.memref_squeeze %dma_start3A_1408 : memref<1x1x2048xf32, #tpu.memory_space<hbm>> -> memref<2048xf32, #tpu.memory_space<hbm>>
    %dma_start3A_1410 = tpu.memref_slice %arg3[%add3A_8, %dma_start3A_1404, %mul3A_1401] : memref<64x4x131072xf32, #tpu.memory_space<hbm>> -> memref<1x1x2048xf32, #tpu.memory_space<hbm>>
    %dma_start3A_1411 = tpu.memref_squeeze %dma_start3A_1410 : memref<1x1x2048xf32, #tpu.memory_space<hbm>> -> memref<2048xf32, #tpu.memory_space<hbm>>
    %dma_start3A_1412 = arith.constant 0 : i32
    %dma_start3A_1413 = tpu.memref_slice %arg8[%dma_start3A_1402, %dma_start3A_1403, %dma_start3A_1412] : memref<2x4x2048xf32, #tpu.memory_space<vmem>> -> memref<1x1x2048xf32, #tpu.memory_space<vmem>>
    %dma_start3A_1414 = tpu.memref_squeeze %dma_start3A_1413 : memref<1x1x2048xf32, #tpu.memory_space<vmem>> -> memref<2048xf32, #tpu.memory_space<vmem>>
    tpu.enqueue_dma source(%dma_start3A_1414 : memref<2048xf32, #tpu.memory_space<vmem>>) target(%dma_start3A_1411 : memref<2048xf32, #tpu.memory_space<hbm>>) target_semaphore(%arg15 : memref<!tpu.dma_semaphore, #tpu.memory_space<semaphore_mem>>)
    %mul3A_1415 = arith.constant 2048 : i32
    %mul3A_1416 = arith.muli %add3A_8, %mul3A_1415 : i32
    %dma_start3A_1417 = arith.constant 1 : i32
    %dma_start3A_1418 = arith.constant 3 : i32
    %dma_start3A_1419 = arith.constant 3 : i32
    %dma_start3A_1420 = arith.constant 0 : i32
    %dma_start3A_1421 = tpu.memref_slice %arg8[%dma_start3A_1417, %dma_start3A_1418, %dma_start3A_1420] : memref<2x4x2048xf32, #tpu.memory_space<vmem>> -> memref<1x1x2048xf32, #tpu.memory_space<vmem>>
    %dma_start3A_1422 = tpu.memref_squeeze %dma_start3A_1421 : memref<1x1x2048xf32, #tpu.memory_space<vmem>> -> memref<2048xf32, #tpu.memory_space<vmem>>
    %dma_start3A_1423 = tpu.memref_slice %arg3[%add3A_8, %dma_start3A_1419, %mul3A_1416] : memref<64x4x131072xf32, #tpu.memory_space<hbm>> -> memref<1x1x2048xf32, #tpu.memory_space<hbm>>
    %dma_start3A_1424 = tpu.memref_squeeze %dma_start3A_1423 : memref<1x1x2048xf32, #tpu.memory_space<hbm>> -> memref<2048xf32, #tpu.memory_space<hbm>>
    %dma_start3A_1425 = tpu.memref_slice %arg3[%add3A_8, %dma_start3A_1419, %mul3A_1416] : memref<64x4x131072xf32, #tpu.memory_space<hbm>> -> memref<1x1x2048xf32, #tpu.memory_space<hbm>>
    %dma_start3A_1426 = tpu.memref_squeeze %dma_start3A_1425 : memref<1x1x2048xf32, #tpu.memory_space<hbm>> -> memref<2048xf32, #tpu.memory_space<hbm>>
    %dma_start3A_1427 = arith.constant 0 : i32
    %dma_start3A_1428 = tpu.memref_slice %arg8[%dma_start3A_1417, %dma_start3A_1418, %dma_start3A_1427] : memref<2x4x2048xf32, #tpu.memory_space<vmem>> -> memref<1x1x2048xf32, #tpu.memory_space<vmem>>
    %dma_start3A_1429 = tpu.memref_squeeze %dma_start3A_1428 : memref<1x1x2048xf32, #tpu.memory_space<vmem>> -> memref<2048xf32, #tpu.memory_space<vmem>>
    tpu.enqueue_dma source(%dma_start3A_1429 : memref<2048xf32, #tpu.memory_space<vmem>>) target(%dma_start3A_1426 : memref<2048xf32, #tpu.memory_space<hbm>>) target_semaphore(%arg15 : memref<!tpu.dma_semaphore, #tpu.memory_space<semaphore_mem>>)
    %dma_wait3A_1430 = arith.constant 0 : i32
    %dma_wait3A_1431 = arith.constant 0 : i32
    %dma_wait3A_1432 = arith.constant 0 : i32
    %dma_wait3A_1433 = arith.constant 0 : i32
    %dma_wait3A_1434 = tpu.memref_slice %arg8[%dma_wait3A_1430, %dma_wait3A_1431, %dma_wait3A_1433] : memref<2x4x2048xf32, #tpu.memory_space<vmem>> -> memref<1x1x2048xf32, #tpu.memory_space<vmem>>
    %dma_wait3A_1435 = tpu.memref_squeeze %dma_wait3A_1434 : memref<1x1x2048xf32, #tpu.memory_space<vmem>> -> memref<2048xf32, #tpu.memory_space<vmem>>
    %dma_wait3A_1436 = tpu.memref_slice %arg3[%add3A_4, %dma_wait3A_1432, %mul3A_1311] : memref<64x4x131072xf32, #tpu.memory_space<hbm>> -> memref<1x1x2048xf32, #tpu.memory_space<hbm>>
    %dma_wait3A_1437 = tpu.memref_squeeze %dma_wait3A_1436 : memref<1x1x2048xf32, #tpu.memory_space<hbm>> -> memref<2048xf32, #tpu.memory_space<hbm>>
    %dma_wait3A_1438 = tpu.memref_slice %arg3[%add3A_4, %dma_wait3A_1432, %mul3A_1311] : memref<64x4x131072xf32, #tpu.memory_space<hbm>> -> memref<1x1x2048xf32, #tpu.memory_space<hbm>>
    %dma_wait3A_1439 = tpu.memref_squeeze %dma_wait3A_1438 : memref<1x1x2048xf32, #tpu.memory_space<hbm>> -> memref<2048xf32, #tpu.memory_space<hbm>>
    %dma_wait3A_1440 = arith.constant 0 : i32
    %dma_wait3A_1441 = tpu.memref_slice %arg8[%dma_wait3A_1430, %dma_wait3A_1431, %dma_wait3A_1440] : memref<2x4x2048xf32, #tpu.memory_space<vmem>> -> memref<1x1x2048xf32, #tpu.memory_space<vmem>>
    %dma_wait3A_1442 = tpu.memref_squeeze %dma_wait3A_1441 : memref<1x1x2048xf32, #tpu.memory_space<vmem>> -> memref<2048xf32, #tpu.memory_space<vmem>>
    tpu.wait_dma2 semaphore(%arg15 : memref<!tpu.dma_semaphore, #tpu.memory_space<semaphore_mem>>) src(%dma_wait3A_1442 : memref<2048xf32, #tpu.memory_space<vmem>>) dst(%dma_wait3A_1439 : memref<2048xf32, #tpu.memory_space<hbm>>)
    %dma_wait3A_1443 = arith.constant 0 : i32
    %dma_wait3A_1444 = arith.constant 1 : i32
    %dma_wait3A_1445 = arith.constant 1 : i32
    %dma_wait3A_1446 = arith.constant 0 : i32
    %dma_wait3A_1447 = tpu.memref_slice %arg8[%dma_wait3A_1443, %dma_wait3A_1444, %dma_wait3A_1446] : memref<2x4x2048xf32, #tpu.memory_space<vmem>> -> memref<1x1x2048xf32, #tpu.memory_space<vmem>>
    %dma_wait3A_1448 = tpu.memref_squeeze %dma_wait3A_1447 : memref<1x1x2048xf32, #tpu.memory_space<vmem>> -> memref<2048xf32, #tpu.memory_space<vmem>>
    %dma_wait3A_1449 = tpu.memref_slice %arg3[%add3A_4, %dma_wait3A_1445, %mul3A_1326] : memref<64x4x131072xf32, #tpu.memory_space<hbm>> -> memref<1x1x2048xf32, #tpu.memory_space<hbm>>
    %dma_wait3A_1450 = tpu.memref_squeeze %dma_wait3A_1449 : memref<1x1x2048xf32, #tpu.memory_space<hbm>> -> memref<2048xf32, #tpu.memory_space<hbm>>
    %dma_wait3A_1451 = tpu.memref_slice %arg3[%add3A_4, %dma_wait3A_1445, %mul3A_1326] : memref<64x4x131072xf32, #tpu.memory_space<hbm>> -> memref<1x1x2048xf32, #tpu.memory_space<hbm>>
    %dma_wait3A_1452 = tpu.memref_squeeze %dma_wait3A_1451 : memref<1x1x2048xf32, #tpu.memory_space<hbm>> -> memref<2048xf32, #tpu.memory_space<hbm>>
    %dma_wait3A_1453 = arith.constant 0 : i32
    %dma_wait3A_1454 = tpu.memref_slice %arg8[%dma_wait3A_1443, %dma_wait3A_1444, %dma_wait3A_1453] : memref<2x4x2048xf32, #tpu.memory_space<vmem>> -> memref<1x1x2048xf32, #tpu.memory_space<vmem>>
    %dma_wait3A_1455 = tpu.memref_squeeze %dma_wait3A_1454 : memref<1x1x2048xf32, #tpu.memory_space<vmem>> -> memref<2048xf32, #tpu.memory_space<vmem>>
    tpu.wait_dma2 semaphore(%arg15 : memref<!tpu.dma_semaphore, #tpu.memory_space<semaphore_mem>>) src(%dma_wait3A_1455 : memref<2048xf32, #tpu.memory_space<vmem>>) dst(%dma_wait3A_1452 : memref<2048xf32, #tpu.memory_space<hbm>>)
    %dma_wait3A_1456 = arith.constant 0 : i32
    %dma_wait3A_1457 = arith.constant 2 : i32
    %dma_wait3A_1458 = arith.constant 2 : i32
    %dma_wait3A_1459 = arith.constant 0 : i32
    %dma_wait3A_1460 = tpu.memref_slice %arg8[%dma_wait3A_1456, %dma_wait3A_1457, %dma_wait3A_1459] : memref<2x4x2048xf32, #tpu.memory_space<vmem>> -> memref<1x1x2048xf32, #tpu.memory_space<vmem>>
    %dma_wait3A_1461 = tpu.memref_squeeze %dma_wait3A_1460 : memref<1x1x2048xf32, #tpu.memory_space<vmem>> -> memref<2048xf32, #tpu.memory_space<vmem>>
    %dma_wait3A_1462 = tpu.memref_slice %arg3[%add3A_4, %dma_wait3A_1458, %mul3A_1341] : memref<64x4x131072xf32, #tpu.memory_space<hbm>> -> memref<1x1x2048xf32, #tpu.memory_space<hbm>>
    %dma_wait3A_1463 = tpu.memref_squeeze %dma_wait3A_1462 : memref<1x1x2048xf32, #tpu.memory_space<hbm>> -> memref<2048xf32, #tpu.memory_space<hbm>>
    %dma_wait3A_1464 = tpu.memref_slice %arg3[%add3A_4, %dma_wait3A_1458, %mul3A_1341] : memref<64x4x131072xf32, #tpu.memory_space<hbm>> -> memref<1x1x2048xf32, #tpu.memory_space<hbm>>
    %dma_wait3A_1465 = tpu.memref_squeeze %dma_wait3A_1464 : memref<1x1x2048xf32, #tpu.memory_space<hbm>> -> memref<2048xf32, #tpu.memory_space<hbm>>
    %dma_wait3A_1466 = arith.constant 0 : i32
    %dma_wait3A_1467 = tpu.memref_slice %arg8[%dma_wait3A_1456, %dma_wait3A_1457, %dma_wait3A_1466] : memref<2x4x2048xf32, #tpu.memory_space<vmem>> -> memref<1x1x2048xf32, #tpu.memory_space<vmem>>
    %dma_wait3A_1468 = tpu.memref_squeeze %dma_wait3A_1467 : memref<1x1x2048xf32, #tpu.memory_space<vmem>> -> memref<2048xf32, #tpu.memory_space<vmem>>
    tpu.wait_dma2 semaphore(%arg15 : memref<!tpu.dma_semaphore, #tpu.memory_space<semaphore_mem>>) src(%dma_wait3A_1468 : memref<2048xf32, #tpu.memory_space<vmem>>) dst(%dma_wait3A_1465 : memref<2048xf32, #tpu.memory_space<hbm>>)
    %dma_wait3A_1469 = arith.constant 0 : i32
    %dma_wait3A_1470 = arith.constant 3 : i32
    %dma_wait3A_1471 = arith.constant 3 : i32
    %dma_wait3A_1472 = arith.constant 0 : i32
    %dma_wait3A_1473 = tpu.memref_slice %arg8[%dma_wait3A_1469, %dma_wait3A_1470, %dma_wait3A_1472] : memref<2x4x2048xf32, #tpu.memory_space<vmem>> -> memref<1x1x2048xf32, #tpu.memory_space<vmem>>
    %dma_wait3A_1474 = tpu.memref_squeeze %dma_wait3A_1473 : memref<1x1x2048xf32, #tpu.memory_space<vmem>> -> memref<2048xf32, #tpu.memory_space<vmem>>
    %dma_wait3A_1475 = tpu.memref_slice %arg3[%add3A_4, %dma_wait3A_1471, %mul3A_1356] : memref<64x4x131072xf32, #tpu.memory_space<hbm>> -> memref<1x1x2048xf32, #tpu.memory_space<hbm>>
    %dma_wait3A_1476 = tpu.memref_squeeze %dma_wait3A_1475 : memref<1x1x2048xf32, #tpu.memory_space<hbm>> -> memref<2048xf32, #tpu.memory_space<hbm>>
    %dma_wait3A_1477 = tpu.memref_slice %arg3[%add3A_4, %dma_wait3A_1471, %mul3A_1356] : memref<64x4x131072xf32, #tpu.memory_space<hbm>> -> memref<1x1x2048xf32, #tpu.memory_space<hbm>>
    %dma_wait3A_1478 = tpu.memref_squeeze %dma_wait3A_1477 : memref<1x1x2048xf32, #tpu.memory_space<hbm>> -> memref<2048xf32, #tpu.memory_space<hbm>>
    %dma_wait3A_1479 = arith.constant 0 : i32
    %dma_wait3A_1480 = tpu.memref_slice %arg8[%dma_wait3A_1469, %dma_wait3A_1470, %dma_wait3A_1479] : memref<2x4x2048xf32, #tpu.memory_space<vmem>> -> memref<1x1x2048xf32, #tpu.memory_space<vmem>>
    %dma_wait3A_1481 = tpu.memref_squeeze %dma_wait3A_1480 : memref<1x1x2048xf32, #tpu.memory_space<vmem>> -> memref<2048xf32, #tpu.memory_space<vmem>>
    tpu.wait_dma2 semaphore(%arg15 : memref<!tpu.dma_semaphore, #tpu.memory_space<semaphore_mem>>) src(%dma_wait3A_1481 : memref<2048xf32, #tpu.memory_space<vmem>>) dst(%dma_wait3A_1478 : memref<2048xf32, #tpu.memory_space<hbm>>)
    %dma_wait3A_1482 = arith.constant 1 : i32
    %dma_wait3A_1483 = arith.constant 0 : i32
    %dma_wait3A_1484 = arith.constant 0 : i32
    %dma_wait3A_1485 = arith.constant 0 : i32
    %dma_wait3A_1486 = tpu.memref_slice %arg8[%dma_wait3A_1482, %dma_wait3A_1483, %dma_wait3A_1485] : memref<2x4x2048xf32, #tpu.memory_space<vmem>> -> memref<1x1x2048xf32, #tpu.memory_space<vmem>>
    %dma_wait3A_1487 = tpu.memref_squeeze %dma_wait3A_1486 : memref<1x1x2048xf32, #tpu.memory_space<vmem>> -> memref<2048xf32, #tpu.memory_space<vmem>>
    %dma_wait3A_1488 = tpu.memref_slice %arg3[%add3A_8, %dma_wait3A_1484, %mul3A_1371] : memref<64x4x131072xf32, #tpu.memory_space<hbm>> -> memref<1x1x2048xf32, #tpu.memory_space<hbm>>
    %dma_wait3A_1489 = tpu.memref_squeeze %dma_wait3A_1488 : memref<1x1x2048xf32, #tpu.memory_space<hbm>> -> memref<2048xf32, #tpu.memory_space<hbm>>
    %dma_wait3A_1490 = tpu.memref_slice %arg3[%add3A_8, %dma_wait3A_1484, %mul3A_1371] : memref<64x4x131072xf32, #tpu.memory_space<hbm>> -> memref<1x1x2048xf32, #tpu.memory_space<hbm>>
    %dma_wait3A_1491 = tpu.memref_squeeze %dma_wait3A_1490 : memref<1x1x2048xf32, #tpu.memory_space<hbm>> -> memref<2048xf32, #tpu.memory_space<hbm>>
    %dma_wait3A_1492 = arith.constant 0 : i32
    %dma_wait3A_1493 = tpu.memref_slice %arg8[%dma_wait3A_1482, %dma_wait3A_1483, %dma_wait3A_1492] : memref<2x4x2048xf32, #tpu.memory_space<vmem>> -> memref<1x1x2048xf32, #tpu.memory_space<vmem>>
    %dma_wait3A_1494 = tpu.memref_squeeze %dma_wait3A_1493 : memref<1x1x2048xf32, #tpu.memory_space<vmem>> -> memref<2048xf32, #tpu.memory_space<vmem>>
    tpu.wait_dma2 semaphore(%arg15 : memref<!tpu.dma_semaphore, #tpu.memory_space<semaphore_mem>>) src(%dma_wait3A_1494 : memref<2048xf32, #tpu.memory_space<vmem>>) dst(%dma_wait3A_1491 : memref<2048xf32, #tpu.memory_space<hbm>>)
    %dma_wait3A_1495 = arith.constant 1 : i32
    %dma_wait3A_1496 = arith.constant 1 : i32
    %dma_wait3A_1497 = arith.constant 1 : i32
    %dma_wait3A_1498 = arith.constant 0 : i32
    %dma_wait3A_1499 = tpu.memref_slice %arg8[%dma_wait3A_1495, %dma_wait3A_1496, %dma_wait3A_1498] : memref<2x4x2048xf32, #tpu.memory_space<vmem>> -> memref<1x1x2048xf32, #tpu.memory_space<vmem>>
    %dma_wait3A_1500 = tpu.memref_squeeze %dma_wait3A_1499 : memref<1x1x2048xf32, #tpu.memory_space<vmem>> -> memref<2048xf32, #tpu.memory_space<vmem>>
    %dma_wait3A_1501 = tpu.memref_slice %arg3[%add3A_8, %dma_wait3A_1497, %mul3A_1386] : memref<64x4x131072xf32, #tpu.memory_space<hbm>> -> memref<1x1x2048xf32, #tpu.memory_space<hbm>>
    %dma_wait3A_1502 = tpu.memref_squeeze %dma_wait3A_1501 : memref<1x1x2048xf32, #tpu.memory_space<hbm>> -> memref<2048xf32, #tpu.memory_space<hbm>>
    %dma_wait3A_1503 = tpu.memref_slice %arg3[%add3A_8, %dma_wait3A_1497, %mul3A_1386] : memref<64x4x131072xf32, #tpu.memory_space<hbm>> -> memref<1x1x2048xf32, #tpu.memory_space<hbm>>
    %dma_wait3A_1504 = tpu.memref_squeeze %dma_wait3A_1503 : memref<1x1x2048xf32, #tpu.memory_space<hbm>> -> memref<2048xf32, #tpu.memory_space<hbm>>
    %dma_wait3A_1505 = arith.constant 0 : i32
    %dma_wait3A_1506 = tpu.memref_slice %arg8[%dma_wait3A_1495, %dma_wait3A_1496, %dma_wait3A_1505] : memref<2x4x2048xf32, #tpu.memory_space<vmem>> -> memref<1x1x2048xf32, #tpu.memory_space<vmem>>
    %dma_wait3A_1507 = tpu.memref_squeeze %dma_wait3A_1506 : memref<1x1x2048xf32, #tpu.memory_space<vmem>> -> memref<2048xf32, #tpu.memory_space<vmem>>
    tpu.wait_dma2 semaphore(%arg15 : memref<!tpu.dma_semaphore, #tpu.memory_space<semaphore_mem>>) src(%dma_wait3A_1507 : memref<2048xf32, #tpu.memory_space<vmem>>) dst(%dma_wait3A_1504 : memref<2048xf32, #tpu.memory_space<hbm>>)
    %dma_wait3A_1508 = arith.constant 1 : i32
    %dma_wait3A_1509 = arith.constant 2 : i32
    %dma_wait3A_1510 = arith.constant 2 : i32
    %dma_wait3A_1511 = arith.constant 0 : i32
    %dma_wait3A_1512 = tpu.memref_slice %arg8[%dma_wait3A_1508, %dma_wait3A_1509, %dma_wait3A_1511] : memref<2x4x2048xf32, #tpu.memory_space<vmem>> -> memref<1x1x2048xf32, #tpu.memory_space<vmem>>
    %dma_wait3A_1513 = tpu.memref_squeeze %dma_wait3A_1512 : memref<1x1x2048xf32, #tpu.memory_space<vmem>> -> memref<2048xf32, #tpu.memory_space<vmem>>
    %dma_wait3A_1514 = tpu.memref_slice %arg3[%add3A_8, %dma_wait3A_1510, %mul3A_1401] : memref<64x4x131072xf32, #tpu.memory_space<hbm>> -> memref<1x1x2048xf32, #tpu.memory_space<hbm>>
    %dma_wait3A_1515 = tpu.memref_squeeze %dma_wait3A_1514 : memref<1x1x2048xf32, #tpu.memory_space<hbm>> -> memref<2048xf32, #tpu.memory_space<hbm>>
    %dma_wait3A_1516 = tpu.memref_slice %arg3[%add3A_8, %dma_wait3A_1510, %mul3A_1401] : memref<64x4x131072xf32, #tpu.memory_space<hbm>> -> memref<1x1x2048xf32, #tpu.memory_space<hbm>>
    %dma_wait3A_1517 = tpu.memref_squeeze %dma_wait3A_1516 : memref<1x1x2048xf32, #tpu.memory_space<hbm>> -> memref<2048xf32, #tpu.memory_space<hbm>>
    %dma_wait3A_1518 = arith.constant 0 : i32
    %dma_wait3A_1519 = tpu.memref_slice %arg8[%dma_wait3A_1508, %dma_wait3A_1509, %dma_wait3A_1518] : memref<2x4x2048xf32, #tpu.memory_space<vmem>> -> memref<1x1x2048xf32, #tpu.memory_space<vmem>>
    %dma_wait3A_1520 = tpu.memref_squeeze %dma_wait3A_1519 : memref<1x1x2048xf32, #tpu.memory_space<vmem>> -> memref<2048xf32, #tpu.memory_space<vmem>>
    tpu.wait_dma2 semaphore(%arg15 : memref<!tpu.dma_semaphore, #tpu.memory_space<semaphore_mem>>) src(%dma_wait3A_1520 : memref<2048xf32, #tpu.memory_space<vmem>>) dst(%dma_wait3A_1517 : memref<2048xf32, #tpu.memory_space<hbm>>)
    %dma_wait3A_1521 = arith.constant 1 : i32
    %dma_wait3A_1522 = arith.constant 3 : i32
    %dma_wait3A_1523 = arith.constant 3 : i32
    %dma_wait3A_1524 = arith.constant 0 : i32
    %dma_wait3A_1525 = tpu.memref_slice %arg8[%dma_wait3A_1521, %dma_wait3A_1522, %dma_wait3A_1524] : memref<2x4x2048xf32, #tpu.memory_space<vmem>> -> memref<1x1x2048xf32, #tpu.memory_space<vmem>>
    %dma_wait3A_1526 = tpu.memref_squeeze %dma_wait3A_1525 : memref<1x1x2048xf32, #tpu.memory_space<vmem>> -> memref<2048xf32, #tpu.memory_space<vmem>>
    %dma_wait3A_1527 = tpu.memref_slice %arg3[%add3A_8, %dma_wait3A_1523, %mul3A_1416] : memref<64x4x131072xf32, #tpu.memory_space<hbm>> -> memref<1x1x2048xf32, #tpu.memory_space<hbm>>
    %dma_wait3A_1528 = tpu.memref_squeeze %dma_wait3A_1527 : memref<1x1x2048xf32, #tpu.memory_space<hbm>> -> memref<2048xf32, #tpu.memory_space<hbm>>
    %dma_wait3A_1529 = tpu.memref_slice %arg3[%add3A_8, %dma_wait3A_1523, %mul3A_1416] : memref<64x4x131072xf32, #tpu.memory_space<hbm>> -> memref<1x1x2048xf32, #tpu.memory_space<hbm>>
    %dma_wait3A_1530 = tpu.memref_squeeze %dma_wait3A_1529 : memref<1x1x2048xf32, #tpu.memory_space<hbm>> -> memref<2048xf32, #tpu.memory_space<hbm>>
    %dma_wait3A_1531 = arith.constant 0 : i32
    %dma_wait3A_1532 = tpu.memref_slice %arg8[%dma_wait3A_1521, %dma_wait3A_1522, %dma_wait3A_1531] : memref<2x4x2048xf32, #tpu.memory_space<vmem>> -> memref<1x1x2048xf32, #tpu.memory_space<vmem>>
    %dma_wait3A_1533 = tpu.memref_squeeze %dma_wait3A_1532 : memref<1x1x2048xf32, #tpu.memory_space<vmem>> -> memref<2048xf32, #tpu.memory_space<vmem>>
    tpu.wait_dma2 semaphore(%arg15 : memref<!tpu.dma_semaphore, #tpu.memory_space<semaphore_mem>>) src(%dma_wait3A_1533 : memref<2048xf32, #tpu.memory_space<vmem>>) dst(%dma_wait3A_1530 : memref<2048xf32, #tpu.memory_space<hbm>>)
    return
  }
}

</mosaic_0001>

<sc_bundles>
// kernel: kernel.3.cloned.1.call-start
scs
__scs_entry_jumppad:
0x0: {  	(pc) =	sbr.rel $0x88, $3  }
0x1: {  	(tag) =	ssettag $0x0;
	lr =	simm.s32 $0x1  }
0x2: {  	[smem:$0x3FA0] =	sst lr;
	_ =	strace $0xD0000000  }
0x3: {  	_ = 	snop  }
0x4: {  	_ = 	snop  }
0x5: {  	_ = 	snop  }
0x6: {  	_ = 	snop  }
0x7: {  	_ = 	snop  }
__scs_overlays_trampoline_lowered:
0x8: {  	[smem:$0x3FAF] =	sst s0  }
0x9: {  	[smem:$0x3FB0] =	sst s1  }
0xa: {  	[smem:$0x3FB1] =	sst s2  }
0xb: {  	[smem:$0x3FB2] =	sst s3  }
0xc: {  	[smem:$0x3FB3] =	sst s4  }
0xd: {  	[smem:$0x3FB4] =	sst s5  }
0xe: {  	[smem:$0x3FB5] =	sst s6  }
0xf: {  	[smem:$0x3FB6] =	sst s7  }
0x10: {  	[smem:$0x3FB7] =	sst s8  }
0x11: {  	[smem:$0x3FB8] =	sst s9;
	s0 =	simm.s32 @!p0 $0x0  }
0x12: {  	s1 =	sld [smem:$0x3F9E];
	s0 =	simm.s32 @p0 $0x1  }
0x13: {  	[smem:$0x3FB9] =	sst s0;
	s0 =	simm.s32 @!p1 $0x0  }
0x14: {  	s2 =	sld [smem:$0x3F9D];
	s0 =	simm.s32 @p1 $0x1  }
0x15: {  	[smem:$0x3FBA] =	sst s0;
	s0 =	simm.s32 @!p2 $0x0  }
0x16: {  	s3 =	sld [smem:$0x3FDB];
	s0 =	simm.s32 @p2 $0x1  }
0x17: {  	s4 =	simm.s32 $0x1BF5;
	[smem:$0x3FBC] =	sst s0  }
0x18: {  	s0 =	sld [smem:$0x3F9F];
	_ =	swait.ge [sflag:s4], $0x0  }
0x19: {  	s7 =	sld [smem:$0x3FA0]  }
0x1a: {  	s8 =	sadd.s32 $0xFFFFE003, lr  }
0x1b: {  	s9 =	sadd.s32 $0xFFFFFEF7, lr;
	s5 =	simm.s32 $0xFFFFFFFF;
	p2 =	slt.u32 s8, $0xFFFFF086  }
0x1c: {  	p1 =	slt.u32 s9, $0xF7A;
	s5 =	simm.s32 @!p2 $0x0  }
0x1d: {  	s5 =	simm.s32 @p1 $0x1;
	p0 =	seq.s32 s7, s2  }
0x1e: {  	s7 =	smul.u32 @!p0 $0xF7A, s2;
	p2 =	seq.s32 @!p0 s5, $0x0  }
0x1f: {  	s9 =	smul.u32 $0xF7A, s1;
	s8 =	simm.s32 @!p0 $0x1BF5;
	p2 =	por !p2, p0  }
0x20: {  	[sflag:s8] =	ssyncset.s32 @!p0 $0xFFFFF086;
	s6 =	sadd.s32 @!p0 s3, s7;
	s7 =	simm.s32 @!p0 $0x108  }
0x21: {  	s3 =	sadd.s32 s3, s9;
	s6 =	sadd.s32 @!p0 $0x88, s6;
	s7 =	simm.s32 @p2 $0x1082  }
0x22: {  	[simem:s7], [sflag:s8] =	dma.local @!p0 [hbm:s6], $0xF7A  }
0x23: {  	s9 =	sor.u32 $0xD0000000, s2;
	s6 =	simm.s32 $0x108;
	_ =	swait.ge @!p0 [sflag:s8], $0x0  }
0x24: {  	s3 =	sadd.s32 $0x88, s3;
	s6 =	simm.s32 @!p1 $0x1082;
	[sflag:s4] =	ssyncset.s32 $0xFFFFF086  }
0x25: {  	[simem:s6], [sflag:s4] =	dma.local [hbm:s3], $0xF7A  }
0x26: {  	[smem:$0x3FA0] =	sst s1;
	(tag) =	ssettag s2;
	_ =	strace s9  }
0x27: {  	s1 =	sld [smem:$0x3FB0]  }
0x28: {  	s2 =	sld [smem:$0x3FB1]  }
0x29: {  	s4 =	sld [smem:$0x3FB3]  }
0x2a: {  	p0 =	seq.s32 s5, $0x0;
	s5 =	sld [smem:$0x3FB4]  }
0x2b: {  	s6 =	sld [smem:$0x3FB5]  }
0x2c: {  	s7 =	sld [smem:$0x3FB6]  }
0x2d: {  	s3 =	simm.s32 $0x108;
	s8 =	sld [smem:$0x3FB7]  }
0x2e: {  	s3 =	simm.s32 @!p0 $0x1082;
	s9 =	sld [smem:$0x3FB8]  }
0x2f: {  	lr =	sadd.s32 s0, s3;
	s0 =	sld [smem:$0x3FAF]  }
0x30: {  	s3 =	sld [smem:$0x3FB2]  }
0x31: {  	[smem:$0x3FBB] =	sst s10  }
0x32: {  	s10 =	sld [smem:$0x3FB9];
	_ =	sdelay $0x3  }
0x33: {  	p0 =	seq.s32 s10, $0x1;
	s10 =	sld [smem:$0x3FBB];
	_ =	sdelay $0x3  }
0x34: {  	[smem:$0x3FBB] =	sst s10  }
0x35: {  	s10 =	sld [smem:$0x3FBA];
	_ =	sdelay $0x3  }
0x36: {  	p1 =	seq.s32 s10, $0x1;
	s10 =	sld [smem:$0x3FBB];
	_ =	sdelay $0x3  }
0x37: {  	[smem:$0x3FBB] =	sst s10  }
0x38: {  	s10 =	sld [smem:$0x3FBC]  }
0x39: {  	_ = 	snop;
	(pc) =	sbr.ind lr, $3  }
0x3a: {  	_ = 	snop  }
0x3b: {  	_ = 	snop  }
0x3c: {  	p2 =	seq.s32 s10, $0x1;
	s10 =	sld [smem:$0x3FBB]  }
0x3d: {  	_ =	shalt  }
0x3e: {  	_ =	shalt  }
0x3f: {  	_ =	shalt  }
0x40: {  	_ =	shalt  }
0x41: {  	_ =	shalt  }
0x42: {  	_ =	shalt  }
0x43: {  	_ =	shalt  }
0x44: {  	_ =	shalt  }
0x45: {  	_ =	shalt  }
0x46: {  	_ =	shalt  }
0x47: {  	_ =	shalt  }
0x48: {  	_ =	shalt  }
0x49: {  	_ =	shalt  }
0x4a: {  	_ =	shalt  }
0x4b: {  	_ =	shalt  }
0x4c: {  	_ =	shalt  }
0x4d: {  	_ =	shalt  }
0x4e: {  	_ =	shalt  }
0x4f: {  	_ =	shalt  }
0x50: {  	_ =	shalt  }
0x51: {  	_ =	shalt  }
0x52: {  	_ =	shalt  }
0x53: {  	_ =	shalt  }
0x54: {  	_ =	shalt  }
0x55: {  	_ =	shalt  }
0x56: {  	_ =	shalt  }
0x57: {  	_ =	shalt  }
0x58: {  	_ =	shalt  }
0x59: {  	_ =	shalt  }
0x5a: {  	_ =	shalt  }
0x5b: {  	_ =	shalt  }
0x5c: {  	_ =	shalt  }
0x5d: {  	_ =	shalt  }
0x5e: {  	_ =	shalt  }
0x5f: {  	_ =	shalt  }
0x60: {  	_ =	shalt  }
0x61: {  	_ =	shalt  }
0x62: {  	_ =	shalt  }
0x63: {  	_ =	shalt  }
0x64: {  	_ =	shalt  }
0x65: {  	_ =	shalt  }
0x66: {  	_ =	shalt  }
0x67: {  	_ =	shalt  }
0x68: {  	_ =	shalt  }
0x69: {  	_ =	shalt  }
0x6a: {  	_ =	shalt  }
0x6b: {  	_ =	shalt  }
0x6c: {  	_ =	shalt  }
0x6d: {  	_ =	shalt  }
0x6e: {  	_ =	shalt  }
0x6f: {  	_ =	shalt  }
0x70: {  	_ =	shalt  }
0x71: {  	_ =	shalt  }
0x72: {  	_ =	shalt  }
0x73: {  	_ =	shalt  }
0x74: {  	_ =	shalt  }
0x75: {  	_ =	shalt  }
0x76: {  	_ =	shalt  }
0x77: {  	_ =	shalt  }
0x78: {  	_ =	shalt  }
0x79: {  	_ =	shalt  }
0x7a: {  	_ =	shalt  }
0x7b: {  	_ =	shalt  }
0x7c: {  	_ =	shalt  }
0x7d: {  	_ =	shalt  }
0x7e: {  	_ =	shalt  }
0x7f: {  	_ =	shalt  }
0x80: {  	_ =	shalt  }
0x81: {  	_ =	shalt  }
0x82: {  	_ =	shalt  }
0x83: {  	_ =	shalt  }
0x84: {  	_ =	shalt  }
0x85: {  	_ =	shalt  }
0x86: {  	_ =	shalt  }
0x87: {  	_ =	shalt  }
.Lfunc_end0:
.L_simem_size_0:
called_computation_lowered:
.L_overlay_start_0:
0x88: {  	s2 =	sld [smem:$0x3FD9]  }
0x89: {  	s3 =	sld [smem:$0x3FFE];
	_ =	sdelay $0x1  }
0x8a: {  	s1 =	srdreg.scid  }
0x8b: {  	s0 =	sand.u32 $0x1, s1  }
0x8c: {  	s18 =	sshll.u32 s0, $0xA;
	s2 =	sadd.s32 s3, s2  }
0x8d: {  	s2 =	sadd.s32 s2, s18  }
0x8e: {  	[smem:$0x3FC7] =	sst s2  }
0x8f: {  	_ = 	snop  }
0x90: {  	s2 =	sld [smem:$0x3FC9]  }
0x91: {  	s19 =	sld [smem:$0x3FD0];
	(tm) =	ssettm $0x1  }
0x92: {  	s4 =	sld [smem:$0x3FFB];
	_ =	sdelay $0x3  }
0x93: {  	_ =	strace s4  }
0x94: {  	s4 =	sld [smem:$0x3FFC];
	_ =	sdelay $0x3  }
0x95: {  	_ =	strace s4  }
0x96: {  	s4 =	sld [smem:$0x3FFD];
	_ =	sdelay $0x3  }
0x97: {  	_ =	strace s4  }
0x98: {  	_ =	strace $0x8FFFFFFF  }
0x99: {  	s20 =	sld [smem:$0x3FDB];
	_ =	sdelay $0x1  }
0x9a: {  	s5 =	simm.s32 $_scs_section_size  }
0x9b: {  	s6 =	simm.s32 $_size__tile_overlayer_lowered;
	s7 =	simm.s32 $_tile_overlayer_lowered  }
0x9c: {  	s23 =	simm.s32 $0x1BFF;
	s22 =	sshll.u32 s7, $0x1;
	s4 =	sadd.s32 s5, s20  }
0x9d: {  	s8 =	simm.s32 $0x0;
	s21 =	sshll.u32 s6, $0x1;
	s6 =	sadd.s32 s22, s4  }
0x9e: {  	[timem:s8], [sflag:s23] =	dma.local [hbm:s6], s21  }
0x9f: {  	_ =	swait.ge [sflag:s23], s21  }
0xa0: {  	s5 =	ssub.s32 $0x0, s21;
	[sflag:s23] =	ssyncset.done $0x0  }
0xa1: {  	[sflag:s23] =	ssyncadd.s32 s5;
	_ =	sdelay $0x1  }
0xa2: {  	s24 =	simm.s32 $0x1B8B  }
0xa3: {  	_ =	swait.ge [sflag:s24], $0x1  }
0xa4: {  	[sflag:s24] =	ssyncset.done $0x0  }
0xa5: {  	s25 =	simm.s32 $0x1B8E;
	[sflag:s24] =	ssyncadd.s32 $0xFFFFFFFF  }
0xa6: {  	s26 =	simm.s32 $execute0_lowered;
	[smem:$0x3FD2] =	sst s25  }
0xa7: {  	s5 =	sshll.u32 s26, $0x1;
	_ =	strace $0x80000046;
	[dreg:$0x1] =	wrdreg $0xFFFFFFFF  }
0xa8: {  	s28 =	simm.s32 $_size_execute0_lowered;
	s4 =	sadd.s32 s4, s5;
	[dreg:$0x0] =	wrdreg $0x0  }
0xa9: {  	s5 =	sshll.u32 s28, $0x1;
	[dreg:$0x2] =	wrdreg s4  }
0xaa: {  	[dreg:$0x3] =	wrdreg s5  }
0xab: {  	[dreg:$0x4] =	wrdreg $0xC0  }
0xac: {  	_ =	task [dreg:s8], $0x5FFFF  }
0xad: {  	[dreg:$0x1] =	wrdreg $0xFFFFFFFF  }
0xae: {  	[dreg:$0x0] =	wrdreg $0x60  }
0xaf: {  	[dreg:$0x2] =	wrdreg s2  }
0xb0: {  	[dreg:$0x3] =	wrdreg s19  }
0xb1: {  	[dreg:$0x4] =	wrdreg $0x9  }
0xb2: {  	_ =	task.clear_ibuf [dreg:s8], $0x5FFFF;
	_ =	strace $0x90000046  }
0xb3: {  	s29 =	simm.s32 $0x9;
	_ =	strace $0x80000048  }
0xb4: {  	_ =	swait.ge [sflag:s29], $0x1  }
0xb5: {  	[sflag:s29] =	ssyncadd.s32 $0xFFFFFFFF  }
0xb6: {  	_ =	strace $0x90000048  }
0xb7: {  	_ =	sfence  }
0xb8: {  	s30 =	sld [smem:$0x0];
	_ =	sdelay $0x2  }
0xb9: {  	s31 =	sshll.u32 s1, $0xD;
	s1 =	sshrl.u32 s1, $0x2  }
0xba: {  	s3 =	sand.u32 $0x4000, s31;
	s1 =	sadd.s32 s1, s30  }
0xbb: {  	s0 =	sor.u32 s3, s0;
	s1 =	sshll.u32 s1, $0x11  }
0xbc: {  	s0 =	sor.u32 s1, s0  }
0xbd: {  	s0 =	sadd.s32 $0x8F2B, s0  }
0xbe: {  	[sflag:s0] =	ssyncadd.remote.s32 $0x1  }
0xbf: {  	_ =	sfence.sel $0xFFFF  }
0xc0: {  	[dreg:$0x0] =	wrdreg $0xFFFFFFFF;
	(pc) =	sbr.abs _section_cstart, $3  }
0xc1: {  	[dreg:$0x1] =	wrdreg $0xFFFFFFFF  }
0xc2: {  	_ =	task.clear_ibuf [dreg:s8], $0x2FFFF;
	_ =	strace $0x9FFFFFFF  }
0xc3: {  	(tm) =	ssettm $0x7FFFFFFF  }
tec
execute0_lowered:
.L_overlay_start_1:
0x0: {  	(tag) =	ssettag $0x1  }
0x1: {  	s8 =	rddreg [dreg:$0x0]  }
0x2: {  	s0 =	rddreg [dreg:$0x1]  }
0x3: {  	s2 =	srdreg.scid;
	s3 =	stileid.u32  }
0x4: {  	s1 =	simm.s32 $0x0;
	s2 =	sand.u32 $0x1, s2;
	s3 =	sshll.u32 s3, $0x1  }
0x5: {  	[smem:$0x7FF] =	sst s1;
	s13 =	sadd.s32 $0x8000, s8;
	s3 =	sor.u32 s2, s3  }
0x6: {  	s14 =	sadd.s32 $0x10000, s8;
	s2 =	ssub.s32 $0x2, s2;
	s9 =	sshll.u32 s3, $0x12  }
0x7: {  	s4 =	sshll.u32 s3, $0x8;
	s5 =	sshrl.u32 s2, $0x1;
	s15 =	sshll.u32 s3, $0x11  }
0x8: {  	s10 =	sand.u32 $0x700000, s9;
	s11 =	sand.u32 $0x300, s4;
	s7 =	sadd.s32 s0, s15  }
0x9: {  	s12 =	sor.u32 s11, s10;
	[dreg:$0x6] =	wrdreg s7;
	s7 =	sadd.s32 $0x30, s0  }
0xa: {  	s2 =	ssub.s32 s2, s5;
	s16 =	sshrl.u32 s12, $0x3;
	s20 =	sadd.s32 s15, s7  }
0xb: {  	s4 =	sshllo.u32 s3, $0x1;
	s6 =	sadd.s32 s8, s16;
	[dreg:$0x9] =	wrdreg s20  }
0xc: {  	s11 =	sor.u32 s9, s11;
	s17 =	sadd.s32 s16, s13;
	[dreg:$0x3] =	wrdreg s6  }
0xd: {  	s11 =	sshrl.u32 s11, $0x3;
	s5 =	sadd.s32 s16, s14;
	[dreg:$0x4] =	wrdreg s17  }
0xe: {  	s16 =	sshll.u32 s4, $0x7;
	s11 =	sor.u32 $0x18000, s11;
	[dreg:$0x5] =	wrdreg s5  }
0xf: {  	s5 =	sadd.s32 $0x10, s0;
	s6 =	sadd.s32 $0x20, s0;
	s17 =	sshll.u32 s4, $0xE  }
0x10: {  	s16 =	sand.u32 $0x380, s16;
	s11 =	sadd.s32 s8, s11;
	s18 =	sadd.s32 s15, s5  }
0x11: {  	s19 =	sadd.s32 s15, s6;
	s17 =	sor.u32 s10, s17;
	[dreg:$0xc] =	wrdreg s11  }
0x12: {  	s10 =	sor.u32 s10, s16;
	s9 =	sor.u32 s9, s16;
	[dreg:$0x7] =	wrdreg s18  }
0x13: {  	s11 =	sadd.s32 $0x4000, s0;
	[dreg:$0x8] =	wrdreg s19;
	s18 =	sshll.u32 s3, $0xF  }
0x14: {  	s17 =	sor.u32 s16, s17;
	s10 =	sshrl.u32 s10, $0x3;
	s24 =	sadd.s32 s15, s11  }
0x15: {  	s9 =	sshrl.u32 s9, $0x3;
	s22 =	sadd.s32 s10, s13;
	[dreg:$0x11] =	wrdreg s24  }
0x16: {  	s12 =	sor.u32 s18, s12;
	s23 =	sadd.s32 s10, s14;
	[dreg:$0xd] =	wrdreg s22  }
0x17: {  	s17 =	sshrl.u32 s17, $0x3;
	s10 =	sadd.s32 s8, s10;
	[dreg:$0xe] =	wrdreg s23  }
0x18: {  	s13 =	sadd.s32 $0x8010, s0;
	s21 =	sadd.s32 s8, s17;
	[dreg:$0xf] =	wrdreg s10  }
0x19: {  	s12 =	sshrl.u32 s12, $0x3;
	s16 =	sadd.s32 s15, s13;
	[dreg:$0xb] =	wrdreg s21  }
0x1a: {  	s9 =	sor.u32 $0x18000, s9;
	s12 =	sadd.s32 s8, s12;
	[dreg:$0x16] =	wrdreg s16  }
0x1b: {  	s10 =	sadd.s32 $0x4030, s0;
	s8 =	sadd.s32 s8, s9;
	[dreg:$0xa] =	wrdreg s12  }
0x1c: {  	s17 =	sadd.s32 $0x8020, s0;
	s28 =	sadd.s32 s15, s10;
	[dreg:$0x10] =	wrdreg s8  }
0x1d: {  	s22 =	sadd.s32 $0x8030, s0;
	s21 =	sadd.s32 s15, s17;
	[dreg:$0x14] =	wrdreg s28  }
0x1e: {  	s9 =	sadd.s32 $0x4020, s0;
	s24 =	sadd.s32 s15, s22;
	[dreg:$0x17] =	wrdreg s21  }
0x1f: {  	s8 =	sadd.s32 $0x4010, s0;
	s26 =	sadd.s32 s15, s9;
	[dreg:$0x18] =	wrdreg s24  }
0x20: {  	s12 =	sadd.s32 $0x8000, s0;
	s25 =	sadd.s32 s15, s8;
	[dreg:$0x13] =	wrdreg s26  }
0x21: {  	s28 =	sadd.s32 $0xC020, s0;
	s30 =	sadd.s32 s15, s12;
	[dreg:$0x12] =	wrdreg s25  }
0x22: {  	s23 =	sadd.s32 $0xC000, s0;
	s21 =	sadd.s32 s15, s28;
	[dreg:$0x15] =	wrdreg s30  }
0x23: {  	s26 =	sadd.s32 $0xC010, s0;
	s25 =	sadd.s32 s15, s23;
	[dreg:$0x1b] =	wrdreg s21  }
0x24: {  	s20 =	sadd.s32 $0xC030, s0;
	s19 =	sadd.s32 s15, s26;
	[dreg:$0x19] =	wrdreg s25  }
0x25: {  	s15 =	sadd.s32 s15, s20;
	s30 =	sshll.u32 s4, $0x10;
	[dreg:$0x1a] =	wrdreg s19  }
0x26: {  	[dreg:$0x1c] =	wrdreg s15;
	s11 =	sadd.s32 s30, s11  }
0x27: {  	s8 =	sadd.s32 s30, s8;
	[dreg:$0x1d] =	wrdreg s11  }
0x28: {  	s9 =	sadd.s32 s30, s9;
	[dreg:$0x1e] =	wrdreg s8  }
0x29: {  	s12 =	sadd.s32 s30, s12;
	[dreg:$0x1f] =	wrdreg s9  }
0x2a: {  	s13 =	sadd.s32 s30, s13;
	[smem:$0x7F1] =	sst s12  }
0x2b: {  	s14 =	sadd.s32 s30, s17;
	[smem:$0x7F2] =	sst s13  }
0x2c: {  	s16 =	sadd.s32 s30, s22;
	[smem:$0x7F3] =	sst s14  }
0x2d: {  	s17 =	sadd.s32 s30, s23;
	[smem:$0x7F4] =	sst s16  }
0x2e: {  	s21 =	sadd.s32 s30, s26;
	[smem:$0x7F5] =	sst s17  }
0x2f: {  	s22 =	sadd.s32 s30, s28;
	[smem:$0x7F6] =	sst s21  }
0x30: {  	s23 =	sadd.s32 s30, s20;
	[smem:$0x7F7] =	sst s22  }
0x31: {  	s29 =	simm.s32 $0x200;
	s24 =	sadd.s32 s0, s30;
	[smem:$0x7F8] =	sst s23  }
0x32: {  	s31 =	simm.s32 $0x4;
	s25 =	sadd.s32 s30, s5;
	[smem:$0x7F9] =	sst s24  }
0x33: {  	s3 =	smul.u32 $0x20800, s3;
	s26 =	sadd.s32 s30, s6;
	[smem:$0x7FA] =	sst s25  }
0x34: {  	s4 =	smul.u32 $0x10400, s4;
	s28 =	sadd.s32 s30, s7;
	[smem:$0x7FB] =	sst s26  }
0x35: {  	s15 =	sadd.s32 s3, s5;
	s11 =	sadd.s32 s30, s10;
	[smem:$0x7FC] =	sst s28  }
0x36: {  	s14 =	sadd.s32 s0, s3;
	s16 =	sadd.s32 s3, s6;
	s17 =	sadd.s32 s3, s7  }
0x37: {  	s18 =	sadd.s32 s0, s4;
	s19 =	sadd.s32 s4, s5;
	s20 =	sadd.s32 s4, s6  }
0x38: {  	s21 =	sadd.s32 s4, s7;
	s30 =	smax.u32 s2, $0x1;
	s23 =	simm.s32 $0x80  }
0x39: {  	s24 =	simm.s32 $0x400;
	s25 =	simm.s32 $0x8000;
	s26 =	simm.s32 $0x10000  }
0x3a: {  	s7 =	simm.s32 $0x1;
	s0 =	simm.s32 $0x2;
	s2 =	simm.s32 $0x5  }
0x3b: {  	s4 =	simm.s32 $0x6;
	s5 =	simm.s32 $0x7;
	[smem:$0x7F0] =	sst s11  }
0x3c: {  	v0 =	vimm.f32 $0.0e+00;
	v1 =	vlaneseq.u32;
	s6 =	simm.s32 $0x0;
	_ =	strace $0x80000047;
	[smem:$0x7FD] =	sst s30  }
.LBB2_1:
0x3d: {  	s3 =	rddreg [dreg:$0x3]  }
0x3e: {  	[tilespmem:s1], [sflag:$0x1] =	stream.strided.gather [hbm4b:s3+s23], $0x8000, s24, s23, $0x38;
	[tilespmem:$0x1C800] =	vst v63  }
0x3f: {  	s10 =	rddreg [dreg:$0x4]  }
0x40: {  	[tilespmem:s25], [sflag:$0x2] =	stream.strided.gather [hbm4b:s10+s23], $0x8000, s24, s23, $0x38;
	[tilespmem:$0x1C800] =	vst v63  }
0x41: {  	s11 =	rddreg [dreg:$0x5]  }
0x42: {  	[tilespmem:s26], [sflag:$0x3] =	stream.strided.gather [hbm4b:s11+s23], $0x8000, s24, s23, $0x38;
	[tilespmem:$0x1C800] =	vst v63  }
0x43: {  	_ =	swait.ge [sflag:s7], $0x8000  }
0x44: {  	[sflag:s7] =	ssyncset.done $0x0  }
0x45: {  	s12 =	rddreg [dreg:$0x6];
	[sflag:s7] =	ssyncadd.s32 $0xFFFF8000  }
0x46: {  	[hbm4b:s12+s23] =	stream.strided.scatter [tilespmem:s1], [sflag:$0x4], $0x8000, s29, s23, $0x38;
	[tilespmem:$0x1C800] =	vst v63  }
0x47: {  	s13 =	rddreg [dreg:$0x7]  }
0x48: {  	[hbm4b:s13+s23] =	stream.strided.scatter [tilespmem:s1], [sflag:$0x4], $0x8000, s29, s23, $0x38;
	[tilespmem:$0x1C800] =	vst v63  }
0x49: {  	s30 =	sand.u32 $0x70, s1;
	s8 =	sand.u32 $0x1E00, s1;
	s22 =	rddreg [dreg:$0x8]  }
0x4a: {  	[hbm4b:s22+s23] =	stream.strided.scatter [tilespmem:s1], [sflag:$0x4], $0x8000, s29, s23, $0x38;
	[tilespmem:$0x1C800] =	vst v63  }
0x4b: {  	s28 =	rddreg [dreg:$0x9];
	s7 =	sor.u32 s30, s8  }
0x4c: {  	[hbm4b:s28+s23] =	stream.strided.scatter [tilespmem:s1], [sflag:$0x4], $0x8000, s29, s23, $0x38;
	[tilespmem:$0x1C800] =	vst v63  }
0x4d: {  	s10 =	sadd.s32 $0x18800, s7;
	[tilespmem:s7+$0x18800] =	vst v0  }
0x4e: {  	s9 =	simm.s32 $0x0;
	s8 =	simm.s32 $0x10;
	[tilespmem:s10+$0x80] =	vst v0  }
.LBB2_2:
0x4f: {  	p0 =	sne.s32 s8, $0x7F0;
	[tilespmem:s10+$0x100] =	vst v0  }
0x50: {  	[tilespmem:s10+$0x180] =	vst v0  }
0x51: {  	[tilespmem:s7+$0x1A900] =	vst v0  }
.Ltmp0:
0x52: {  	s9 =	sadd.s32 $0x40, s9;
	[tilespmem:s7+$0x1A800] =	vst v0;
	(pc) =	sbr.rel @p0 .LBB2_2-.Ltmp0, $4  }
0x53: {  	s10 =	sand.u32 $0x70, s8;
	s11 =	sand.u32 $0x1E00, s9;
	[tilespmem:s7+$0x1A880] =	vst v0  }
0x54: {  	[tilespmem:s7+$0x1A980] =	vst v0;
	s7 =	sor.u32 s10, s11  }
0x55: {  	s10 =	sadd.s32 $0x18800, s7;
	[tilespmem:s7+$0x18800] =	vst v0  }
0x56: {  	s8 =	sadd.s32 $0x10, s8;
	[tilespmem:s10+$0x80] =	vst v0  }
0x57: {  	[tilespmem:s10+$0x100] =	vst v0  }
0x58: {  	[tilespmem:s10+$0x180] =	vst v0  }
0x59: {  	[tilespmem:s7+$0x1A900] =	vst v0  }
0x5a: {  	[tilespmem:s7+$0x1A800] =	vst v0  }
0x5b: {  	[tilespmem:s7+$0x1A880] =	vst v0  }
0x5c: {  	s28 =	simm.s32 $0x18000;
	s3 =	rddreg [dreg:$0xa];
	s30 =	simm.s32 $0x8;
	[tilespmem:s7+$0x1A980] =	vst v0  }
0x5d: {  	[tilespmem:s28], [sflag:$0x8] =	stream.strided.gather [hbm4b:s3+s23], $0x800, s24, s23, $0x38;
	[tilespmem:$0x1C800] =	vst v63  }
0x5e: {  	_ =	swait.ge [sflag:s30], $0x800  }
0x5f: {  	[sflag:s30] =	ssyncset.done $0x0  }
0x60: {  	[sflag:s30] =	ssyncadd.s32 $0xFFFFF800  }
0x61: {  	v2 =	vld [tilespmem:s28+$0x0];
	_ =	sdelay $0x3  }
0x62: {  	v3 =	vimm.f32 $-Inf;
	s8 =	simm.s32 $0x0  }
0x63: {  	v4 =	vimm.s32 $0x0;
	s7 =	simm.s32 $0x10;
	v5 =	vor.u32 s8, v1;
	s8 =	simm.s32 $0x18010;
	vm0 =	vgt.f32 v2, v3  }
.LBB2_4:
0x64: {  	p0 =	sne.s32 s7, $0x7F0;
	v3 =	vsel vm0, v2, v3;
	v2 =	vld [tilespmem:s8+$0x0];
	v4 =	vsel vm0, v5, v4;
	s9 =	smov.u32 s7;
	s7 =	sadd.s32 $0x10, s7  }
.Ltmp1:
0x65: {  	(pc) =	sbr.rel @p0 .LBB2_4-.Ltmp1, $2  }
0x66: {  	_ =	sdelay $0x2  }
0x67: {  	s8 =	sadd.s32 $0x10, s8;
	v5 =	vor.u32 s9, v1;
	vm0 =	vgt.f32 v2, v3  }
0x68: {  	v3 =	vsel vm0, v2, v3  }
0x69: {  	(v2sf) =	vpush v3, $0x0;
	_ =	sdelay $0x1  }
0x6a: {  	v2 =	vsel vm0, v5, v4  }
0x6b: {  	(v2sf) =	vpush v2, $0x0;
	_ =	sdelay $0x2  }
0x6c: {  	(v2sf) =	vpush v3, $0x1;
	_ =	sdelay $0x2  }
0x6d: {  	(v2sf) =	vpush v2, $0x1;
	_ =	sdelay $0x4  }
0x6e: {  	(v2sf) =	vpush v3, $0x2  }
0x6f: {  	s7 =	spop (v2sf);
	(v2sf) =	vpush v2, $0x2;
	_ =	sdelay $0x2  }
0x70: {  	s8 =	spop (v2sf);
	p0 =	seq.f32 s7, $-Inf  }
0x71: {  	p1 =	slt.s32 s8, $0x800  }
0x72: {  	p2 =	sgt.f32 s7, $-Inf;
	(v2sf) =	vpush v3, $0x3;
	p0 =	por !p0, !p1  }
0x73: {  	s9 =	spop (v2sf);
	(v2sf) =	vpush v2, $0x3;
	p0 =	por !p0, !p0  }
0x74: {  	p0 =	por p2, p0  }
0x75: {  	s7 =	simm.s32 @!p0 $0xFF800000  }
0x76: {  	s10 =	spop (v2sf);
	s8 =	simm.s32 @!p0 $0x800;
	p1 =	seq.f32 s9, s7  }
0x77: {  	p2 =	slt.s32 s10, s8  }
0x78: {  	(v2sf) =	vpush v3, $0x4;
	p3 =	sgt.f32 s9, s7;
	p0 =	por !p1, !p2  }
0x79: {  	p0 =	por !p0, !p0  }
0x7a: {  	p0 =	por p3, p0  }
0x7b: {  	s7 =	smov.u32 @p0 s9;
	s9 =	spop (v2sf);
	(v2sf) =	vpush v2, $0x4  }
0x7c: {  	s8 =	smov.u32 @p0 s10;
	p4 =	seq.f32 s9, s7;
	s10 =	spop (v2sf)  }
0x7d: {  	p5 =	slt.s32 s10, s8  }
0x7e: {  	p6 =	sgt.f32 s9, s7;
	p0 =	por !p4, !p5  }
0x7f: {  	p0 =	por !p0, !p0  }
0x80: {  	(v2sf) =	vpush v3, $0x5;
	p0 =	por p6, p0  }
0x81: {  	s7 =	smov.u32 @p0 s9;
	s9 =	spop (v2sf);
	(v2sf) =	vpush v2, $0x5  }
0x82: {  	s8 =	smov.u32 @p0 s10;
	s10 =	spop (v2sf);
	p1 =	seq.f32 s9, s7  }
0x83: {  	p2 =	slt.s32 s10, s8  }
0x84: {  	p3 =	sgt.f32 s9, s7;
	p0 =	por !p1, !p2  }
0x85: {  	p0 =	por !p0, !p0  }
0x86: {  	(v2sf) =	vpush v3, $0x6;
	p0 =	por p3, p0  }
0x87: {  	s7 =	smov.u32 @p0 s9;
	s9 =	spop (v2sf);
	(v2sf) =	vpush v2, $0x6;
	_ =	sdelay $0x2  }
0x88: {  	s8 =	smov.u32 @p0 s10;
	s10 =	spop (v2sf);
	p4 =	seq.f32 s9, s7  }
0x89: {  	p5 =	slt.s32 s10, s8  }
0x8a: {  	p6 =	sgt.f32 s9, s7;
	(v2sf) =	vpush v3, $0x7;
	p0 =	por !p4, !p5  }
0x8b: {  	p0 =	por !p0, !p0  }
0x8c: {  	p0 =	por p6, p0  }
0x8d: {  	s7 =	smov.u32 @p0 s9;
	s9 =	spop (v2sf);
	(v2sf) =	vpush v2, $0x7  }
0x8e: {  	s8 =	smov.u32 @p0 s10;
	p1 =	seq.f32 s9, s7;
	s10 =	spop (v2sf)  }
0x8f: {  	p2 =	slt.s32 s10, s8  }
0x90: {  	p3 =	sgt.f32 s9, s7;
	p0 =	por !p1, !p2  }
0x91: {  	p0 =	por !p0, !p0  }
0x92: {  	(v2sf) =	vpush v3, $0x8;
	p0 =	por p3, p0  }
0x93: {  	s7 =	smov.u32 @p0 s9;
	s9 =	spop (v2sf);
	(v2sf) =	vpush v2, $0x8  }
0x94: {  	s8 =	smov.u32 @p0 s10;
	s10 =	spop (v2sf);
	p4 =	seq.f32 s9, s7  }
0x95: {  	p5 =	slt.s32 s10, s8  }
0x96: {  	p6 =	sgt.f32 s9, s7;
	p0 =	por !p4, !p5  }
0x97: {  	p0 =	por !p0, !p0  }
0x98: {  	(v2sf) =	vpush v3, $0x9;
	p0 =	por p6, p0  }
0x99: {  	s7 =	smov.u32 @p0 s9;
	s9 =	spop (v2sf);
	(v2sf) =	vpush v2, $0x9;
	_ =	sdelay $0x2  }
0x9a: {  	s8 =	smov.u32 @p0 s10;
	s10 =	spop (v2sf);
	p1 =	seq.f32 s9, s7  }
0x9b: {  	p2 =	slt.s32 s10, s8  }
0x9c: {  	p3 =	sgt.f32 s9, s7;
	(v2sf) =	vpush v3, $0xA;
	p0 =	por !p1, !p2  }
0x9d: {  	p0 =	por !p0, !p0  }
0x9e: {  	p0 =	por p3, p0  }
0x9f: {  	s7 =	smov.u32 @p0 s9;
	s9 =	spop (v2sf);
	(v2sf) =	vpush v2, $0xA  }
0xa0: {  	s8 =	smov.u32 @p0 s10;
	p4 =	seq.f32 s9, s7;
	s10 =	spop (v2sf)  }
0xa1: {  	p5 =	slt.s32 s10, s8  }
0xa2: {  	p6 =	sgt.f32 s9, s7;
	p0 =	por !p4, !p5  }
0xa3: {  	p0 =	por !p0, !p0  }
0xa4: {  	(v2sf) =	vpush v3, $0xB;
	p0 =	por p6, p0  }
0xa5: {  	s7 =	smov.u32 @p0 s9;
	s9 =	spop (v2sf);
	(v2sf) =	vpush v2, $0xB  }
0xa6: {  	s8 =	smov.u32 @p0 s10;
	s10 =	spop (v2sf);
	p1 =	seq.f32 s9, s7  }
0xa7: {  	p2 =	slt.s32 s10, s8  }
0xa8: {  	p3 =	sgt.f32 s9, s7;
	p0 =	por !p1, !p2  }
0xa9: {  	p0 =	por !p0, !p0  }
0xaa: {  	(v2sf) =	vpush v3, $0xC;
	p0 =	por p3, p0  }
0xab: {  	s7 =	smov.u32 @p0 s9;
	s9 =	spop (v2sf);
	(v2sf) =	vpush v2, $0xC;
	_ =	sdelay $0x2  }
0xac: {  	s8 =	smov.u32 @p0 s10;
	s10 =	spop (v2sf);
	p4 =	seq.f32 s9, s7  }
0xad: {  	p5 =	slt.s32 s10, s8  }
0xae: {  	p6 =	sgt.f32 s9, s7;
	(v2sf) =	vpush v3, $0xD;
	p0 =	por !p4, !p5  }
0xaf: {  	(v2sf) =	vpush v2, $0xD;
	p0 =	por !p0, !p0  }
0xb0: {  	p0 =	por p6, p0  }
0xb1: {  	s7 =	smov.u32 @p0 s9;
	s9 =	spop (v2sf)  }
0xb2: {  	s8 =	smov.u32 @p0 s10;
	p1 =	seq.f32 s9, s7;
	s10 =	spop (v2sf)  }
0xb3: {  	p2 =	slt.s32 s10, s8  }
0xb4: {  	(v2sf) =	vpush v3, $0xE;
	p3 =	sgt.f32 s9, s7;
	p0 =	por !p1, !p2  }
0xb5: {  	(v2sf) =	vpush v2, $0xE;
	p0 =	por !p0, !p0  }
0xb6: {  	p0 =	por p3, p0  }
0xb7: {  	s7 =	smov.u32 @p0 s9;
	s9 =	spop (v2sf)  }
0xb8: {  	s8 =	smov.u32 @p0 s10;
	s10 =	spop (v2sf);
	p4 =	seq.f32 s9, s7  }
0xb9: {  	p5 =	slt.s32 s10, s8  }
0xba: {  	(v2sf) =	vpush v3, $0xF;
	p6 =	sgt.f32 s9, s7;
	p0 =	por !p4, !p5  }
0xbb: {  	(v2sf) =	vpush v2, $0xF;
	p0 =	por !p0, !p0  }
0xbc: {  	p0 =	por p6, p0  }
0xbd: {  	s11 =	spop (v2sf);
	s7 =	smov.u32 @p0 s9  }
0xbe: {  	s12 =	spop (v2sf);
	s8 =	smov.u32 @p0 s10;
	p1 =	seq.f32 s11, s7  }
0xbf: {  	p2 =	slt.s32 s12, s8  }
0xc0: {  	p3 =	sgt.f32 s11, s7;
	p0 =	por !p1, !p2  }
0xc1: {  	p0 =	por !p0, !p0  }
0xc2: {  	p0 =	por p3, p0  }
0xc3: {  	s9 =	spop (v2sf);
	s7 =	smov.u32 @p0 s11  }
0xc4: {  	s10 =	spop (v2sf);
	s8 =	smov.u32 @p0 s12;
	p4 =	seq.f32 s9, s7  }
0xc5: {  	p5 =	slt.s32 s10, s8  }
0xc6: {  	p6 =	sgt.f32 s9, s7;
	p0 =	por !p4, !p5  }
0xc7: {  	p0 =	por !p0, !p0  }
0xc8: {  	p0 =	por p6, p0  }
0xc9: {  	s11 =	spop (v2sf);
	s7 =	smov.u32 @p0 s9  }
0xca: {  	s8 =	smov.u32 @p0 s10;
	s9 =	spop (v2sf);
	p3 =	seq.f32 s11, s7  }
0xcb: {  	p4 =	slt.s32 s9, s8  }
0xcc: {  	p5 =	sgt.f32 s11, s7;
	p0 =	por !p3, !p4  }
0xcd: {  	p0 =	por !p0, !p0  }
0xce: {  	p0 =	por p5, p0  }
0xcf: {  	s8 =	smov.u32 @p0 s9  }
0xd0: {  	p1 =	sgt.s32 s8, $0x7FF;
	s9 =	sadd.s32 $0xFFFFF800, s8;
	s10 =	smov.u32 s8  }
0xd1: {  	s10 =	smov.u32 @p1 s9  }
0xd2: {  	s9 =	sand.u32 $0xF, s10  }
0xd3: {  	s28 =	sshra.s32 s10, $0x1F;
	p1 =	slt.s32 s10, $0x1;
	p6 =	sne.s32 s9, $0x0  }
0xd4: {  	s30 =	sshrl.u32 s28, $0x1C;
	p1 =	por !p1, !p6  }
0xd5: {  	s12 =	simm.s32 $0x1;
	s9 =	sadd.s32 s30, s10;
	p1 =	por !p1, !p1  }
0xd6: {  	s7 =	smov.u32 @p0 s11;
	s9 =	sshra.s32 s9, $0x4;
	s12 =	simm.s32 @!p1 $0x0  }
0xd7: {  	s13 =	sadd.s32 $0x1, s8;
	s30 =	simm.s32 $0x1;
	s9 =	ssub.s32 s9, s12  }
0xd8: {  	p1 =	sgt.s32 s13, $0x7FF;
	s12 =	sadd.s32 $0xFFFFF801, s8;
	s3 =	sshll.u32 s9, $0x4  }
0xd9: {  	s13 =	smov.u32 @p1 s12;
	s9 =	sshll.u32 s9, $0x6;
	s10 =	ssub.s32 s10, s3  }
0xda: {  	s11 =	sand.u32 $0x70, s3;
	s12 =	sand.u32 $0xF, s13;
	s22 =	sshra.s32 s13, $0x1F  }
0xdb: {  	p2 =	slt.s32 s13, $0x1;
	s3 =	sadd.s32 $0xFFFFF802, s8;
	p3 =	sne.s32 s12, $0x0  }
0xdc: {  	s28 =	sand.u32 $0xFFFFFE00, s9;
	s22 =	sshrl.u32 s22, $0x1C;
	p0 =	por !p2, !p3  }
0xdd: {  	s12 =	sadd.s32 s22, s13;
	s22 =	sadd.s32 $0x2, s8;
	p0 =	por !p0, !p0  }
0xde: {  	p1 =	sgt.s32 s22, $0x7FF;
	s12 =	sshra.s32 s12, $0x4;
	s30 =	simm.s32 @!p0 $0x0  }
0xdf: {  	s22 =	smov.u32 @p1 s3;
	s3 =	sor.u32 s11, s28;
	s9 =	ssub.s32 s12, s30  }
0xe0: {  	s30 =	sshra.s32 s22, $0x1F;
	s28 =	sand.u32 $0xF, s22;
	p4 =	slt.s32 s22, $0x1  }
0xe1: {  	s11 =	sshll.u32 s9, $0x4;
	s12 =	sshrl.u32 s30, $0x1C;
	p5 =	sne.s32 s28, $0x0  }
0xe2: {  	s30 =	sadd.s32 $0x3, s8;
	s8 =	sadd.s32 $0xFFFFF803, s8;
	s28 =	simm.s32 $0x1  }
0xe3: {  	s9 =	sshll.u32 s9, $0x6;
	p0 =	por !p4, !p5;
	p1 =	sgt.s32 s30, $0x7FF  }
0xe4: {  	s12 =	sadd.s32 s12, s22;
	p0 =	por !p0, !p0;
	s30 =	smov.u32 @p1 s8  }
0xe5: {  	s8 =	sshra.s32 s12, $0x4;
	s28 =	simm.s32 @!p0 $0x0;
	s12 =	sand.u32 $0xF, s30  }
0xe6: {  	p1 =	slt.s32 s30, $0x1;
	p6 =	sne.s32 s12, $0x0;
	s12 =	sshra.s32 s30, $0x1F  }
0xe7: {  	s8 =	ssub.s32 s8, s28;
	s12 =	sshrl.u32 s12, $0x1C;
	p0 =	por !p1, !p6  }
0xe8: {  	s28 =	simm.s32 $0x1;
	s12 =	sadd.s32 s12, s30;
	p0 =	por !p0, !p0  }
0xe9: {  	s13 =	ssub.s32 s13, s11;
	s12 =	sshra.s32 s12, $0x4;
	s28 =	simm.s32 @!p0 $0x0  }
0xea: {  	v2 =	vmov s10;
	s11 =	sand.u32 $0x70, s11;
	s10 =	ssub.s32 s12, s28;
	s12 =	sshll.u32 s8, $0x4  }
0xeb: {  	v3 =	vmov s7;
	vm0 =	veq.s32 v2, v1;
	s9 =	sand.u32 $0xFFFFFE00, s9;
	v2 =	vmov s13;
	s28 =	ssub.s32 s22, s12;
	s13 =	sshll.u32 s10, $0x4  }
0xec: {  	v5 =	vnsel vm0, $0x0, v3;
	s7 =	sor.u32 s11, s9;
	vm0 =	veq.s32 v2, v1;
	s8 =	sshll.u32 s8, $0x6;
	v4 =	vmov s28;
	s22 =	ssub.s32 s30, s13  }
0xed: {  	[tilespmem:s3+$0x18800] =	vst v5;
	v5 =	vnsel vm0, $0x0, v3;
	s8 =	sand.u32 $0xFFFFFE00, s8;
	s28 =	sand.u32 $0x70, s12;
	s30 =	sshll.u32 s10, $0x6;
	v2 =	vmov s22;
	vm0 =	veq.s32 v4, v1  }
0xee: {  	[tilespmem:s7+$0x18880] =	vst v5;
	s10 =	sand.u32 $0x70, s13;
	s3 =	sor.u32 s28, s8;
	s11 =	sand.u32 $0xFFFFFE00, s30;
	v4 =	vnsel vm0, $0x0, v3;
	vm0 =	veq.s32 v2, v1  }
0xef: {  	s12 =	sor.u32 s10, s11;
	[tilespmem:s3+$0x18900] =	vst v4;
	v2 =	vnsel vm0, $0x0, v3  }
0xf0: {  	s13 =	simm.s32 $0x18000;
	s22 =	rddreg [dreg:$0xb];
	s28 =	simm.s32 $0x8;
	[tilespmem:s12+$0x18980] =	vst v2  }
0xf1: {  	[tilespmem:s13], [sflag:$0x8] =	stream.strided.gather [hbm4b:s22+s23], $0x800, s24, s23, $0x38;
	[tilespmem:$0x1C800] =	vst v63  }
0xf2: {  	_ =	swait.ge [sflag:s28], $0x800  }
0xf3: {  	[sflag:s28] =	ssyncset.done $0x0  }
0xf4: {  	[sflag:s28] =	ssyncadd.s32 $0xFFFFF800  }
0xf5: {  	v2 =	vld [tilespmem:s13+$0x0];
	_ =	sdelay $0x3  }
0xf6: {  	s30 =	simm.s32 $0x0;
	v3 =	vimm.f32 $-Inf  }
0xf7: {  	s7 =	simm.s32 $0x10;
	s8 =	simm.s32 $0x18010;
	v5 =	vor.u32 s30, v1;
	v4 =	vimm.s32 $0x0;
	vm0 =	vgt.f32 v2, v3  }
.LBB2_6:
0xf8: {  	p0 =	sne.s32 s7, $0x7F0;
	v3 =	vsel vm0, v2, v3;
	v2 =	vld [tilespmem:s8+$0x0];
	v4 =	vsel vm0, v5, v4;
	s3 =	smov.u32 s7;
	s7 =	sadd.s32 $0x10, s7  }
.Ltmp2:
0xf9: {  	(pc) =	sbr.rel @p0 .LBB2_6-.Ltmp2, $2  }
0xfa: {  	_ =	sdelay $0x2  }
0xfb: {  	s8 =	sadd.s32 $0x10, s8;
	v5 =	vor.u32 s3, v1;
	vm0 =	vgt.f32 v2, v3  }
0xfc: {  	v3 =	vsel vm0, v2, v3  }
0xfd: {  	(v2sf) =	vpush v3, $0x0;
	_ =	sdelay $0x1  }
0xfe: {  	v2 =	vsel vm0, v5, v4  }
0xff: {  	(v2sf) =	vpush v2, $0x0;
	_ =	sdelay $0x2  }
0x100: {  	(v2sf) =	vpush v3, $0x1;
	_ =	sdelay $0x2  }
0x101: {  	(v2sf) =	vpush v2, $0x1;
	_ =	sdelay $0x4  }
0x102: {  	(v2sf) =	vpush v3, $0x2  }
0x103: {  	s7 =	spop (v2sf);
	(v2sf) =	vpush v2, $0x2;
	_ =	sdelay $0x2  }
0x104: {  	s8 =	spop (v2sf);
	p0 =	seq.f32 s7, $-Inf  }
0x105: {  	p1 =	slt.s32 s8, $0x800  }
0x106: {  	p2 =	sgt.f32 s7, $-Inf;
	(v2sf) =	vpush v3, $0x3;
	p0 =	por !p0, !p1  }
0x107: {  	s3 =	spop (v2sf);
	(v2sf) =	vpush v2, $0x3;
	p0 =	por !p0, !p0  }
0x108: {  	p0 =	por p2, p0  }
0x109: {  	s7 =	simm.s32 @!p0 $0xFF800000  }
0x10a: {  	s9 =	spop (v2sf);
	s8 =	simm.s32 @!p0 $0x800;
	p1 =	seq.f32 s3, s7  }
0x10b: {  	p2 =	slt.s32 s9, s8  }
0x10c: {  	(v2sf) =	vpush v3, $0x4;
	p3 =	sgt.f32 s3, s7;
	p0 =	por !p1, !p2  }
0x10d: {  	p0 =	por !p0, !p0  }
0x10e: {  	p0 =	por p3, p0  }
0x10f: {  	s7 =	smov.u32 @p0 s3;
	s3 =	spop (v2sf);
	(v2sf) =	vpush v2, $0x4  }
0x110: {  	s8 =	smov.u32 @p0 s9;
	p4 =	seq.f32 s3, s7;
	s9 =	spop (v2sf)  }
0x111: {  	p5 =	slt.s32 s9, s8  }
0x112: {  	p6 =	sgt.f32 s3, s7;
	p0 =	por !p4, !p5  }
0x113: {  	p0 =	por !p0, !p0  }
0x114: {  	(v2sf) =	vpush v3, $0x5;
	p0 =	por p6, p0  }
0x115: {  	s7 =	smov.u32 @p0 s3;
	s3 =	spop (v2sf);
	(v2sf) =	vpush v2, $0x5  }
0x116: {  	s8 =	smov.u32 @p0 s9;
	s9 =	spop (v2sf);
	p1 =	seq.f32 s3, s7  }
0x117: {  	p2 =	slt.s32 s9, s8  }
0x118: {  	p3 =	sgt.f32 s3, s7;
	p0 =	por !p1, !p2  }
0x119: {  	p0 =	por !p0, !p0  }
0x11a: {  	(v2sf) =	vpush v3, $0x6;
	p0 =	por p3, p0  }
0x11b: {  	s7 =	smov.u32 @p0 s3;
	s3 =	spop (v2sf);
	(v2sf) =	vpush v2, $0x6;
	_ =	sdelay $0x2  }
0x11c: {  	s8 =	smov.u32 @p0 s9;
	s9 =	spop (v2sf);
	p4 =	seq.f32 s3, s7  }
0x11d: {  	p5 =	slt.s32 s9, s8  }
0x11e: {  	p6 =	sgt.f32 s3, s7;
	(v2sf) =	vpush v3, $0x7;
	p0 =	por !p4, !p5  }
0x11f: {  	p0 =	por !p0, !p0  }
0x120: {  	p0 =	por p6, p0  }
0x121: {  	s7 =	smov.u32 @p0 s3;
	s3 =	spop (v2sf);
	(v2sf) =	vpush v2, $0x7  }
0x122: {  	s8 =	smov.u32 @p0 s9;
	p1 =	seq.f32 s3, s7;
	s9 =	spop (v2sf)  }
0x123: {  	p2 =	slt.s32 s9, s8  }
0x124: {  	p3 =	sgt.f32 s3, s7;
	p0 =	por !p1, !p2  }
0x125: {  	p0 =	por !p0, !p0  }
0x126: {  	(v2sf) =	vpush v3, $0x8;
	p0 =	por p3, p0  }
0x127: {  	s7 =	smov.u32 @p0 s3;
	s3 =	spop (v2sf);
	(v2sf) =	vpush v2, $0x8  }
0x128: {  	s8 =	smov.u32 @p0 s9;
	s9 =	spop (v2sf);
	p4 =	seq.f32 s3, s7  }
0x129: {  	p5 =	slt.s32 s9, s8  }
0x12a: {  	p6 =	sgt.f32 s3, s7;
	p0 =	por !p4, !p5  }
0x12b: {  	p0 =	por !p0, !p0  }
0x12c: {  	(v2sf) =	vpush v3, $0x9;
	p0 =	por p6, p0  }
0x12d: {  	s7 =	smov.u32 @p0 s3;
	s3 =	spop (v2sf);
	(v2sf) =	vpush v2, $0x9;
	_ =	sdelay $0x2  }
0x12e: {  	s8 =	smov.u32 @p0 s9;
	s9 =	spop (v2sf);
	p1 =	seq.f32 s3, s7  }
0x12f: {  	p2 =	slt.s32 s9, s8  }
0x130: {  	p3 =	sgt.f32 s3, s7;
	(v2sf) =	vpush v3, $0xA;
	p0 =	por !p1, !p2  }
0x131: {  	p0 =	por !p0, !p0  }
0x132: {  	p0 =	por p3, p0  }
0x133: {  	s7 =	smov.u32 @p0 s3;
	s3 =	spop (v2sf);
	(v2sf) =	vpush v2, $0xA  }
0x134: {  	s8 =	smov.u32 @p0 s9;
	p4 =	seq.f32 s3, s7;
	s9 =	spop (v2sf)  }
0x135: {  	p5 =	slt.s32 s9, s8  }
0x136: {  	p6 =	sgt.f32 s3, s7;
	p0 =	por !p4, !p5  }
0x137: {  	p0 =	por !p0, !p0  }
0x138: {  	(v2sf) =	vpush v3, $0xB;
	p0 =	por p6, p0  }
0x139: {  	s7 =	smov.u32 @p0 s3;
	s3 =	spop (v2sf);
	(v2sf) =	vpush v2, $0xB  }
0x13a: {  	s8 =	smov.u32 @p0 s9;
	s9 =	spop (v2sf);
	p1 =	seq.f32 s3, s7  }
0x13b: {  	p2 =	slt.s32 s9, s8  }
0x13c: {  	p3 =	sgt.f32 s3, s7;
	p0 =	por !p1, !p2  }
0x13d: {  	p0 =	por !p0, !p0  }
0x13e: {  	(v2sf) =	vpush v3, $0xC;
	p0 =	por p3, p0  }
0x13f: {  	s7 =	smov.u32 @p0 s3;
	s3 =	spop (v2sf);
	(v2sf) =	vpush v2, $0xC;
	_ =	sdelay $0x2  }
0x140: {  	s8 =	smov.u32 @p0 s9;
	s9 =	spop (v2sf);
	p4 =	seq.f32 s3, s7  }
0x141: {  	p5 =	slt.s32 s9, s8  }
0x142: {  	p6 =	sgt.f32 s3, s7;
	(v2sf) =	vpush v3, $0xD;
	p0 =	por !p4, !p5  }
0x143: {  	(v2sf) =	vpush v2, $0xD;
	p0 =	por !p0, !p0  }
0x144: {  	p0 =	por p6, p0  }
0x145: {  	s7 =	smov.u32 @p0 s3;
	s3 =	spop (v2sf)  }
0x146: {  	s8 =	smov.u32 @p0 s9;
	p1 =	seq.f32 s3, s7;
	s9 =	spop (v2sf)  }
0x147: {  	p2 =	slt.s32 s9, s8  }
0x148: {  	(v2sf) =	vpush v3, $0xE;
	p3 =	sgt.f32 s3, s7;
	p0 =	por !p1, !p2  }
0x149: {  	(v2sf) =	vpush v2, $0xE;
	p0 =	por !p0, !p0  }
0x14a: {  	p0 =	por p3, p0  }
0x14b: {  	s7 =	smov.u32 @p0 s3;
	s3 =	spop (v2sf)  }
0x14c: {  	s8 =	smov.u32 @p0 s9;
	s9 =	spop (v2sf);
	p4 =	seq.f32 s3, s7  }
0x14d: {  	p5 =	slt.s32 s9, s8  }
0x14e: {  	(v2sf) =	vpush v3, $0xF;
	p6 =	sgt.f32 s3, s7;
	p0 =	por !p4, !p5  }
0x14f: {  	(v2sf) =	vpush v2, $0xF;
	p0 =	por !p0, !p0  }
0x150: {  	p0 =	por p6, p0  }
0x151: {  	s10 =	spop (v2sf);
	s7 =	smov.u32 @p0 s3  }
0x152: {  	s11 =	spop (v2sf);
	s8 =	smov.u32 @p0 s9;
	p1 =	seq.f32 s10, s7  }
0x153: {  	p2 =	slt.s32 s11, s8  }
0x154: {  	p3 =	sgt.f32 s10, s7;
	p0 =	por !p1, !p2  }
0x155: {  	p0 =	por !p0, !p0  }
0x156: {  	p0 =	por p3, p0  }
0x157: {  	s3 =	spop (v2sf);
	s7 =	smov.u32 @p0 s10  }
0x158: {  	s9 =	spop (v2sf);
	s8 =	smov.u32 @p0 s11;
	p4 =	seq.f32 s3, s7  }
0x159: {  	p5 =	slt.s32 s9, s8  }
0x15a: {  	p6 =	sgt.f32 s3, s7;
	p0 =	por !p4, !p5  }
0x15b: {  	p0 =	por !p0, !p0  }
0x15c: {  	p0 =	por p6, p0  }
0x15d: {  	s10 =	spop (v2sf);
	s7 =	smov.u32 @p0 s3  }
0x15e: {  	s8 =	smov.u32 @p0 s9;
	s3 =	spop (v2sf);
	p3 =	seq.f32 s10, s7  }
0x15f: {  	p4 =	slt.s32 s3, s8  }
0x160: {  	p5 =	sgt.f32 s10, s7;
	p0 =	por !p3, !p4  }
0x161: {  	p0 =	por !p0, !p0  }
0x162: {  	p0 =	por p5, p0  }
0x163: {  	s8 =	smov.u32 @p0 s3  }
0x164: {  	p1 =	sgt.s32 s8, $0x7FF;
	s3 =	sadd.s32 $0xFFFFF800, s8;
	s9 =	smov.u32 s8  }
0x165: {  	s9 =	smov.u32 @p1 s3  }
0x166: {  	s3 =	sand.u32 $0xF, s9  }
0x167: {  	s12 =	sshra.s32 s9, $0x1F;
	p1 =	slt.s32 s9, $0x1;
	p6 =	sne.s32 s3, $0x0  }
0x168: {  	s13 =	sshrl.u32 s12, $0x1C;
	p1 =	por !p1, !p6  }
0x169: {  	s11 =	simm.s32 $0x1;
	s3 =	sadd.s32 s13, s9;
	p1 =	por !p1, !p1  }
0x16a: {  	s12 =	sadd.s32 $0x1, s8;
	s3 =	sshra.s32 s3, $0x4;
	s11 =	simm.s32 @!p1 $0x0  }
0x16b: {  	p1 =	sgt.s32 s12, $0x7FF;
	s3 =	ssub.s32 s3, s11;
	s11 =	sadd.s32 $0xFFFFF801, s8  }
0x16c: {  	s7 =	smov.u32 @p0 s10;
	s22 =	sshll.u32 s3, $0x4;
	s12 =	smov.u32 @p1 s11  }
0x16d: {  	s3 =	sshll.u32 s3, $0x6;
	s9 =	ssub.s32 s9, s22;
	s10 =	sand.u32 $0x70, s22  }
0x16e: {  	s11 =	sand.u32 $0xF, s12;
	s13 =	sshra.s32 s12, $0x1F;
	p2 =	slt.s32 s12, $0x1  }
0x16f: {  	s22 =	simm.s32 $0x1;
	s3 =	sand.u32 $0xFFFFFE00, s3;
	p3 =	sne.s32 s11, $0x0  }
0x170: {  	s28 =	sshrl.u32 s13, $0x1C;
	s13 =	sadd.s32 $0x2, s8;
	p0 =	por !p2, !p3  }
0x171: {  	s11 =	sadd.s32 s28, s12;
	p1 =	sgt.s32 s13, $0x7FF;
	s28 =	sadd.s32 $0xFFFFF802, s8  }
0x172: {  	s3 =	sor.u32 s10, s3;
	p0 =	por !p0, !p0;
	s13 =	smov.u32 @p1 s28  }
0x173: {  	s11 =	sshra.s32 s11, $0x4;
	s22 =	simm.s32 @!p0 $0x0;
	s30 =	sshra.s32 s13, $0x1F  }
0x174: {  	s28 =	sand.u32 $0xF, s13;
	p4 =	slt.s32 s13, $0x1;
	s11 =	ssub.s32 s11, s22  }
0x175: {  	s22 =	sshrl.u32 s30, $0x1C;
	p5 =	sne.s32 s28, $0x0;
	s28 =	sadd.s32 $0x3, s8  }
0x176: {  	s8 =	sadd.s32 $0xFFFFF803, s8;
	s30 =	simm.s32 $0x1;
	s10 =	sshll.u32 s11, $0x4  }
0x177: {  	s22 =	sadd.s32 s22, s13;
	p0 =	por !p4, !p5;
	p1 =	sgt.s32 s28, $0x7FF  }
0x178: {  	v2 =	vmov s9;
	s9 =	sshll.u32 s11, $0x6;
	p0 =	por !p0, !p0;
	s28 =	smov.u32 @p1 s8  }
0x179: {  	s8 =	sshra.s32 s22, $0x4;
	s30 =	simm.s32 @!p0 $0x0;
	s22 =	sand.u32 $0xF, s28  }
0x17a: {  	p1 =	slt.s32 s28, $0x1;
	p6 =	sne.s32 s22, $0x0;
	s22 =	sshra.s32 s28, $0x1F  }
0x17b: {  	s8 =	ssub.s32 s8, s30;
	s22 =	sshrl.u32 s22, $0x1C;
	p0 =	por !p1, !p6  }
0x17c: {  	s30 =	simm.s32 $0x1;
	s22 =	sadd.s32 s22, s28;
	p0 =	por !p0, !p0  }
0x17d: {  	s12 =	ssub.s32 s12, s10;
	s22 =	sshra.s32 s22, $0x4;
	s30 =	simm.s32 @!p0 $0x0  }
0x17e: {  	s10 =	sand.u32 $0x70, s10;
	s11 =	ssub.s32 s22, s30;
	s22 =	sshll.u32 s8, $0x4  }
0x17f: {  	v3 =	vmov s7;
	vm12 =	veq.s32 v2, v1;
	v2 =	vmov s12;
	s12 =	sand.u32 $0xFFFFFE00, s9;
	s13 =	ssub.s32 s13, s22;
	s30 =	sshll.u32 s11, $0x4  }
0x180: {  	v62 =	vnsel vm12, $0x0, v3;
	s7 =	sor.u32 s10, s12;
	vm13 =	veq.s32 v2, v1;
	s8 =	sshll.u32 s8, $0x6;
	v61 =	vmov s13;
	s10 =	ssub.s32 s28, s30  }
0x181: {  	[tilespmem:s3+$0x1A800] =	vst v62;
	v63 =	vnsel vm13, $0x0, v3;
	s8 =	sand.u32 $0xFFFFFE00, s8;
	s13 =	sand.u32 $0x70, s22;
	s22 =	sshll.u32 s11, $0x6;
	v2 =	vmov s10;
	vm14 =	veq.s32 v61, v1  }
0x182: {  	[tilespmem:s7+$0x1A880] =	vst v63;
	s28 =	sand.u32 $0x70, s30;
	s3 =	sor.u32 s13, s8;
	s30 =	sand.u32 $0xFFFFFE00, s22;
	v4 =	vnsel vm14, $0x0, v3;
	vm15 =	veq.s32 v2, v1  }
0x183: {  	s9 =	sor.u32 s28, s30;
	[tilespmem:s3+$0x1A900] =	vst v4;
	v2 =	vnsel vm15, $0x0, v3  }
0x184: {  	[tilespmem:s9+$0x1A980] =	vst v2  }
0x185: {  	_ =	swait.ge [sflag:s31], $0x8000  }
0x186: {  	[sflag:s31] =	ssyncset.done $0x0  }
0x187: {  	[sflag:s31] =	ssyncadd.s32 $0xFFFF8000  }
0x188: {  	_ =	swait.ge [sflag:s31], $0x8000  }
0x189: {  	[sflag:s31] =	ssyncset.done $0x0  }
0x18a: {  	[sflag:s31] =	ssyncadd.s32 $0xFFFF8000  }
0x18b: {  	_ =	swait.ge [sflag:s31], $0x8000  }
0x18c: {  	[sflag:s31] =	ssyncset.done $0x0  }
0x18d: {  	[sflag:s31] =	ssyncadd.s32 $0xFFFF8000  }
0x18e: {  	_ =	swait.ge [sflag:s31], $0x8000  }
0x18f: {  	[sflag:s31] =	ssyncset.done $0x0  }
0x190: {  	s10 =	rddreg [dreg:$0xc];
	[sflag:s31] =	ssyncadd.s32 $0xFFFF8000  }
0x191: {  	[tilespmem:s1], [sflag:$0x1] =	stream.strided.gather [hbm4b:s10+s23], $0x8000, s24, s23, $0x38;
	[tilespmem:$0x1C800] =	vst v63  }
0x192: {  	_ =	swait.ge [sflag:s0], $0x8000  }
0x193: {  	[sflag:s0] =	ssyncset.done $0x0  }
0x194: {  	s11 =	rddreg [dreg:$0x11];
	[sflag:s0] =	ssyncadd.s32 $0xFFFF8000  }
0x195: {  	[hbm4b:s11+s23] =	stream.strided.scatter [tilespmem:s25], [sflag:$0x5], $0x8000, s29, s23, $0x38;
	[tilespmem:$0x1C800] =	vst v63  }
0x196: {  	s12 =	rddreg [dreg:$0x12]  }
0x197: {  	[hbm4b:s12+s23] =	stream.strided.scatter [tilespmem:s25], [sflag:$0x5], $0x8000, s29, s23, $0x38;
	[tilespmem:$0x1C800] =	vst v63  }
0x198: {  	s13 =	rddreg [dreg:$0x13]  }
0x199: {  	[hbm4b:s13+s23] =	stream.strided.scatter [tilespmem:s25], [sflag:$0x5], $0x8000, s29, s23, $0x38;
	[tilespmem:$0x1C800] =	vst v63  }
0x19a: {  	s22 =	rddreg [dreg:$0x14]  }
0x19b: {  	[hbm4b:s22+s23] =	stream.strided.scatter [tilespmem:s25], [sflag:$0x5], $0x8000, s29, s23, $0x38;
	[tilespmem:$0x1C800] =	vst v63  }
0x19c: {  	_ =	swait.ge [sflag:s2], $0x8000  }
0x19d: {  	[sflag:s2] =	ssyncset.done $0x0  }
0x19e: {  	[sflag:s2] =	ssyncadd.s32 $0xFFFF8000  }
0x19f: {  	_ =	swait.ge [sflag:s2], $0x8000  }
0x1a0: {  	[sflag:s2] =	ssyncset.done $0x0  }
0x1a1: {  	[sflag:s2] =	ssyncadd.s32 $0xFFFF8000  }
0x1a2: {  	_ =	swait.ge [sflag:s2], $0x8000  }
0x1a3: {  	[sflag:s2] =	ssyncset.done $0x0  }
0x1a4: {  	[sflag:s2] =	ssyncadd.s32 $0xFFFF8000  }
0x1a5: {  	_ =	swait.ge [sflag:s2], $0x8000  }
0x1a6: {  	[sflag:s2] =	ssyncset.done $0x0  }
0x1a7: {  	s8 =	simm.s32 $0x3;
	s28 =	rddreg [dreg:$0xf];
	[sflag:s2] =	ssyncadd.s32 $0xFFFF8000  }
0x1a8: {  	[tilespmem:s25], [sflag:$0x2] =	stream.strided.gather [hbm4b:s28+s23], $0x8000, s24, s23, $0x38;
	[tilespmem:$0x1C800] =	vst v63  }
0x1a9: {  	_ =	swait.ge [sflag:s8], $0x8000  }
0x1aa: {  	[sflag:s8] =	ssyncset.done $0x0  }
0x1ab: {  	s30 =	rddreg [dreg:$0x15];
	[sflag:s8] =	ssyncadd.s32 $0xFFFF8000  }
0x1ac: {  	[hbm4b:s30+s23] =	stream.strided.scatter [tilespmem:s26], [sflag:$0x6], $0x8000, s29, s23, $0x38;
	[tilespmem:$0x1C800] =	vst v63  }
0x1ad: {  	s7 =	rddreg [dreg:$0x16]  }
0x1ae: {  	[hbm4b:s7+s23] =	stream.strided.scatter [tilespmem:s26], [sflag:$0x6], $0x8000, s29, s23, $0x38;
	[tilespmem:$0x1C800] =	vst v63  }
0x1af: {  	s9 =	rddreg [dreg:$0x17]  }
0x1b0: {  	[hbm4b:s9+s23] =	stream.strided.scatter [tilespmem:s26], [sflag:$0x6], $0x8000, s29, s23, $0x38;
	[tilespmem:$0x1C800] =	vst v63  }
0x1b1: {  	s10 =	rddreg [dreg:$0x18]  }
0x1b2: {  	[hbm4b:s10+s23] =	stream.strided.scatter [tilespmem:s26], [sflag:$0x6], $0x8000, s29, s23, $0x38;
	[tilespmem:$0x1C800] =	vst v63  }
0x1b3: {  	_ =	swait.ge [sflag:s4], $0x8000  }
0x1b4: {  	[sflag:s4] =	ssyncset.done $0x0  }
0x1b5: {  	[sflag:s4] =	ssyncadd.s32 $0xFFFF8000  }
0x1b6: {  	_ =	swait.ge [sflag:s4], $0x8000  }
0x1b7: {  	[sflag:s4] =	ssyncset.done $0x0  }
0x1b8: {  	[sflag:s4] =	ssyncadd.s32 $0xFFFF8000  }
0x1b9: {  	_ =	swait.ge [sflag:s4], $0x8000  }
0x1ba: {  	[sflag:s4] =	ssyncset.done $0x0  }
0x1bb: {  	[sflag:s4] =	ssyncadd.s32 $0xFFFF8000  }
0x1bc: {  	_ =	swait.ge [sflag:s4], $0x8000  }
0x1bd: {  	[sflag:s4] =	ssyncset.done $0x0  }
0x1be: {  	s7 =	simm.s32 $0x1;
	s11 =	rddreg [dreg:$0xd];
	[sflag:s4] =	ssyncadd.s32 $0xFFFF8000  }
0x1bf: {  	[tilespmem:s26], [sflag:$0x3] =	stream.strided.gather [hbm4b:s11+s23], $0x8000, s24, s23, $0x38;
	[tilespmem:$0x1C800] =	vst v63  }
0x1c0: {  	_ =	swait.ge [sflag:s7], $0x8000  }
0x1c1: {  	[sflag:s7] =	ssyncset.done $0x0  }
0x1c2: {  	s12 =	rddreg [dreg:$0x19];
	[sflag:s7] =	ssyncadd.s32 $0xFFFF8000  }
0x1c3: {  	[hbm4b:s12+s23] =	stream.strided.scatter [tilespmem:s1], [sflag:$0x4], $0x8000, s29, s23, $0x38;
	[tilespmem:$0x1C800] =	vst v63  }
0x1c4: {  	s13 =	rddreg [dreg:$0x1a]  }
0x1c5: {  	[hbm4b:s13+s23] =	stream.strided.scatter [tilespmem:s1], [sflag:$0x4], $0x8000, s29, s23, $0x38;
	[tilespmem:$0x1C800] =	vst v63  }
0x1c6: {  	s22 =	rddreg [dreg:$0x1b]  }
0x1c7: {  	[hbm4b:s22+s23] =	stream.strided.scatter [tilespmem:s1], [sflag:$0x4], $0x8000, s29, s23, $0x38;
	[tilespmem:$0x1C800] =	vst v63  }
0x1c8: {  	s28 =	rddreg [dreg:$0x1c]  }
0x1c9: {  	[hbm4b:s28+s23] =	stream.strided.scatter [tilespmem:s1], [sflag:$0x4], $0x8000, s29, s23, $0x38;
	[tilespmem:$0x1C800] =	vst v63  }
0x1ca: {  	_ =	swait.ge [sflag:s31], $0x8000  }
0x1cb: {  	[sflag:s31] =	ssyncset.done $0x0  }
0x1cc: {  	[sflag:s31] =	ssyncadd.s32 $0xFFFF8000  }
0x1cd: {  	_ =	swait.ge [sflag:s31], $0x8000  }
0x1ce: {  	[sflag:s31] =	ssyncset.done $0x0  }
0x1cf: {  	[sflag:s31] =	ssyncadd.s32 $0xFFFF8000  }
0x1d0: {  	_ =	swait.ge [sflag:s31], $0x8000  }
0x1d1: {  	[sflag:s31] =	ssyncset.done $0x0  }
0x1d2: {  	[sflag:s31] =	ssyncadd.s32 $0xFFFF8000  }
0x1d3: {  	_ =	swait.ge [sflag:s31], $0x8000  }
0x1d4: {  	[sflag:s31] =	ssyncset.done $0x0  }
0x1d5: {  	s30 =	rddreg [dreg:$0xe];
	[sflag:s31] =	ssyncadd.s32 $0xFFFF8000  }
0x1d6: {  	[tilespmem:s1], [sflag:$0x1] =	stream.strided.gather [hbm4b:s30+s23], $0x8000, s24, s23, $0x38;
	[tilespmem:$0x1C800] =	vst v63  }
0x1d7: {  	_ =	swait.ge [sflag:s0], $0x8000  }
0x1d8: {  	s9 =	sld [smem:$0x7F9]  }
0x1d9: {  	[sflag:s0] =	ssyncset.done $0x0  }
0x1da: {  	s10 =	sld [smem:$0x7FA];
	[sflag:s0] =	ssyncadd.s32 $0xFFFF8000  }
0x1db: {  	[hbm4b:s9+s23] =	stream.strided.scatter [tilespmem:s25], [sflag:$0x5], $0x8000, s29, s23, $0x38;
	[tilespmem:$0x1C800] =	vst v63  }
0x1dc: {  	s11 =	sld [smem:$0x7FB]  }
0x1dd: {  	[hbm4b:s10+s23] =	stream.strided.scatter [tilespmem:s25], [sflag:$0x5], $0x8000, s29, s23, $0x38;
	[tilespmem:$0x1C800] =	vst v63  }
0x1de: {  	s12 =	sld [smem:$0x7FC]  }
0x1df: {  	[hbm4b:s11+s23] =	stream.strided.scatter [tilespmem:s25], [sflag:$0x5], $0x8000, s29, s23, $0x38;
	[tilespmem:$0x1C800] =	vst v63  }
0x1e0: {  	_ = 	snop  }
0x1e1: {  	[hbm4b:s12+s23] =	stream.strided.scatter [tilespmem:s25], [sflag:$0x5], $0x8000, s29, s23, $0x38;
	[tilespmem:$0x1C800] =	vst v63  }
0x1e2: {  	_ =	swait.ge [sflag:s2], $0x8000  }
0x1e3: {  	[sflag:s2] =	ssyncset.done $0x0  }
0x1e4: {  	[sflag:s2] =	ssyncadd.s32 $0xFFFF8000  }
0x1e5: {  	_ =	swait.ge [sflag:s2], $0x8000  }
0x1e6: {  	[sflag:s2] =	ssyncset.done $0x0  }
0x1e7: {  	[sflag:s2] =	ssyncadd.s32 $0xFFFF8000  }
0x1e8: {  	_ =	swait.ge [sflag:s2], $0x8000  }
0x1e9: {  	[sflag:s2] =	ssyncset.done $0x0  }
0x1ea: {  	[sflag:s2] =	ssyncadd.s32 $0xFFFF8000  }
0x1eb: {  	_ =	swait.ge [sflag:s2], $0x8000  }
0x1ec: {  	[sflag:s2] =	ssyncset.done $0x0  }
0x1ed: {  	s13 =	rddreg [dreg:$0x10];
	[sflag:s2] =	ssyncadd.s32 $0xFFFF8000  }
0x1ee: {  	[tilespmem:s25], [sflag:$0x2] =	stream.strided.gather [hbm4b:s13+s23], $0x8000, s24, s23, $0x38;
	[tilespmem:$0x1C800] =	vst v63  }
0x1ef: {  	_ =	swait.ge [sflag:s8], $0x8000  }
0x1f0: {  	[sflag:s8] =	ssyncset.done $0x0;
	s22 =	rddreg [dreg:$0x1d]  }
0x1f1: {  	s28 =	rddreg [dreg:$0x1e];
	[sflag:s8] =	ssyncadd.s32 $0xFFFF8000  }
0x1f2: {  	[hbm4b:s22+s23] =	stream.strided.scatter [tilespmem:s26], [sflag:$0x6], $0x8000, s29, s23, $0x38;
	[tilespmem:$0x1C800] =	vst v63  }
0x1f3: {  	s30 =	rddreg [dreg:$0x1f]  }
0x1f4: {  	[hbm4b:s28+s23] =	stream.strided.scatter [tilespmem:s26], [sflag:$0x6], $0x8000, s29, s23, $0x38;
	[tilespmem:$0x1C800] =	vst v63  }
0x1f5: {  	s8 =	sld [smem:$0x7F0]  }
0x1f6: {  	[hbm4b:s30+s23] =	stream.strided.scatter [tilespmem:s26], [sflag:$0x6], $0x8000, s29, s23, $0x38;
	[tilespmem:$0x1C800] =	vst v63  }
0x1f7: {  	_ = 	snop  }
0x1f8: {  	[hbm4b:s8+s23] =	stream.strided.scatter [tilespmem:s26], [sflag:$0x6], $0x8000, s29, s23, $0x38;
	[tilespmem:$0x1C800] =	vst v63  }
0x1f9: {  	_ =	swait.ge [sflag:s7], $0x8000  }
0x1fa: {  	s9 =	sld [smem:$0x7F1]  }
0x1fb: {  	[sflag:s7] =	ssyncset.done $0x0  }
0x1fc: {  	s10 =	sld [smem:$0x7F2];
	[sflag:s7] =	ssyncadd.s32 $0xFFFF8000  }
0x1fd: {  	[hbm4b:s9+s23] =	stream.strided.scatter [tilespmem:s1], [sflag:$0x4], $0x8000, s29, s23, $0x38;
	[tilespmem:$0x1C800] =	vst v63  }
0x1fe: {  	s11 =	sld [smem:$0x7F3]  }
0x1ff: {  	[hbm4b:s10+s23] =	stream.strided.scatter [tilespmem:s1], [sflag:$0x4], $0x8000, s29, s23, $0x38;
	[tilespmem:$0x1C800] =	vst v63  }
0x200: {  	s12 =	sld [smem:$0x7F4]  }
0x201: {  	[hbm4b:s11+s23] =	stream.strided.scatter [tilespmem:s1], [sflag:$0x4], $0x8000, s29, s23, $0x38;
	[tilespmem:$0x1C800] =	vst v63  }
0x202: {  	_ = 	snop  }
0x203: {  	[hbm4b:s12+s23] =	stream.strided.scatter [tilespmem:s1], [sflag:$0x4], $0x8000, s29, s23, $0x38;
	[tilespmem:$0x1C800] =	vst v63  }
0x204: {  	_ =	swait.ge [sflag:s0], $0x8000  }
0x205: {  	s13 =	sld [smem:$0x7F5]  }
0x206: {  	[sflag:s0] =	ssyncset.done $0x0  }
0x207: {  	s22 =	sld [smem:$0x7F6];
	[sflag:s0] =	ssyncadd.s32 $0xFFFF8000  }
0x208: {  	[hbm4b:s13+s23] =	stream.strided.scatter [tilespmem:s25], [sflag:$0x5], $0x8000, s29, s23, $0x38;
	[tilespmem:$0x1C800] =	vst v63  }
0x209: {  	s28 =	sld [smem:$0x7F7]  }
0x20a: {  	[hbm4b:s22+s23] =	stream.strided.scatter [tilespmem:s25], [sflag:$0x5], $0x8000, s29, s23, $0x38;
	[tilespmem:$0x1C800] =	vst v63  }
0x20b: {  	s30 =	sld [smem:$0x7F8]  }
0x20c: {  	[hbm4b:s28+s23] =	stream.strided.scatter [tilespmem:s25], [sflag:$0x5], $0x8000, s29, s23, $0x38;
	[tilespmem:$0x1C800] =	vst v63  }
0x20d: {  	_ = 	snop  }
0x20e: {  	[hbm4b:s30+s23] =	stream.strided.scatter [tilespmem:s25], [sflag:$0x5], $0x8000, s29, s23, $0x38;
	[tilespmem:$0x1C800] =	vst v63  }
0x20f: {  	_ =	swait.ge [sflag:s4], $0x8000  }
0x210: {  	[sflag:s4] =	ssyncset.done $0x0  }
0x211: {  	[sflag:s4] =	ssyncadd.s32 $0xFFFF8000  }
0x212: {  	_ =	swait.ge [sflag:s4], $0x8000  }
0x213: {  	[sflag:s4] =	ssyncset.done $0x0  }
0x214: {  	[sflag:s4] =	ssyncadd.s32 $0xFFFF8000  }
0x215: {  	_ =	swait.ge [sflag:s4], $0x8000  }
0x216: {  	[sflag:s4] =	ssyncset.done $0x0  }
0x217: {  	[sflag:s4] =	ssyncadd.s32 $0xFFFF8000  }
0x218: {  	_ =	swait.ge [sflag:s4], $0x8000  }
0x219: {  	[sflag:s4] =	ssyncset.done $0x0  }
0x21a: {  	[sflag:s4] =	ssyncadd.s32 $0xFFFF8000  }
0x21b: {  	_ =	swait.ge [sflag:s31], $0x8000  }
0x21c: {  	[sflag:s31] =	ssyncset.done $0x0  }
0x21d: {  	[sflag:s31] =	ssyncadd.s32 $0xFFFF8000  }
0x21e: {  	_ =	swait.ge [sflag:s31], $0x8000  }
0x21f: {  	[sflag:s31] =	ssyncset.done $0x0  }
0x220: {  	[sflag:s31] =	ssyncadd.s32 $0xFFFF8000  }
0x221: {  	_ =	swait.ge [sflag:s31], $0x8000  }
0x222: {  	[sflag:s31] =	ssyncset.done $0x0  }
0x223: {  	[sflag:s31] =	ssyncadd.s32 $0xFFFF8000  }
0x224: {  	_ =	swait.ge [sflag:s31], $0x8000  }
0x225: {  	[sflag:s31] =	ssyncset.done $0x0  }
0x226: {  	[sflag:s31] =	ssyncadd.s32 $0xFFFF8000  }
0x227: {  	_ =	swait.ge [sflag:s2], $0x8000  }
0x228: {  	[sflag:s2] =	ssyncset.done $0x0  }
0x229: {  	[sflag:s2] =	ssyncadd.s32 $0xFFFF8000  }
0x22a: {  	_ =	swait.ge [sflag:s2], $0x8000  }
0x22b: {  	[sflag:s2] =	ssyncset.done $0x0  }
0x22c: {  	[sflag:s2] =	ssyncadd.s32 $0xFFFF8000  }
0x22d: {  	_ =	swait.ge [sflag:s2], $0x8000  }
0x22e: {  	[sflag:s2] =	ssyncset.done $0x0  }
0x22f: {  	[sflag:s2] =	ssyncadd.s32 $0xFFFF8000  }
0x230: {  	_ =	swait.ge [sflag:s2], $0x8000  }
0x231: {  	[sflag:s2] =	ssyncset.done $0x0  }
0x232: {  	s8 =	simm.s32 $0x18800;
	[sflag:s2] =	ssyncadd.s32 $0xFFFF8000  }
0x233: {  	[hbm4b:s14+s1] =	stream.linear.scatter [tilespmem:s8], [sflag:$0x7], $0x80, $0x38;
	[tilespmem:$0x1C800] =	vst v63  }
0x234: {  	s9 =	sadd.s32 $0x40, s14;
	s10 =	simm.s32 $0x18A00  }
0x235: {  	[hbm4b:s9+s1] =	stream.linear.scatter [tilespmem:s10], [sflag:$0x7], $0x80, $0x38;
	[tilespmem:$0x1C800] =	vst v63  }
0x236: {  	s11 =	sadd.s32 $0x80, s14;
	s12 =	simm.s32 $0x18C00  }
0x237: {  	[hbm4b:s11+s1] =	stream.linear.scatter [tilespmem:s12], [sflag:$0x7], $0x80, $0x38;
	[tilespmem:$0x1C800] =	vst v63  }
0x238: {  	s13 =	sadd.s32 $0xC0, s14;
	s22 =	simm.s32 $0x18E00  }
0x239: {  	[hbm4b:s13+s1] =	stream.linear.scatter [tilespmem:s22], [sflag:$0x7], $0x80, $0x38;
	[tilespmem:$0x1C800] =	vst v63  }
0x23a: {  	s28 =	sadd.s32 $0x100, s14;
	s30 =	simm.s32 $0x19000  }
0x23b: {  	[hbm4b:s28+s1] =	stream.linear.scatter [tilespmem:s30], [sflag:$0x7], $0x80, $0x38;
	[tilespmem:$0x1C800] =	vst v63  }
0x23c: {  	s9 =	sadd.s32 $0x140, s14;
	s10 =	simm.s32 $0x19200  }
0x23d: {  	[hbm4b:s9+s1] =	stream.linear.scatter [tilespmem:s10], [sflag:$0x7], $0x80, $0x38;
	[tilespmem:$0x1C800] =	vst v63  }
0x23e: {  	s11 =	sadd.s32 $0x180, s14;
	s12 =	simm.s32 $0x19400  }
0x23f: {  	[hbm4b:s11+s1] =	stream.linear.scatter [tilespmem:s12], [sflag:$0x7], $0x80, $0x38;
	[tilespmem:$0x1C800] =	vst v63  }
0x240: {  	s13 =	sadd.s32 $0x1C0, s14;
	s22 =	simm.s32 $0x19600  }
0x241: {  	[hbm4b:s13+s1] =	stream.linear.scatter [tilespmem:s22], [sflag:$0x7], $0x80, $0x38;
	[tilespmem:$0x1C800] =	vst v63  }
0x242: {  	s28 =	sadd.s32 $0x200, s14;
	s30 =	simm.s32 $0x19800  }
0x243: {  	[hbm4b:s28+s1] =	stream.linear.scatter [tilespmem:s30], [sflag:$0x7], $0x80, $0x38;
	[tilespmem:$0x1C800] =	vst v63  }
0x244: {  	s9 =	sadd.s32 $0x240, s14;
	s10 =	simm.s32 $0x19A00  }
0x245: {  	[hbm4b:s9+s1] =	stream.linear.scatter [tilespmem:s10], [sflag:$0x7], $0x80, $0x38;
	[tilespmem:$0x1C800] =	vst v63  }
0x246: {  	s11 =	sadd.s32 $0x280, s14;
	s12 =	simm.s32 $0x19C00  }
0x247: {  	[hbm4b:s11+s1] =	stream.linear.scatter [tilespmem:s12], [sflag:$0x7], $0x80, $0x38;
	[tilespmem:$0x1C800] =	vst v63  }
0x248: {  	s13 =	sadd.s32 $0x2C0, s14;
	s22 =	simm.s32 $0x19E00  }
0x249: {  	[hbm4b:s13+s1] =	stream.linear.scatter [tilespmem:s22], [sflag:$0x7], $0x80, $0x38;
	[tilespmem:$0x1C800] =	vst v63  }
0x24a: {  	s28 =	sadd.s32 $0x300, s14;
	s30 =	simm.s32 $0x1A000  }
0x24b: {  	[hbm4b:s28+s1] =	stream.linear.scatter [tilespmem:s30], [sflag:$0x7], $0x80, $0x38;
	[tilespmem:$0x1C800] =	vst v63  }
0x24c: {  	s8 =	sadd.s32 $0x340, s14;
	s9 =	simm.s32 $0x1A200  }
0x24d: {  	[hbm4b:s8+s1] =	stream.linear.scatter [tilespmem:s9], [sflag:$0x7], $0x80, $0x38;
	[tilespmem:$0x1C800] =	vst v63  }
0x24e: {  	s10 =	sadd.s32 $0x380, s14;
	s11 =	simm.s32 $0x1A400  }
0x24f: {  	[hbm4b:s10+s1] =	stream.linear.scatter [tilespmem:s11], [sflag:$0x7], $0x80, $0x38;
	[tilespmem:$0x1C800] =	vst v63  }
0x250: {  	s12 =	sadd.s32 $0x3C0, s14;
	s13 =	simm.s32 $0x1A600  }
0x251: {  	[hbm4b:s12+s1] =	stream.linear.scatter [tilespmem:s13], [sflag:$0x7], $0x80, $0x38;
	[tilespmem:$0x1C800] =	vst v63  }
0x252: {  	s22 =	simm.s32 $0x18880  }
0x253: {  	[hbm4b:s15+s1] =	stream.linear.scatter [tilespmem:s22], [sflag:$0x7], $0x80, $0x38;
	[tilespmem:$0x1C800] =	vst v63  }
0x254: {  	s28 =	sadd.s32 $0x40, s15;
	s30 =	simm.s32 $0x18A80  }
0x255: {  	[hbm4b:s28+s1] =	stream.linear.scatter [tilespmem:s30], [sflag:$0x7], $0x80, $0x38;
	[tilespmem:$0x1C800] =	vst v63  }
0x256: {  	s9 =	sadd.s32 $0x80, s15;
	s10 =	simm.s32 $0x18C80  }
0x257: {  	[hbm4b:s9+s1] =	stream.linear.scatter [tilespmem:s10], [sflag:$0x7], $0x80, $0x38;
	[tilespmem:$0x1C800] =	vst v63  }
0x258: {  	s11 =	sadd.s32 $0xC0, s15;
	s12 =	simm.s32 $0x18E80  }
0x259: {  	[hbm4b:s11+s1] =	stream.linear.scatter [tilespmem:s12], [sflag:$0x7], $0x80, $0x38;
	[tilespmem:$0x1C800] =	vst v63  }
0x25a: {  	s13 =	sadd.s32 $0x100, s15;
	s22 =	simm.s32 $0x19080  }
0x25b: {  	[hbm4b:s13+s1] =	stream.linear.scatter [tilespmem:s22], [sflag:$0x7], $0x80, $0x38;
	[tilespmem:$0x1C800] =	vst v63  }
0x25c: {  	s28 =	sadd.s32 $0x140, s15;
	s30 =	simm.s32 $0x19280  }
0x25d: {  	[hbm4b:s28+s1] =	stream.linear.scatter [tilespmem:s30], [sflag:$0x7], $0x80, $0x38;
	[tilespmem:$0x1C800] =	vst v63  }
0x25e: {  	s9 =	sadd.s32 $0x180, s15;
	s10 =	simm.s32 $0x19480  }
0x25f: {  	[hbm4b:s9+s1] =	stream.linear.scatter [tilespmem:s10], [sflag:$0x7], $0x80, $0x38;
	[tilespmem:$0x1C800] =	vst v63  }
0x260: {  	s11 =	sadd.s32 $0x1C0, s15;
	s12 =	simm.s32 $0x19680  }
0x261: {  	[hbm4b:s11+s1] =	stream.linear.scatter [tilespmem:s12], [sflag:$0x7], $0x80, $0x38;
	[tilespmem:$0x1C800] =	vst v63  }
0x262: {  	s13 =	sadd.s32 $0x200, s15;
	s22 =	simm.s32 $0x19880  }
0x263: {  	[hbm4b:s13+s1] =	stream.linear.scatter [tilespmem:s22], [sflag:$0x7], $0x80, $0x38;
	[tilespmem:$0x1C800] =	vst v63  }
0x264: {  	s28 =	sadd.s32 $0x240, s15;
	s30 =	simm.s32 $0x19A80  }
0x265: {  	[hbm4b:s28+s1] =	stream.linear.scatter [tilespmem:s30], [sflag:$0x7], $0x80, $0x38;
	[tilespmem:$0x1C800] =	vst v63  }
0x266: {  	s9 =	sadd.s32 $0x280, s15;
	s10 =	simm.s32 $0x19C80  }
0x267: {  	[hbm4b:s9+s1] =	stream.linear.scatter [tilespmem:s10], [sflag:$0x7], $0x80, $0x38;
	[tilespmem:$0x1C800] =	vst v63  }
0x268: {  	s11 =	sadd.s32 $0x2C0, s15;
	s12 =	simm.s32 $0x19E80  }
0x269: {  	[hbm4b:s11+s1] =	stream.linear.scatter [tilespmem:s12], [sflag:$0x7], $0x80, $0x38;
	[tilespmem:$0x1C800] =	vst v63  }
0x26a: {  	s13 =	sadd.s32 $0x300, s15;
	s22 =	simm.s32 $0x1A080  }
0x26b: {  	[hbm4b:s13+s1] =	stream.linear.scatter [tilespmem:s22], [sflag:$0x7], $0x80, $0x38;
	[tilespmem:$0x1C800] =	vst v63  }
0x26c: {  	s28 =	sadd.s32 $0x340, s15;
	s30 =	simm.s32 $0x1A280  }
0x26d: {  	[hbm4b:s28+s1] =	stream.linear.scatter [tilespmem:s30], [sflag:$0x7], $0x80, $0x38;
	[tilespmem:$0x1C800] =	vst v63  }
0x26e: {  	s8 =	sadd.s32 $0x380, s15;
	s9 =	simm.s32 $0x1A480  }
0x26f: {  	[hbm4b:s8+s1] =	stream.linear.scatter [tilespmem:s9], [sflag:$0x7], $0x80, $0x38;
	[tilespmem:$0x1C800] =	vst v63  }
0x270: {  	s10 =	sadd.s32 $0x3C0, s15;
	s11 =	simm.s32 $0x1A680  }
0x271: {  	[hbm4b:s10+s1] =	stream.linear.scatter [tilespmem:s11], [sflag:$0x7], $0x80, $0x38;
	[tilespmem:$0x1C800] =	vst v63  }
0x272: {  	s12 =	simm.s32 $0x18900  }
0x273: {  	[hbm4b:s16+s1] =	stream.linear.scatter [tilespmem:s12], [sflag:$0x7], $0x80, $0x38;
	[tilespmem:$0x1C800] =	vst v63  }
0x274: {  	s13 =	sadd.s32 $0x40, s16;
	s22 =	simm.s32 $0x18B00  }
0x275: {  	[hbm4b:s13+s1] =	stream.linear.scatter [tilespmem:s22], [sflag:$0x7], $0x80, $0x38;
	[tilespmem:$0x1C800] =	vst v63  }
0x276: {  	s28 =	sadd.s32 $0x80, s16;
	s30 =	simm.s32 $0x18D00  }
0x277: {  	[hbm4b:s28+s1] =	stream.linear.scatter [tilespmem:s30], [sflag:$0x7], $0x80, $0x38;
	[tilespmem:$0x1C800] =	vst v63  }
0x278: {  	s9 =	sadd.s32 $0xC0, s16;
	s10 =	simm.s32 $0x18F00  }
0x279: {  	[hbm4b:s9+s1] =	stream.linear.scatter [tilespmem:s10], [sflag:$0x7], $0x80, $0x38;
	[tilespmem:$0x1C800] =	vst v63  }
0x27a: {  	s11 =	sadd.s32 $0x100, s16;
	s12 =	simm.s32 $0x19100  }
0x27b: {  	[hbm4b:s11+s1] =	stream.linear.scatter [tilespmem:s12], [sflag:$0x7], $0x80, $0x38;
	[tilespmem:$0x1C800] =	vst v63  }
0x27c: {  	s13 =	sadd.s32 $0x140, s16;
	s22 =	simm.s32 $0x19300  }
0x27d: {  	[hbm4b:s13+s1] =	stream.linear.scatter [tilespmem:s22], [sflag:$0x7], $0x80, $0x38;
	[tilespmem:$0x1C800] =	vst v63  }
0x27e: {  	s28 =	sadd.s32 $0x180, s16;
	s30 =	simm.s32 $0x19500  }
0x27f: {  	[hbm4b:s28+s1] =	stream.linear.scatter [tilespmem:s30], [sflag:$0x7], $0x80, $0x38;
	[tilespmem:$0x1C800] =	vst v63  }
0x280: {  	s9 =	sadd.s32 $0x1C0, s16;
	s10 =	simm.s32 $0x19700  }
0x281: {  	[hbm4b:s9+s1] =	stream.linear.scatter [tilespmem:s10], [sflag:$0x7], $0x80, $0x38;
	[tilespmem:$0x1C800] =	vst v63  }
0x282: {  	s11 =	sadd.s32 $0x200, s16;
	s12 =	simm.s32 $0x19900  }
0x283: {  	[hbm4b:s11+s1] =	stream.linear.scatter [tilespmem:s12], [sflag:$0x7], $0x80, $0x38;
	[tilespmem:$0x1C800] =	vst v63  }
0x284: {  	s13 =	sadd.s32 $0x240, s16;
	s22 =	simm.s32 $0x19B00  }
0x285: {  	[hbm4b:s13+s1] =	stream.linear.scatter [tilespmem:s22], [sflag:$0x7], $0x80, $0x38;
	[tilespmem:$0x1C800] =	vst v63  }
0x286: {  	s28 =	sadd.s32 $0x280, s16;
	s30 =	simm.s32 $0x19D00  }
0x287: {  	[hbm4b:s28+s1] =	stream.linear.scatter [tilespmem:s30], [sflag:$0x7], $0x80, $0x38;
	[tilespmem:$0x1C800] =	vst v63  }
0x288: {  	s9 =	sadd.s32 $0x2C0, s16;
	s10 =	simm.s32 $0x19F00  }
0x289: {  	[hbm4b:s9+s1] =	stream.linear.scatter [tilespmem:s10], [sflag:$0x7], $0x80, $0x38;
	[tilespmem:$0x1C800] =	vst v63  }
0x28a: {  	s11 =	sadd.s32 $0x300, s16;
	s12 =	simm.s32 $0x1A100  }
0x28b: {  	[hbm4b:s11+s1] =	stream.linear.scatter [tilespmem:s12], [sflag:$0x7], $0x80, $0x38;
	[tilespmem:$0x1C800] =	vst v63  }
0x28c: {  	s13 =	sadd.s32 $0x340, s16;
	s22 =	simm.s32 $0x1A300  }
0x28d: {  	[hbm4b:s13+s1] =	stream.linear.scatter [tilespmem:s22], [sflag:$0x7], $0x80, $0x38;
	[tilespmem:$0x1C800] =	vst v63  }
0x28e: {  	s28 =	sadd.s32 $0x380, s16;
	s30 =	simm.s32 $0x1A500  }
0x28f: {  	[hbm4b:s28+s1] =	stream.linear.scatter [tilespmem:s30], [sflag:$0x7], $0x80, $0x38;
	[tilespmem:$0x1C800] =	vst v63  }
0x290: {  	s8 =	sadd.s32 $0x3C0, s16;
	s9 =	simm.s32 $0x1A700  }
0x291: {  	[hbm4b:s8+s1] =	stream.linear.scatter [tilespmem:s9], [sflag:$0x7], $0x80, $0x38;
	[tilespmem:$0x1C800] =	vst v63  }
0x292: {  	s10 =	simm.s32 $0x18980  }
0x293: {  	[hbm4b:s17+s1] =	stream.linear.scatter [tilespmem:s10], [sflag:$0x7], $0x80, $0x38;
	[tilespmem:$0x1C800] =	vst v63  }
0x294: {  	s11 =	sadd.s32 $0x40, s17;
	s12 =	simm.s32 $0x18B80  }
0x295: {  	[hbm4b:s11+s1] =	stream.linear.scatter [tilespmem:s12], [sflag:$0x7], $0x80, $0x38;
	[tilespmem:$0x1C800] =	vst v63  }
0x296: {  	s13 =	sadd.s32 $0x80, s17;
	s22 =	simm.s32 $0x18D80  }
0x297: {  	[hbm4b:s13+s1] =	stream.linear.scatter [tilespmem:s22], [sflag:$0x7], $0x80, $0x38;
	[tilespmem:$0x1C800] =	vst v63  }
0x298: {  	s28 =	sadd.s32 $0xC0, s17;
	s30 =	simm.s32 $0x18F80  }
0x299: {  	[hbm4b:s28+s1] =	stream.linear.scatter [tilespmem:s30], [sflag:$0x7], $0x80, $0x38;
	[tilespmem:$0x1C800] =	vst v63  }
0x29a: {  	s9 =	sadd.s32 $0x100, s17;
	s10 =	simm.s32 $0x19180  }
0x29b: {  	[hbm4b:s9+s1] =	stream.linear.scatter [tilespmem:s10], [sflag:$0x7], $0x80, $0x38;
	[tilespmem:$0x1C800] =	vst v63  }
0x29c: {  	s11 =	sadd.s32 $0x140, s17;
	s12 =	simm.s32 $0x19380  }
0x29d: {  	[hbm4b:s11+s1] =	stream.linear.scatter [tilespmem:s12], [sflag:$0x7], $0x80, $0x38;
	[tilespmem:$0x1C800] =	vst v63  }
0x29e: {  	s13 =	sadd.s32 $0x180, s17;
	s22 =	simm.s32 $0x19580  }
0x29f: {  	[hbm4b:s13+s1] =	stream.linear.scatter [tilespmem:s22], [sflag:$0x7], $0x80, $0x38;
	[tilespmem:$0x1C800] =	vst v63  }
0x2a0: {  	s28 =	sadd.s32 $0x1C0, s17;
	s30 =	simm.s32 $0x19780  }
0x2a1: {  	[hbm4b:s28+s1] =	stream.linear.scatter [tilespmem:s30], [sflag:$0x7], $0x80, $0x38;
	[tilespmem:$0x1C800] =	vst v63  }
0x2a2: {  	s9 =	sadd.s32 $0x200, s17;
	s10 =	simm.s32 $0x19980  }
0x2a3: {  	[hbm4b:s9+s1] =	stream.linear.scatter [tilespmem:s10], [sflag:$0x7], $0x80, $0x38;
	[tilespmem:$0x1C800] =	vst v63  }
0x2a4: {  	s11 =	sadd.s32 $0x240, s17;
	s12 =	simm.s32 $0x19B80  }
0x2a5: {  	[hbm4b:s11+s1] =	stream.linear.scatter [tilespmem:s12], [sflag:$0x7], $0x80, $0x38;
	[tilespmem:$0x1C800] =	vst v63  }
0x2a6: {  	s13 =	sadd.s32 $0x280, s17;
	s22 =	simm.s32 $0x19D80  }
0x2a7: {  	[hbm4b:s13+s1] =	stream.linear.scatter [tilespmem:s22], [sflag:$0x7], $0x80, $0x38;
	[tilespmem:$0x1C800] =	vst v63  }
0x2a8: {  	s28 =	sadd.s32 $0x2C0, s17;
	s30 =	simm.s32 $0x19F80  }
0x2a9: {  	[hbm4b:s28+s1] =	stream.linear.scatter [tilespmem:s30], [sflag:$0x7], $0x80, $0x38;
	[tilespmem:$0x1C800] =	vst v63  }
0x2aa: {  	s9 =	sadd.s32 $0x300, s17;
	s10 =	simm.s32 $0x1A180  }
0x2ab: {  	[hbm4b:s9+s1] =	stream.linear.scatter [tilespmem:s10], [sflag:$0x7], $0x80, $0x38;
	[tilespmem:$0x1C800] =	vst v63  }
0x2ac: {  	s11 =	sadd.s32 $0x340, s17;
	s12 =	simm.s32 $0x1A380  }
0x2ad: {  	[hbm4b:s11+s1] =	stream.linear.scatter [tilespmem:s12], [sflag:$0x7], $0x80, $0x38;
	[tilespmem:$0x1C800] =	vst v63  }
0x2ae: {  	s13 =	sadd.s32 $0x380, s17;
	s22 =	simm.s32 $0x1A580  }
0x2af: {  	[hbm4b:s13+s1] =	stream.linear.scatter [tilespmem:s22], [sflag:$0x7], $0x80, $0x38;
	[tilespmem:$0x1C800] =	vst v63  }
0x2b0: {  	s28 =	sadd.s32 $0x3C0, s17;
	s30 =	simm.s32 $0x1A780  }
0x2b1: {  	[hbm4b:s28+s1] =	stream.linear.scatter [tilespmem:s30], [sflag:$0x7], $0x80, $0x38;
	[tilespmem:$0x1C800] =	vst v63  }
0x2b2: {  	s8 =	simm.s32 $0x1A800  }
0x2b3: {  	[hbm4b:s18+s1] =	stream.linear.scatter [tilespmem:s8], [sflag:$0x7], $0x80, $0x38;
	[tilespmem:$0x1C800] =	vst v63  }
0x2b4: {  	s9 =	sadd.s32 $0x40, s18;
	s10 =	simm.s32 $0x1AA00  }
0x2b5: {  	[hbm4b:s9+s1] =	stream.linear.scatter [tilespmem:s10], [sflag:$0x7], $0x80, $0x38;
	[tilespmem:$0x1C800] =	vst v63  }
0x2b6: {  	s11 =	sadd.s32 $0x80, s18;
	s12 =	simm.s32 $0x1AC00  }
0x2b7: {  	[hbm4b:s11+s1] =	stream.linear.scatter [tilespmem:s12], [sflag:$0x7], $0x80, $0x38;
	[tilespmem:$0x1C800] =	vst v63  }
0x2b8: {  	s13 =	sadd.s32 $0xC0, s18;
	s22 =	simm.s32 $0x1AE00  }
0x2b9: {  	[hbm4b:s13+s1] =	stream.linear.scatter [tilespmem:s22], [sflag:$0x7], $0x80, $0x38;
	[tilespmem:$0x1C800] =	vst v63  }
0x2ba: {  	s28 =	sadd.s32 $0x100, s18;
	s30 =	simm.s32 $0x1B000  }
0x2bb: {  	[hbm4b:s28+s1] =	stream.linear.scatter [tilespmem:s30], [sflag:$0x7], $0x80, $0x38;
	[tilespmem:$0x1C800] =	vst v63  }
0x2bc: {  	s9 =	sadd.s32 $0x140, s18;
	s10 =	simm.s32 $0x1B200  }
0x2bd: {  	[hbm4b:s9+s1] =	stream.linear.scatter [tilespmem:s10], [sflag:$0x7], $0x80, $0x38;
	[tilespmem:$0x1C800] =	vst v63  }
0x2be: {  	s11 =	sadd.s32 $0x180, s18;
	s12 =	simm.s32 $0x1B400  }
0x2bf: {  	[hbm4b:s11+s1] =	stream.linear.scatter [tilespmem:s12], [sflag:$0x7], $0x80, $0x38;
	[tilespmem:$0x1C800] =	vst v63  }
0x2c0: {  	s13 =	sadd.s32 $0x1C0, s18;
	s22 =	simm.s32 $0x1B600  }
0x2c1: {  	[hbm4b:s13+s1] =	stream.linear.scatter [tilespmem:s22], [sflag:$0x7], $0x80, $0x38;
	[tilespmem:$0x1C800] =	vst v63  }
0x2c2: {  	s28 =	sadd.s32 $0x200, s18;
	s30 =	simm.s32 $0x1B800  }
0x2c3: {  	[hbm4b:s28+s1] =	stream.linear.scatter [tilespmem:s30], [sflag:$0x7], $0x80, $0x38;
	[tilespmem:$0x1C800] =	vst v63  }
0x2c4: {  	s9 =	sadd.s32 $0x240, s18;
	s10 =	simm.s32 $0x1BA00  }
0x2c5: {  	[hbm4b:s9+s1] =	stream.linear.scatter [tilespmem:s10], [sflag:$0x7], $0x80, $0x38;
	[tilespmem:$0x1C800] =	vst v63  }
0x2c6: {  	s11 =	sadd.s32 $0x280, s18;
	s12 =	simm.s32 $0x1BC00  }
0x2c7: {  	[hbm4b:s11+s1] =	stream.linear.scatter [tilespmem:s12], [sflag:$0x7], $0x80, $0x38;
	[tilespmem:$0x1C800] =	vst v63  }
0x2c8: {  	s13 =	sadd.s32 $0x2C0, s18;
	s22 =	simm.s32 $0x1BE00  }
0x2c9: {  	[hbm4b:s13+s1] =	stream.linear.scatter [tilespmem:s22], [sflag:$0x7], $0x80, $0x38;
	[tilespmem:$0x1C800] =	vst v63  }
0x2ca: {  	s28 =	sadd.s32 $0x300, s18;
	s30 =	simm.s32 $0x1C000  }
0x2cb: {  	[hbm4b:s28+s1] =	stream.linear.scatter [tilespmem:s30], [sflag:$0x7], $0x80, $0x38;
	[tilespmem:$0x1C800] =	vst v63  }
0x2cc: {  	s8 =	sadd.s32 $0x340, s18;
	s9 =	simm.s32 $0x1C200  }
0x2cd: {  	[hbm4b:s8+s1] =	stream.linear.scatter [tilespmem:s9], [sflag:$0x7], $0x80, $0x38;
	[tilespmem:$0x1C800] =	vst v63  }
0x2ce: {  	s10 =	sadd.s32 $0x380, s18;
	s11 =	simm.s32 $0x1C400  }
0x2cf: {  	[hbm4b:s10+s1] =	stream.linear.scatter [tilespmem:s11], [sflag:$0x7], $0x80, $0x38;
	[tilespmem:$0x1C800] =	vst v63  }
0x2d0: {  	s12 =	sadd.s32 $0x3C0, s18;
	s13 =	simm.s32 $0x1C600  }
0x2d1: {  	[hbm4b:s12+s1] =	stream.linear.scatter [tilespmem:s13], [sflag:$0x7], $0x80, $0x38;
	[tilespmem:$0x1C800] =	vst v63  }
0x2d2: {  	s22 =	simm.s32 $0x1A880  }
0x2d3: {  	[hbm4b:s19+s1] =	stream.linear.scatter [tilespmem:s22], [sflag:$0x7], $0x80, $0x38;
	[tilespmem:$0x1C800] =	vst v63  }
0x2d4: {  	s28 =	sadd.s32 $0x40, s19;
	s30 =	simm.s32 $0x1AA80  }
0x2d5: {  	[hbm4b:s28+s1] =	stream.linear.scatter [tilespmem:s30], [sflag:$0x7], $0x80, $0x38;
	[tilespmem:$0x1C800] =	vst v63  }
0x2d6: {  	s9 =	sadd.s32 $0x80, s19;
	s10 =	simm.s32 $0x1AC80  }
0x2d7: {  	[hbm4b:s9+s1] =	stream.linear.scatter [tilespmem:s10], [sflag:$0x7], $0x80, $0x38;
	[tilespmem:$0x1C800] =	vst v63  }
0x2d8: {  	s11 =	sadd.s32 $0xC0, s19;
	s12 =	simm.s32 $0x1AE80  }
0x2d9: {  	[hbm4b:s11+s1] =	stream.linear.scatter [tilespmem:s12], [sflag:$0x7], $0x80, $0x38;
	[tilespmem:$0x1C800] =	vst v63  }
0x2da: {  	s13 =	sadd.s32 $0x100, s19;
	s22 =	simm.s32 $0x1B080  }
0x2db: {  	[hbm4b:s13+s1] =	stream.linear.scatter [tilespmem:s22], [sflag:$0x7], $0x80, $0x38;
	[tilespmem:$0x1C800] =	vst v63  }
0x2dc: {  	s28 =	sadd.s32 $0x140, s19;
	s30 =	simm.s32 $0x1B280  }
0x2dd: {  	[hbm4b:s28+s1] =	stream.linear.scatter [tilespmem:s30], [sflag:$0x7], $0x80, $0x38;
	[tilespmem:$0x1C800] =	vst v63  }
0x2de: {  	s9 =	sadd.s32 $0x180, s19;
	s10 =	simm.s32 $0x1B480  }
0x2df: {  	[hbm4b:s9+s1] =	stream.linear.scatter [tilespmem:s10], [sflag:$0x7], $0x80, $0x38;
	[tilespmem:$0x1C800] =	vst v63  }
0x2e0: {  	s11 =	sadd.s32 $0x1C0, s19;
	s12 =	simm.s32 $0x1B680  }
0x2e1: {  	[hbm4b:s11+s1] =	stream.linear.scatter [tilespmem:s12], [sflag:$0x7], $0x80, $0x38;
	[tilespmem:$0x1C800] =	vst v63  }
0x2e2: {  	s13 =	sadd.s32 $0x200, s19;
	s22 =	simm.s32 $0x1B880  }
0x2e3: {  	[hbm4b:s13+s1] =	stream.linear.scatter [tilespmem:s22], [sflag:$0x7], $0x80, $0x38;
	[tilespmem:$0x1C800] =	vst v63  }
0x2e4: {  	s28 =	sadd.s32 $0x240, s19;
	s30 =	simm.s32 $0x1BA80  }
0x2e5: {  	[hbm4b:s28+s1] =	stream.linear.scatter [tilespmem:s30], [sflag:$0x7], $0x80, $0x38;
	[tilespmem:$0x1C800] =	vst v63  }
0x2e6: {  	s9 =	sadd.s32 $0x280, s19;
	s10 =	simm.s32 $0x1BC80  }
0x2e7: {  	[hbm4b:s9+s1] =	stream.linear.scatter [tilespmem:s10], [sflag:$0x7], $0x80, $0x38;
	[tilespmem:$0x1C800] =	vst v63  }
0x2e8: {  	s11 =	sadd.s32 $0x2C0, s19;
	s12 =	simm.s32 $0x1BE80  }
0x2e9: {  	[hbm4b:s11+s1] =	stream.linear.scatter [tilespmem:s12], [sflag:$0x7], $0x80, $0x38;
	[tilespmem:$0x1C800] =	vst v63  }
0x2ea: {  	s13 =	sadd.s32 $0x300, s19;
	s22 =	simm.s32 $0x1C080  }
0x2eb: {  	[hbm4b:s13+s1] =	stream.linear.scatter [tilespmem:s22], [sflag:$0x7], $0x80, $0x38;
	[tilespmem:$0x1C800] =	vst v63  }
0x2ec: {  	s28 =	sadd.s32 $0x340, s19;
	s30 =	simm.s32 $0x1C280  }
0x2ed: {  	[hbm4b:s28+s1] =	stream.linear.scatter [tilespmem:s30], [sflag:$0x7], $0x80, $0x38;
	[tilespmem:$0x1C800] =	vst v63  }
0x2ee: {  	s8 =	sadd.s32 $0x380, s19;
	s9 =	simm.s32 $0x1C480  }
0x2ef: {  	[hbm4b:s8+s1] =	stream.linear.scatter [tilespmem:s9], [sflag:$0x7], $0x80, $0x38;
	[tilespmem:$0x1C800] =	vst v63  }
0x2f0: {  	s10 =	sadd.s32 $0x3C0, s19;
	s11 =	simm.s32 $0x1C680  }
0x2f1: {  	[hbm4b:s10+s1] =	stream.linear.scatter [tilespmem:s11], [sflag:$0x7], $0x80, $0x38;
	[tilespmem:$0x1C800] =	vst v63  }
0x2f2: {  	s12 =	simm.s32 $0x1A900  }
0x2f3: {  	[hbm4b:s20+s1] =	stream.linear.scatter [tilespmem:s12], [sflag:$0x7], $0x80, $0x38;
	[tilespmem:$0x1C800] =	vst v63  }
0x2f4: {  	s13 =	sadd.s32 $0x40, s20;
	s22 =	simm.s32 $0x1AB00  }
0x2f5: {  	[hbm4b:s13+s1] =	stream.linear.scatter [tilespmem:s22], [sflag:$0x7], $0x80, $0x38;
	[tilespmem:$0x1C800] =	vst v63  }
0x2f6: {  	s28 =	sadd.s32 $0x80, s20;
	s30 =	simm.s32 $0x1AD00  }
0x2f7: {  	[hbm4b:s28+s1] =	stream.linear.scatter [tilespmem:s30], [sflag:$0x7], $0x80, $0x38;
	[tilespmem:$0x1C800] =	vst v63  }
0x2f8: {  	s9 =	sadd.s32 $0xC0, s20;
	s10 =	simm.s32 $0x1AF00  }
0x2f9: {  	[hbm4b:s9+s1] =	stream.linear.scatter [tilespmem:s10], [sflag:$0x7], $0x80, $0x38;
	[tilespmem:$0x1C800] =	vst v63  }
0x2fa: {  	s11 =	sadd.s32 $0x100, s20;
	s12 =	simm.s32 $0x1B100  }
0x2fb: {  	[hbm4b:s11+s1] =	stream.linear.scatter [tilespmem:s12], [sflag:$0x7], $0x80, $0x38;
	[tilespmem:$0x1C800] =	vst v63  }
0x2fc: {  	s13 =	sadd.s32 $0x140, s20;
	s22 =	simm.s32 $0x1B300  }
0x2fd: {  	[hbm4b:s13+s1] =	stream.linear.scatter [tilespmem:s22], [sflag:$0x7], $0x80, $0x38;
	[tilespmem:$0x1C800] =	vst v63  }
0x2fe: {  	s28 =	sadd.s32 $0x180, s20;
	s30 =	simm.s32 $0x1B500  }
0x2ff: {  	[hbm4b:s28+s1] =	stream.linear.scatter [tilespmem:s30], [sflag:$0x7], $0x80, $0x38;
	[tilespmem:$0x1C800] =	vst v63  }
0x300: {  	s9 =	sadd.s32 $0x1C0, s20;
	s10 =	simm.s32 $0x1B700  }
0x301: {  	[hbm4b:s9+s1] =	stream.linear.scatter [tilespmem:s10], [sflag:$0x7], $0x80, $0x38;
	[tilespmem:$0x1C800] =	vst v63  }
0x302: {  	s11 =	sadd.s32 $0x200, s20;
	s12 =	simm.s32 $0x1B900  }
0x303: {  	[hbm4b:s11+s1] =	stream.linear.scatter [tilespmem:s12], [sflag:$0x7], $0x80, $0x38;
	[tilespmem:$0x1C800] =	vst v63  }
0x304: {  	s13 =	sadd.s32 $0x240, s20;
	s22 =	simm.s32 $0x1BB00  }
0x305: {  	[hbm4b:s13+s1] =	stream.linear.scatter [tilespmem:s22], [sflag:$0x7], $0x80, $0x38;
	[tilespmem:$0x1C800] =	vst v63  }
0x306: {  	s28 =	sadd.s32 $0x280, s20;
	s30 =	simm.s32 $0x1BD00  }
0x307: {  	[hbm4b:s28+s1] =	stream.linear.scatter [tilespmem:s30], [sflag:$0x7], $0x80, $0x38;
	[tilespmem:$0x1C800] =	vst v63  }
0x308: {  	s9 =	sadd.s32 $0x2C0, s20;
	s10 =	simm.s32 $0x1BF00  }
0x309: {  	[hbm4b:s9+s1] =	stream.linear.scatter [tilespmem:s10], [sflag:$0x7], $0x80, $0x38;
	[tilespmem:$0x1C800] =	vst v63  }
0x30a: {  	s11 =	sadd.s32 $0x300, s20;
	s12 =	simm.s32 $0x1C100  }
0x30b: {  	[hbm4b:s11+s1] =	stream.linear.scatter [tilespmem:s12], [sflag:$0x7], $0x80, $0x38;
	[tilespmem:$0x1C800] =	vst v63  }
0x30c: {  	s13 =	sadd.s32 $0x340, s20;
	s22 =	simm.s32 $0x1C300  }
0x30d: {  	[hbm4b:s13+s1] =	stream.linear.scatter [tilespmem:s22], [sflag:$0x7], $0x80, $0x38;
	[tilespmem:$0x1C800] =	vst v63  }
0x30e: {  	s28 =	sadd.s32 $0x380, s20;
	s30 =	simm.s32 $0x1C500  }
0x30f: {  	[hbm4b:s28+s1] =	stream.linear.scatter [tilespmem:s30], [sflag:$0x7], $0x80, $0x38;
	[tilespmem:$0x1C800] =	vst v63  }
0x310: {  	s8 =	sadd.s32 $0x3C0, s20;
	s9 =	simm.s32 $0x1C700  }
0x311: {  	[hbm4b:s8+s1] =	stream.linear.scatter [tilespmem:s9], [sflag:$0x7], $0x80, $0x38;
	[tilespmem:$0x1C800] =	vst v63  }
0x312: {  	s10 =	simm.s32 $0x1A980  }
0x313: {  	[hbm4b:s21+s1] =	stream.linear.scatter [tilespmem:s10], [sflag:$0x7], $0x80, $0x38;
	[tilespmem:$0x1C800] =	vst v63  }
0x314: {  	s11 =	sadd.s32 $0x40, s21;
	s12 =	simm.s32 $0x1AB80  }
0x315: {  	[hbm4b:s11+s1] =	stream.linear.scatter [tilespmem:s12], [sflag:$0x7], $0x80, $0x38;
	[tilespmem:$0x1C800] =	vst v63  }
0x316: {  	s13 =	sadd.s32 $0x80, s21;
	s22 =	simm.s32 $0x1AD80  }
0x317: {  	[hbm4b:s13+s1] =	stream.linear.scatter [tilespmem:s22], [sflag:$0x7], $0x80, $0x38;
	[tilespmem:$0x1C800] =	vst v63  }
0x318: {  	s28 =	sadd.s32 $0xC0, s21;
	s30 =	simm.s32 $0x1AF80  }
0x319: {  	[hbm4b:s28+s1] =	stream.linear.scatter [tilespmem:s30], [sflag:$0x7], $0x80, $0x38;
	[tilespmem:$0x1C800] =	vst v63  }
0x31a: {  	s9 =	sadd.s32 $0x100, s21;
	s10 =	simm.s32 $0x1B180  }
0x31b: {  	[hbm4b:s9+s1] =	stream.linear.scatter [tilespmem:s10], [sflag:$0x7], $0x80, $0x38;
	[tilespmem:$0x1C800] =	vst v63  }
0x31c: {  	s11 =	sadd.s32 $0x140, s21;
	s12 =	simm.s32 $0x1B380  }
0x31d: {  	[hbm4b:s11+s1] =	stream.linear.scatter [tilespmem:s12], [sflag:$0x7], $0x80, $0x38;
	[tilespmem:$0x1C800] =	vst v63  }
0x31e: {  	s13 =	sadd.s32 $0x180, s21;
	s22 =	simm.s32 $0x1B580  }
0x31f: {  	[hbm4b:s13+s1] =	stream.linear.scatter [tilespmem:s22], [sflag:$0x7], $0x80, $0x38;
	[tilespmem:$0x1C800] =	vst v63  }
0x320: {  	s28 =	sadd.s32 $0x1C0, s21;
	s30 =	simm.s32 $0x1B780  }
0x321: {  	[hbm4b:s28+s1] =	stream.linear.scatter [tilespmem:s30], [sflag:$0x7], $0x80, $0x38;
	[tilespmem:$0x1C800] =	vst v63  }
0x322: {  	s9 =	sadd.s32 $0x200, s21;
	s10 =	simm.s32 $0x1B980  }
0x323: {  	[hbm4b:s9+s1] =	stream.linear.scatter [tilespmem:s10], [sflag:$0x7], $0x80, $0x38;
	[tilespmem:$0x1C800] =	vst v63  }
0x324: {  	s11 =	sadd.s32 $0x240, s21;
	s12 =	simm.s32 $0x1BB80  }
0x325: {  	[hbm4b:s11+s1] =	stream.linear.scatter [tilespmem:s12], [sflag:$0x7], $0x80, $0x38;
	[tilespmem:$0x1C800] =	vst v63  }
0x326: {  	s13 =	sadd.s32 $0x280, s21;
	s22 =	simm.s32 $0x1BD80  }
0x327: {  	[hbm4b:s13+s1] =	stream.linear.scatter [tilespmem:s22], [sflag:$0x7], $0x80, $0x38;
	[tilespmem:$0x1C800] =	vst v63  }
0x328: {  	s28 =	sadd.s32 $0x2C0, s21;
	s30 =	simm.s32 $0x1BF80  }
0x329: {  	[hbm4b:s28+s1] =	stream.linear.scatter [tilespmem:s30], [sflag:$0x7], $0x80, $0x38;
	[tilespmem:$0x1C800] =	vst v63  }
0x32a: {  	s8 =	sadd.s32 $0x300, s21;
	s9 =	simm.s32 $0x1C180  }
0x32b: {  	[hbm4b:s8+s1] =	stream.linear.scatter [tilespmem:s9], [sflag:$0x7], $0x80, $0x38;
	[tilespmem:$0x1C800] =	vst v63  }
0x32c: {  	s10 =	sadd.s32 $0x340, s21;
	s11 =	simm.s32 $0x1C380  }
0x32d: {  	[hbm4b:s10+s1] =	stream.linear.scatter [tilespmem:s11], [sflag:$0x7], $0x80, $0x38;
	[tilespmem:$0x1C800] =	vst v63  }
0x32e: {  	s12 =	sadd.s32 $0x380, s21;
	s13 =	simm.s32 $0x1C580  }
0x32f: {  	[hbm4b:s12+s1] =	stream.linear.scatter [tilespmem:s13], [sflag:$0x7], $0x80, $0x38;
	[tilespmem:$0x1C800] =	vst v63  }
0x330: {  	s22 =	sadd.s32 $0x3C0, s21;
	s28 =	simm.s32 $0x1C780  }
0x331: {  	[hbm4b:s22+s1] =	stream.linear.scatter [tilespmem:s28], [sflag:$0x7], $0x80, $0x38;
	[tilespmem:$0x1C800] =	vst v63  }
0x332: {  	_ =	swait.ge [sflag:s5], $0x800  }
0x333: {  	[sflag:s5] =	ssyncset.done $0x0  }
0x334: {  	[sflag:s5] =	ssyncadd.s32 $0xFFFFF800  }
0x335: {  	_ =	swait.ge [sflag:s5], $0x800  }
0x336: {  	[sflag:s5] =	ssyncset.done $0x0  }
0x337: {  	[sflag:s5] =	ssyncadd.s32 $0xFFFFF800  }
0x338: {  	_ =	swait.ge [sflag:s5], $0x800  }
0x339: {  	[sflag:s5] =	ssyncset.done $0x0  }
0x33a: {  	[sflag:s5] =	ssyncadd.s32 $0xFFFFF800  }
0x33b: {  	_ =	swait.ge [sflag:s5], $0x800  }
0x33c: {  	[sflag:s5] =	ssyncset.done $0x0  }
0x33d: {  	[sflag:s5] =	ssyncadd.s32 $0xFFFFF800  }
0x33e: {  	_ =	swait.ge [sflag:s5], $0x800  }
0x33f: {  	[sflag:s5] =	ssyncset.done $0x0  }
0x340: {  	[sflag:s5] =	ssyncadd.s32 $0xFFFFF800  }
0x341: {  	_ =	swait.ge [sflag:s5], $0x800  }
0x342: {  	[sflag:s5] =	ssyncset.done $0x0  }
0x343: {  	[sflag:s5] =	ssyncadd.s32 $0xFFFFF800  }
0x344: {  	_ =	swait.ge [sflag:s5], $0x800  }
0x345: {  	[sflag:s5] =	ssyncset.done $0x0  }
0x346: {  	[sflag:s5] =	ssyncadd.s32 $0xFFFFF800  }
0x347: {  	_ =	swait.ge [sflag:s5], $0x800  }
0x348: {  	s30 =	sld [smem:$0x7FD];
	_ =	sdelay $0x1  }
0x349: {  	s6 =	sadd.s32 $0x1, s6  }
0x34a: {  	p0 =	sne.s32 s6, s30  }
.Ltmp3:
0x34b: {  	_ = 	snop;
	(pc) =	sbr.rel @p0 .LBB2_1-.Ltmp3, $3  }
0x34c: {  	_ =	sdelay $0x1  }
0x34d: {  	[sflag:s5] =	ssyncset.done $0x0  }
0x34e: {  	[sflag:s5] =	ssyncadd.s32 $0xFFFFF800  }
0x34f: {  	_ =	sfence.sel $0x180000  }
0x350: {  	[bflag:$0x0] =	sbarrier.arrive $0xFFFF  }
0x351: {  	_ =	strace $0x90000047  }
0x352: {  	s0 =	stileid.u32;
	[bflag:$0x2] =	sbarrier.arrive $0xFFFF  }
0x353: {  	p0 =	sne.s32 s0, $0x0;
	s0 =	rddreg [dreg:$0x2]  }
0x354: {  	s0 =	sadd.s32 @!p0 $0x100000, s0  }
0x355: {  	[sflag:s0] =	ssyncadd.tile.s32 @!p0 $0x1;
	_ =	shalt  }
.Lfunc_end2:
_tile_overlayer_lowered:
.L_overlay_start_2:
0x356: {  	(tag) =	ssettag $0x2  }
0x357: {  	s0 =	rddreg [dreg:$0x0];
	s2 =	stileid.u32  }
0x358: {  	s1 =	rddreg [dreg:$0x1];
	p0 =	sne.s32 s2, $0x0  }
0x359: {  	s3 =	rddreg [dreg:$0x2];
	[bflag:$0x3] =	sbarrier.arrive $0xFFFF;
	s2 =	simm.s32 @!p0 $0x1C08  }
0x35a: {  	[timem:s3], [sflag:s2] =	dma.local @!p0 [hbm:s0], s1  }
0x35b: {  	s0 =	simm.s32 @!p0 $0x8  }
0x35c: {  	_ =	swait.ge @!p0 [sflag:s0], s1  }
0x35d: {  	s1 =	ssub.s32 @!p0 $0x0, s1;
	[sflag:s0] =	ssyncset.done @!p0 $0x0  }
0x35e: {  	[sflag:s0] =	ssyncadd.s32 @!p0 s1  }
0x35f: {  	[bflag:$0x3] =	sbarrier.arrive $0xFFFF  }
0x360: {  	_ =	shalt  }

</sc_bundles>
